<compile_context>
chip_gen: v7x
topology: tpu7x:2x2x1
jax: 0.10.2.dev20260603
libtpu: 0.0.44.dev20260713+nightly
codegen_flags: <defaults>
</compile_context>

<pallas_src>
import functools

import jax
import jax.numpy as jnp
from jax import lax
from jax.experimental import pallas as pl
from jax.experimental.pallas import tpu as pltpu
from jax.experimental.pallas import tpu_sc as plsc

D_MODEL = 1024
SCALE = 32.0

_NC = 2
_NS = 16
_NW = _NC * _NS

_ROWS = 4
_COLS = 4096
_B = _ROWS * _COLS
_BPW = _B // _NW
_C = 16
_NCHUNK = _BPW // _C
_NBUF = 7
_LANES = 16
_SLICES_PER_ROW = D_MODEL // _LANES


def _emb_body(x_hbm, table_hbm, out_hbm, idx_v, rows_v, gsem, ssem):
    wid = lax.axis_index("s") * _NC + lax.axis_index("c")
    xrow = wid // (_COLS // _BPW)
    xcol = (wid % (_COLS // _BPW)) * _BPW

    pltpu.sync_copy(x_hbm.at[xrow, pl.ds(xcol, _BPW)], idx_v)

    def start_gather(c, b):
        pltpu.async_copy(
            table_hbm.at[idx_v.at[pl.ds(c * _C, _C)]], rows_v.at[b],
            gsem.at[b])

    def wait_gather(b):
        pltpu.make_async_copy(
            table_hbm.at[idx_v.at[pl.ds(0, _C)]], rows_v.at[b],
            gsem.at[b]).wait()

    def start_scatter(c, b):
        pltpu.async_copy(
            rows_v.at[b], out_hbm.at[xrow, pl.ds(xcol + c * _C, _C)],
            ssem.at[b])

    def wait_scatter(b):
        pltpu.make_async_copy(
            rows_v.at[b], out_hbm.at[0, pl.ds(0, _C)], ssem.at[b]).wait()

    def scale_chunk(b):
        @plsc.parallel_loop(0, _C, 1, unroll=1)
        def _scale_rows(r):
            for j in range(_SLICES_PER_ROW):
                sl = pl.ds(j * _LANES, _LANES)
                rows_v[b, r, sl] = rows_v[b, r, sl] * SCALE

    for c in range(_NBUF - 1):
        start_gather(c, c)

    def chunk_body(c, carry):
        b = lax.rem(c, _NBUF)
        wait_gather(b)
        scale_chunk(b)
        start_scatter(c, b)
        nc = c + _NBUF - 1
        @pl.when(nc < _NCHUNK)
        def _():
            nb = lax.rem(nc, _NBUF)
            @pl.when(nc >= _NBUF)
            def _():
                wait_scatter(nb)
            start_gather(nc, nb)
        return carry

    lax.fori_loop(0, _NCHUNK, chunk_body, 0)

    def drain_body(c, carry):
        wait_scatter(lax.rem(c, _NBUF))
        return carry

    lax.fori_loop(_NCHUNK - _NBUF, _NCHUNK, drain_body, 0)


@jax.jit
def kernel(x, table):
    mesh = plsc.VectorSubcoreMesh(core_axis_name="c", subcore_axis_name="s")
    run = functools.partial(
        pl.kernel,
        mesh=mesh,
        out_type=jax.ShapeDtypeStruct((_ROWS, _COLS, D_MODEL), jnp.float32),
        scratch_types=[
            pltpu.VMEM((_BPW,), jnp.int32),
            pltpu.VMEM((_NBUF, _C, D_MODEL), jnp.float32),
            pltpu.SemaphoreType.DMA((_NBUF,)),
            pltpu.SemaphoreType.DMA((_NBUF,)),
        ],
        compiler_params=pltpu.CompilerParams(
            disable_bounds_checks=True,
            disable_semaphore_checks=True,
            skip_device_barrier=True,
        ),
    )(_emb_body)
    return run(x, table)

# --- scband reference (transcript-rebuilt; emitter-appended) ---
"""Pipeline reference for scband-input-embedding-64931315581272 (READ-ONLY COPY).

The authoritative reference and input builder live on the scoring server;
editing this copy changes nothing except your own understanding.
"""

import jax, jax.numpy as jnp
import numpy as np

D_MODEL = 1024
VOCAB_SIZE = 100000

def setup_inputs(seed: int = 0) -> dict:
    key = jax.random.key(seed)
    k_idx, k_tab = jax.random.split(key)
    x = jax.random.randint(k_idx, (4, 4096), 0, VOCAB_SIZE, dtype=jnp.int64 if jax.config.jax_enable_x64 else jnp.int32)
    table = jax.random.normal(k_tab, (VOCAB_SIZE, D_MODEL), dtype=jnp.float32)
    return {"x": x, "table": table}

def reference(x, table):
    # nn.Embedding lookup; standard transformer InputEmbedding scales by sqrt(d_model)
    emb = jnp.take(table, x, axis=0)
    return emb * jnp.sqrt(jnp.float32(D_MODEL))

if __name__ == "__main__":
    import jax
    _d = setup_inputs()
    print(jax.jit(kernel)(*tuple(_d.values())))

</pallas_src>

<mosaic_0001>
#map = affine_map<(d0, d1) -> (0, 0)>
#map1 = affine_map<(d0, d1) -> (0, 0, 0)>
module attributes {stable_mosaic.version = 14 : i64} {
  func.func @_emb_body(%arg0: i32, %arg1: i32, %arg2: memref<4x4096xi32, #tpu.memory_space<hbm>>, %arg3: memref<100000x1024xf32, #tpu.memory_space<hbm>>, %arg4: memref<4x4096x1024xf32, #tpu.memory_space<hbm>>, %arg5: memref<512xi32, #tpu.memory_space<vmem>>, %arg6: memref<7x16x1024xf32, #tpu.memory_space<vmem>>, %arg7: memref<7x!tpu.dma_semaphore, #tpu.memory_space<semaphore_mem>>, %arg8: memref<7x!tpu.dma_semaphore, #tpu.memory_space<semaphore_mem>>) attributes {dimension_semantics = [#tpu.dimension_semantics<core_parallel>, #tpu.dimension_semantics<subcore_parallel>], iteration_bounds = array<i64: 2, 16>, scalar_prefetch = 0 : i64, scratch_operands = 4 : i64, tpu.core_type = #tpu.core_type<sc_vector_subcore>, window_params = [{transform_indices = #map}, {transform_indices = #map}, {transform_indices = #map1}]} {
    %mul3A = arith.constant 2 : i32
    %mul3A_0 = arith.muli %arg1, %mul3A : i32
    %add3A = arith.addi %mul3A_0, %arg0 : i32
    %jit3A = arith.constant 8 : i32
    %div3A = arith.divsi %add3A, %jit3A : i32
    %sign3A = arith.constant 0 : i32
    %sign3A_1 = arith.cmpi sgt, %add3A, %sign3A : i32
    %sign3A_2 = arith.extui %sign3A_1 : i1 to i32
    %sign3A_3 = arith.constant 0 : i32
    %sign3A_4 = arith.cmpi slt, %add3A, %sign3A_3 : i32
    %sign3A_5 = arith.extui %sign3A_4 : i1 to i32
    %sign3A_6 = arith.subi %sign3A_2, %sign3A_5 : i32
    %sign3A_7 = arith.constant 0 : i32
    %sign3A_8 = arith.cmpi sgt, %jit3A, %sign3A_7 : i32
    %sign3A_9 = arith.extui %sign3A_8 : i1 to i32
    %sign3A_10 = arith.constant 0 : i32
    %sign3A_11 = arith.cmpi slt, %jit3A, %sign3A_10 : i32
    %sign3A_12 = arith.extui %sign3A_11 : i1 to i32
    %sign3A_13 = arith.subi %sign3A_9, %sign3A_12 : i32
    %ne3A = arith.cmpi ne, %sign3A_6, %sign3A_13 : i32
    %rem3A = arith.remsi %add3A, %jit3A : i32
    %ne3A_14 = arith.constant 0 : i32
    %ne3A_15 = arith.cmpi ne, %rem3A, %ne3A_14 : i32
    %and3A = arith.andi %ne3A, %ne3A_15 : i1
    %sub3A = arith.constant 1 : i32
    %sub3A_16 = arith.subi %div3A, %sub3A : i32
    %select_n3A = arith.select %and3A, %sub3A_16, %div3A : i32
    %jit3A_17 = arith.constant 8 : i32
    %eq3A = arith.constant 0 : i32
    %eq3A_18 = arith.cmpi eq, %jit3A_17, %eq3A : i32
    %jit3A_19 = arith.constant 1 : i32
    %select_n3A_20 = arith.select %eq3A_18, %jit3A_19, %jit3A_17 : i32
    %rem3A_21 = arith.remsi %add3A, %select_n3A_20 : i32
    %ne3A_22 = arith.constant 0 : i32
    %ne3A_23 = arith.cmpi ne, %rem3A_21, %ne3A_22 : i32
    %lt3A = arith.constant 0 : i32
    %lt3A_24 = arith.cmpi slt, %rem3A_21, %lt3A : i32
    %lt3A_25 = arith.constant 0 : i32
    %lt3A_26 = arith.cmpi slt, %select_n3A_20, %lt3A_25 : i32
    %ne3A_27 = arith.xori %lt3A_24, %lt3A_26 : i1
    %and3A_28 = arith.andi %ne3A_27, %ne3A_23 : i1
    %add3A_29 = arith.addi %rem3A_21, %select_n3A_20 : i32
    %select_n3A_30 = arith.select %and3A_28, %add3A_29, %rem3A_21 : i32
    %mul3A_31 = arith.constant 512 : i32
    %mul3A_32 = arith.muli %select_n3A_30, %mul3A_31 : i32
    "tpu.region"() ({
      %run_scoped3A = tpu.sem_alloc : memref<!tpu.dma_semaphore, #tpu.memory_space<semaphore_mem>>
      %dma_start3A_121 = tpu.memref_slice %arg2[%select_n3A, %mul3A_32] : memref<4x4096xi32, #tpu.memory_space<hbm>> -> memref<1x512xi32, #tpu.memory_space<hbm>>
      %dma_start3A_122 = tpu.memref_squeeze %dma_start3A_121 : memref<1x512xi32, #tpu.memory_space<hbm>> -> memref<512xi32, #tpu.memory_space<hbm>>
      %dma_start3A_123 = tpu.memref_slice %arg2[%select_n3A, %mul3A_32] : memref<4x4096xi32, #tpu.memory_space<hbm>> -> memref<1x512xi32, #tpu.memory_space<hbm>>
      %dma_start3A_124 = tpu.memref_squeeze %dma_start3A_123 : memref<1x512xi32, #tpu.memory_space<hbm>> -> memref<512xi32, #tpu.memory_space<hbm>>
      tpu.enqueue_dma source(%dma_start3A_124 : memref<512xi32, #tpu.memory_space<hbm>>) target(%arg5 : memref<512xi32, #tpu.memory_space<vmem>>) target_semaphore(%run_scoped3A : memref<!tpu.dma_semaphore, #tpu.memory_space<semaphore_mem>>)
      %dma_wait3A = tpu.memref_slice %arg2[%select_n3A, %mul3A_32] : memref<4x4096xi32, #tpu.memory_space<hbm>> -> memref<1x512xi32, #tpu.memory_space<hbm>>
      %dma_wait3A_125 = tpu.memref_squeeze %dma_wait3A : memref<1x512xi32, #tpu.memory_space<hbm>> -> memref<512xi32, #tpu.memory_space<hbm>>
      %dma_wait3A_126 = tpu.memref_slice %arg2[%select_n3A, %mul3A_32] : memref<4x4096xi32, #tpu.memory_space<hbm>> -> memref<1x512xi32, #tpu.memory_space<hbm>>
      %dma_wait3A_127 = tpu.memref_squeeze %dma_wait3A_126 : memref<1x512xi32, #tpu.memory_space<hbm>> -> memref<512xi32, #tpu.memory_space<hbm>>
      tpu.wait_dma2 semaphore(%run_scoped3A : memref<!tpu.dma_semaphore, #tpu.memory_space<semaphore_mem>>) src(%dma_wait3A_127 : memref<512xi32, #tpu.memory_space<hbm>>) dst(%arg5 : memref<512xi32, #tpu.memory_space<vmem>>)
      tpu.yield
    }) : () -> ()
    %dma_start3A = arith.constant 0 : i32
    %dma_start3A_33 = arith.constant 0 : i32
    %dma_start3A_34 = arith.constant 0 : i32
    %dma_start3A_35 = arith.constant 0 : i32
    %dma_start3A_36 = tpu.memref_slice %arg6[%dma_start3A, %dma_start3A_34, %dma_start3A_35] : memref<7x16x1024xf32, #tpu.memory_space<vmem>> -> memref<1x16x1024xf32, #tpu.memory_space<vmem>>
    %dma_start3A_37 = tpu.memref_squeeze %dma_start3A_36 : memref<1x16x1024xf32, #tpu.memory_space<vmem>> -> memref<16x1024xf32, #tpu.memory_space<vmem>>
    %dma_start3A_38 = arith.constant 0 : i32
    %dma_start3A_39 = tpu.memref_slice %arg5[%dma_start3A_38] : memref<512xi32, #tpu.memory_space<vmem>> -> memref<16xi32, #tpu.memory_space<vmem>>
    %dma_start3A_40 = arith.constant 0 : i32
    %dma_start3A_41 = arith.constant 0 : i32
    %dma_start3A_42 = tpu.memref_slice %arg3[%dma_start3A_40, %dma_start3A_41] : memref<100000x1024xf32, #tpu.memory_space<hbm>> -> memref<100000x1024xf32, #tpu.memory_space<hbm>>
    %dma_start3A_43 = tpu.memref_slice %arg7[%dma_start3A_33] : memref<7x!tpu.dma_semaphore, #tpu.memory_space<semaphore_mem>> -> memref<1x!tpu.dma_semaphore, #tpu.memory_space<semaphore_mem>>
    %dma_start3A_44 = tpu.memref_squeeze %dma_start3A_43 : memref<1x!tpu.dma_semaphore, #tpu.memory_space<semaphore_mem>> -> memref<!tpu.dma_semaphore, #tpu.memory_space<semaphore_mem>>
    tpu.enqueue_indirect_dma source(%dma_start3A_42 : memref<100000x1024xf32, #tpu.memory_space<hbm>>) target(%dma_start3A_37 : memref<16x1024xf32, #tpu.memory_space<vmem>>) offsets(%dma_start3A_39 : memref<16xi32, #tpu.memory_space<vmem>>) semaphore(%dma_start3A_44 : memref<!tpu.dma_semaphore, #tpu.memory_space<semaphore_mem>>)
    %dma_start3A_45 = arith.constant 1 : i32
    %dma_start3A_46 = arith.constant 1 : i32
    %dma_start3A_47 = arith.constant 0 : i32
    %dma_start3A_48 = arith.constant 0 : i32
    %dma_start3A_49 = tpu.memref_slice %arg6[%dma_start3A_45, %dma_start3A_47, %dma_start3A_48] : memref<7x16x1024xf32, #tpu.memory_space<vmem>> -> memref<1x16x1024xf32, #tpu.memory_space<vmem>>
    %dma_start3A_50 = tpu.memref_squeeze %dma_start3A_49 : memref<1x16x1024xf32, #tpu.memory_space<vmem>> -> memref<16x1024xf32, #tpu.memory_space<vmem>>
    %dma_start3A_51 = arith.constant 16 : i32
    %dma_start3A_52 = tpu.memref_slice %arg5[%dma_start3A_51] : memref<512xi32, #tpu.memory_space<vmem>> -> memref<16xi32, #tpu.memory_space<vmem>>
    %dma_start3A_53 = arith.constant 0 : i32
    %dma_start3A_54 = arith.constant 0 : i32
    %dma_start3A_55 = tpu.memref_slice %arg3[%dma_start3A_53, %dma_start3A_54] : memref<100000x1024xf32, #tpu.memory_space<hbm>> -> memref<100000x1024xf32, #tpu.memory_space<hbm>>
    %dma_start3A_56 = tpu.memref_slice %arg7[%dma_start3A_46] : memref<7x!tpu.dma_semaphore, #tpu.memory_space<semaphore_mem>> -> memref<1x!tpu.dma_semaphore, #tpu.memory_space<semaphore_mem>>
    %dma_start3A_57 = tpu.memref_squeeze %dma_start3A_56 : memref<1x!tpu.dma_semaphore, #tpu.memory_space<semaphore_mem>> -> memref<!tpu.dma_semaphore, #tpu.memory_space<semaphore_mem>>
    tpu.enqueue_indirect_dma source(%dma_start3A_55 : memref<100000x1024xf32, #tpu.memory_space<hbm>>) target(%dma_start3A_50 : memref<16x1024xf32, #tpu.memory_space<vmem>>) offsets(%dma_start3A_52 : memref<16xi32, #tpu.memory_space<vmem>>) semaphore(%dma_start3A_57 : memref<!tpu.dma_semaphore, #tpu.memory_space<semaphore_mem>>)
    %dma_start3A_58 = arith.constant 2 : i32
    %dma_start3A_59 = arith.constant 2 : i32
    %dma_start3A_60 = arith.constant 0 : i32
    %dma_start3A_61 = arith.constant 0 : i32
    %dma_start3A_62 = tpu.memref_slice %arg6[%dma_start3A_58, %dma_start3A_60, %dma_start3A_61] : memref<7x16x1024xf32, #tpu.memory_space<vmem>> -> memref<1x16x1024xf32, #tpu.memory_space<vmem>>
    %dma_start3A_63 = tpu.memref_squeeze %dma_start3A_62 : memref<1x16x1024xf32, #tpu.memory_space<vmem>> -> memref<16x1024xf32, #tpu.memory_space<vmem>>
    %dma_start3A_64 = arith.constant 32 : i32
    %dma_start3A_65 = tpu.memref_slice %arg5[%dma_start3A_64] : memref<512xi32, #tpu.memory_space<vmem>> -> memref<16xi32, #tpu.memory_space<vmem>>
    %dma_start3A_66 = arith.constant 0 : i32
    %dma_start3A_67 = arith.constant 0 : i32
    %dma_start3A_68 = tpu.memref_slice %arg3[%dma_start3A_66, %dma_start3A_67] : memref<100000x1024xf32, #tpu.memory_space<hbm>> -> memref<100000x1024xf32, #tpu.memory_space<hbm>>
    %dma_start3A_69 = tpu.memref_slice %arg7[%dma_start3A_59] : memref<7x!tpu.dma_semaphore, #tpu.memory_space<semaphore_mem>> -> memref<1x!tpu.dma_semaphore, #tpu.memory_space<semaphore_mem>>
    %dma_start3A_70 = tpu.memref_squeeze %dma_start3A_69 : memref<1x!tpu.dma_semaphore, #tpu.memory_space<semaphore_mem>> -> memref<!tpu.dma_semaphore, #tpu.memory_space<semaphore_mem>>
    tpu.enqueue_indirect_dma source(%dma_start3A_68 : memref<100000x1024xf32, #tpu.memory_space<hbm>>) target(%dma_start3A_63 : memref<16x1024xf32, #tpu.memory_space<vmem>>) offsets(%dma_start3A_65 : memref<16xi32, #tpu.memory_space<vmem>>) semaphore(%dma_start3A_70 : memref<!tpu.dma_semaphore, #tpu.memory_space<semaphore_mem>>)
    %dma_start3A_71 = arith.constant 3 : i32
    %dma_start3A_72 = arith.constant 3 : i32
    %dma_start3A_73 = arith.constant 0 : i32
    %dma_start3A_74 = arith.constant 0 : i32
    %dma_start3A_75 = tpu.memref_slice %arg6[%dma_start3A_71, %dma_start3A_73, %dma_start3A_74] : memref<7x16x1024xf32, #tpu.memory_space<vmem>> -> memref<1x16x1024xf32, #tpu.memory_space<vmem>>
    %dma_start3A_76 = tpu.memref_squeeze %dma_start3A_75 : memref<1x16x1024xf32, #tpu.memory_space<vmem>> -> memref<16x1024xf32, #tpu.memory_space<vmem>>
    %dma_start3A_77 = arith.constant 48 : i32
    %dma_start3A_78 = tpu.memref_slice %arg5[%dma_start3A_77] : memref<512xi32, #tpu.memory_space<vmem>> -> memref<16xi32, #tpu.memory_space<vmem>>
    %dma_start3A_79 = arith.constant 0 : i32
    %dma_start3A_80 = arith.constant 0 : i32
    %dma_start3A_81 = tpu.memref_slice %arg3[%dma_start3A_79, %dma_start3A_80] : memref<100000x1024xf32, #tpu.memory_space<hbm>> -> memref<100000x1024xf32, #tpu.memory_space<hbm>>
    %dma_start3A_82 = tpu.memref_slice %arg7[%dma_start3A_72] : memref<7x!tpu.dma_semaphore, #tpu.memory_space<semaphore_mem>> -> memref<1x!tpu.dma_semaphore, #tpu.memory_space<semaphore_mem>>
    %dma_start3A_83 = tpu.memref_squeeze %dma_start3A_82 : memref<1x!tpu.dma_semaphore, #tpu.memory_space<semaphore_mem>> -> memref<!tpu.dma_semaphore, #tpu.memory_space<semaphore_mem>>
    tpu.enqueue_indirect_dma source(%dma_start3A_81 : memref<100000x1024xf32, #tpu.memory_space<hbm>>) target(%dma_start3A_76 : memref<16x1024xf32, #tpu.memory_space<vmem>>) offsets(%dma_start3A_78 : memref<16xi32, #tpu.memory_space<vmem>>) semaphore(%dma_start3A_83 : memref<!tpu.dma_semaphore, #tpu.memory_space<semaphore_mem>>)
    %dma_start3A_84 = arith.constant 4 : i32
    %dma_start3A_85 = arith.constant 4 : i32
    %dma_start3A_86 = arith.constant 0 : i32
    %dma_start3A_87 = arith.constant 0 : i32
    %dma_start3A_88 = tpu.memref_slice %arg6[%dma_start3A_84, %dma_start3A_86, %dma_start3A_87] : memref<7x16x1024xf32, #tpu.memory_space<vmem>> -> memref<1x16x1024xf32, #tpu.memory_space<vmem>>
    %dma_start3A_89 = tpu.memref_squeeze %dma_start3A_88 : memref<1x16x1024xf32, #tpu.memory_space<vmem>> -> memref<16x1024xf32, #tpu.memory_space<vmem>>
    %dma_start3A_90 = arith.constant 64 : i32
    %dma_start3A_91 = tpu.memref_slice %arg5[%dma_start3A_90] : memref<512xi32, #tpu.memory_space<vmem>> -> memref<16xi32, #tpu.memory_space<vmem>>
    %dma_start3A_92 = arith.constant 0 : i32
    %dma_start3A_93 = arith.constant 0 : i32
    %dma_start3A_94 = tpu.memref_slice %arg3[%dma_start3A_92, %dma_start3A_93] : memref<100000x1024xf32, #tpu.memory_space<hbm>> -> memref<100000x1024xf32, #tpu.memory_space<hbm>>
    %dma_start3A_95 = tpu.memref_slice %arg7[%dma_start3A_85] : memref<7x!tpu.dma_semaphore, #tpu.memory_space<semaphore_mem>> -> memref<1x!tpu.dma_semaphore, #tpu.memory_space<semaphore_mem>>
    %dma_start3A_96 = tpu.memref_squeeze %dma_start3A_95 : memref<1x!tpu.dma_semaphore, #tpu.memory_space<semaphore_mem>> -> memref<!tpu.dma_semaphore, #tpu.memory_space<semaphore_mem>>
    tpu.enqueue_indirect_dma source(%dma_start3A_94 : memref<100000x1024xf32, #tpu.memory_space<hbm>>) target(%dma_start3A_89 : memref<16x1024xf32, #tpu.memory_space<vmem>>) offsets(%dma_start3A_91 : memref<16xi32, #tpu.memory_space<vmem>>) semaphore(%dma_start3A_96 : memref<!tpu.dma_semaphore, #tpu.memory_space<semaphore_mem>>)
    %dma_start3A_97 = arith.constant 5 : i32
    %dma_start3A_98 = arith.constant 5 : i32
    %dma_start3A_99 = arith.constant 0 : i32
    %dma_start3A_100 = arith.constant 0 : i32
    %dma_start3A_101 = tpu.memref_slice %arg6[%dma_start3A_97, %dma_start3A_99, %dma_start3A_100] : memref<7x16x1024xf32, #tpu.memory_space<vmem>> -> memref<1x16x1024xf32, #tpu.memory_space<vmem>>
    %dma_start3A_102 = tpu.memref_squeeze %dma_start3A_101 : memref<1x16x1024xf32, #tpu.memory_space<vmem>> -> memref<16x1024xf32, #tpu.memory_space<vmem>>
    %dma_start3A_103 = arith.constant 80 : i32
    %dma_start3A_104 = tpu.memref_slice %arg5[%dma_start3A_103] : memref<512xi32, #tpu.memory_space<vmem>> -> memref<16xi32, #tpu.memory_space<vmem>>
    %dma_start3A_105 = arith.constant 0 : i32
    %dma_start3A_106 = arith.constant 0 : i32
    %dma_start3A_107 = tpu.memref_slice %arg3[%dma_start3A_105, %dma_start3A_106] : memref<100000x1024xf32, #tpu.memory_space<hbm>> -> memref<100000x1024xf32, #tpu.memory_space<hbm>>
    %dma_start3A_108 = tpu.memref_slice %arg7[%dma_start3A_98] : memref<7x!tpu.dma_semaphore, #tpu.memory_space<semaphore_mem>> -> memref<1x!tpu.dma_semaphore, #tpu.memory_space<semaphore_mem>>
    %dma_start3A_109 = tpu.memref_squeeze %dma_start3A_108 : memref<1x!tpu.dma_semaphore, #tpu.memory_space<semaphore_mem>> -> memref<!tpu.dma_semaphore, #tpu.memory_space<semaphore_mem>>
    tpu.enqueue_indirect_dma source(%dma_start3A_107 : memref<100000x1024xf32, #tpu.memory_space<hbm>>) target(%dma_start3A_102 : memref<16x1024xf32, #tpu.memory_space<vmem>>) offsets(%dma_start3A_104 : memref<16xi32, #tpu.memory_space<vmem>>) semaphore(%dma_start3A_109 : memref<!tpu.dma_semaphore, #tpu.memory_space<semaphore_mem>>)
    %scan3A = arith.constant 0 : i32
    %scan3A_110 = arith.constant 0 : i32
    %scan3A_111 = arith.constant 32 : i32
    %scan3A_112 = arith.addi %scan3A_110, %scan3A_111 : i32
    %scan3A_113 = arith.constant 1 : i32
    scf.for %scan3A_121 = %scan3A_110 to %scan3A_112 step %scan3A_113  : i32 {
      %rem3A_122 = arith.constant 7 : i32
      %rem3A_123 = arith.remsi %scan3A_121, %rem3A_122 : i32
      %dma_wait3A = arith.constant 0 : i32
      %dma_wait3A_124 = arith.constant 0 : i32
      %dma_wait3A_125 = tpu.memref_slice %arg6[%rem3A_123, %dma_wait3A, %dma_wait3A_124] : memref<7x16x1024xf32, #tpu.memory_space<vmem>> -> memref<1x16x1024xf32, #tpu.memory_space<vmem>>
      %dma_wait3A_126 = tpu.memref_squeeze %dma_wait3A_125 : memref<1x16x1024xf32, #tpu.memory_space<vmem>> -> memref<16x1024xf32, #tpu.memory_space<vmem>>
      %dma_wait3A_127 = arith.constant 0 : i32
      %dma_wait3A_128 = tpu.memref_slice %arg5[%dma_wait3A_127] : memref<512xi32, #tpu.memory_space<vmem>> -> memref<16xi32, #tpu.memory_space<vmem>>
      %dma_wait3A_129 = arith.constant 0 : i32
      %dma_wait3A_130 = arith.constant 0 : i32
      %dma_wait3A_131 = tpu.memref_slice %arg3[%dma_wait3A_129, %dma_wait3A_130] : memref<100000x1024xf32, #tpu.memory_space<hbm>> -> memref<100000x1024xf32, #tpu.memory_space<hbm>>
      %dma_wait3A_132 = tpu.memref_slice %arg7[%rem3A_123] : memref<7x!tpu.dma_semaphore, #tpu.memory_space<semaphore_mem>> -> memref<1x!tpu.dma_semaphore, #tpu.memory_space<semaphore_mem>>
      %dma_wait3A_133 = tpu.memref_squeeze %dma_wait3A_132 : memref<1x!tpu.dma_semaphore, #tpu.memory_space<semaphore_mem>> -> memref<!tpu.dma_semaphore, #tpu.memory_space<semaphore_mem>>
      tpu.wait_indirect_dma semaphore(%dma_wait3A_133 : memref<!tpu.dma_semaphore, #tpu.memory_space<semaphore_mem>>) src(%dma_wait3A_131 : memref<100000x1024xf32, #tpu.memory_space<hbm>>) dst(%dma_wait3A_126 : memref<16x1024xf32, #tpu.memory_space<vmem>>)
      %parallel_loop3A = arith.constant 0 : i32
      %parallel_loop3A_134 = arith.constant 16 : i32
      %parallel_loop3A_135 = arith.constant 1 : i32
      scf.for %parallel_loop3A_162 = %parallel_loop3A to %parallel_loop3A_134 step %parallel_loop3A_135  : i32 {
        %parallel_loop3A_163 = arith.index_cast %rem3A_123 : i32 to index
        %parallel_loop3A_164 = arith.index_cast %parallel_loop3A_162 : i32 to index
        %parallel_loop3A_165 = arith.constant 0 : index
        %parallel_loop3A_166 = tpu.vector_load %arg6[%parallel_loop3A_163, %parallel_loop3A_164, %parallel_loop3A_165] {strides = array<i32>} : memref<7x16x1024xf32, #tpu.memory_space<vmem>>, vector<1x1x16xf32>,
        %parallel_loop3A_167 = vector.shape_cast %parallel_loop3A_166 : vector<1x1x16xf32> to vector<16xf32>
        %parallel_loop3A_168 = arith.constant 3.200000e+01 : f32
        %parallel_loop3A_169 = vector.broadcast %parallel_loop3A_168 : f32 to vector<16xf32>
        %parallel_loop3A_170 = arith.mulf %parallel_loop3A_167, %parallel_loop3A_169 : vector<16xf32>
        %parallel_loop3A_171 = arith.index_cast %rem3A_123 : i32 to index
        %parallel_loop3A_172 = arith.index_cast %parallel_loop3A_162 : i32 to index
        %parallel_loop3A_173 = arith.constant 0 : index
        %parallel_loop3A_174 = tpu.vector_load %arg6[%parallel_loop3A_171, %parallel_loop3A_172, %parallel_loop3A_173] {strides = array<i32>} : memref<7x16x1024xf32, #tpu.memory_space<vmem>>, vector<1x1x16xf32>,
        %parallel_loop3A_175 = vector.shape_cast %parallel_loop3A_174 : vector<1x1x16xf32> to vector<16xf32>
        %parallel_loop3A_176 = vector.shape_cast %parallel_loop3A_170 : vector<16xf32> to vector<1x1x16xf32>
        tpu.vector_store %arg6[%parallel_loop3A_171, %parallel_loop3A_172, %parallel_loop3A_173], %parallel_loop3A_176 {strides = array<i32>} : memref<7x16x1024xf32, #tpu.memory_space<vmem>>, vector<1x1x16xf32>,
        %parallel_loop3A_177 = arith.index_cast %rem3A_123 : i32 to index
        %parallel_loop3A_178 = arith.index_cast %parallel_loop3A_162 : i32 to index
        %parallel_loop3A_179 = arith.constant 16 : index
        %parallel_loop3A_180 = tpu.vector_load %arg6[%parallel_loop3A_177, %parallel_loop3A_178, %parallel_loop3A_179] {strides = array<i32>} : memref<7x16x1024xf32, #tpu.memory_space<vmem>>, vector<1x1x16xf32>,
        %parallel_loop3A_181 = vector.shape_cast %parallel_loop3A_180 : vector<1x1x16xf32> to vector<16xf32>
        %parallel_loop3A_182 = arith.constant 3.200000e+01 : f32
        %parallel_loop3A_183 = vector.broadcast %parallel_loop3A_182 : f32 to vector<16xf32>
        %parallel_loop3A_184 = arith.mulf %parallel_loop3A_181, %parallel_loop3A_183 : vector<16xf32>
        %parallel_loop3A_185 = arith.index_cast %rem3A_123 : i32 to index
        %parallel_loop3A_186 = arith.index_cast %parallel_loop3A_162 : i32 to index
        %parallel_loop3A_187 = arith.constant 16 : index
        %parallel_loop3A_188 = tpu.vector_load %arg6[%parallel_loop3A_185, %parallel_loop3A_186, %parallel_loop3A_187] {strides = array<i32>} : memref<7x16x1024xf32, #tpu.memory_space<vmem>>, vector<1x1x16xf32>,
        %parallel_loop3A_189 = vector.shape_cast %parallel_loop3A_188 : vector<1x1x16xf32> to vector<16xf32>
        %parallel_loop3A_190 = vector.shape_cast %parallel_loop3A_184 : vector<16xf32> to vector<1x1x16xf32>
        tpu.vector_store %arg6[%parallel_loop3A_185, %parallel_loop3A_186, %parallel_loop3A_187], %parallel_loop3A_190 {strides = array<i32>} : memref<7x16x1024xf32, #tpu.memory_space<vmem>>, vector<1x1x16xf32>,
        %parallel_loop3A_191 = arith.index_cast %rem3A_123 : i32 to index
        %parallel_loop3A_192 = arith.index_cast %parallel_loop3A_162 : i32 to index
        %parallel_loop3A_193 = arith.constant 32 : index
        %parallel_loop3A_194 = tpu.vector_load %arg6[%parallel_loop3A_191, %parallel_loop3A_192, %parallel_loop3A_193] {strides = array<i32>} : memref<7x16x1024xf32, #tpu.memory_space<vmem>>, vector<1x1x16xf32>,
        %parallel_loop3A_195 = vector.shape_cast %parallel_loop3A_194 : vector<1x1x16xf32> to vector<16xf32>
        %parallel_loop3A_196 = arith.constant 3.200000e+01 : f32
        %parallel_loop3A_197 = vector.broadcast %parallel_loop3A_196 : f32 to vector<16xf32>
        %parallel_loop3A_198 = arith.mulf %parallel_loop3A_195, %parallel_loop3A_197 : vector<16xf32>
        %parallel_loop3A_199 = arith.index_cast %rem3A_123 : i32 to index
        %parallel_loop3A_200 = arith.index_cast %parallel_loop3A_162 : i32 to index
        %parallel_loop3A_201 = arith.constant 32 : index
        %parallel_loop3A_202 = tpu.vector_load %arg6[%parallel_loop3A_199, %parallel_loop3A_200, %parallel_loop3A_201] {strides = array<i32>} : memref<7x16x1024xf32, #tpu.memory_space<vmem>>, vector<1x1x16xf32>,
        %parallel_loop3A_203 = vector.shape_cast %parallel_loop3A_202 : vector<1x1x16xf32> to vector<16xf32>
        %parallel_loop3A_204 = vector.shape_cast %parallel_loop3A_198 : vector<16xf32> to vector<1x1x16xf32>
        tpu.vector_store %arg6[%parallel_loop3A_199, %parallel_loop3A_200, %parallel_loop3A_201], %parallel_loop3A_204 {strides = array<i32>} : memref<7x16x1024xf32, #tpu.memory_space<vmem>>, vector<1x1x16xf32>,
        %parallel_loop3A_205 = arith.index_cast %rem3A_123 : i32 to index
        %parallel_loop3A_206 = arith.index_cast %parallel_loop3A_162 : i32 to index
        %parallel_loop3A_207 = arith.constant 48 : index
        %parallel_loop3A_208 = tpu.vector_load %arg6[%parallel_loop3A_205, %parallel_loop3A_206, %parallel_loop3A_207] {strides = array<i32>} : memref<7x16x1024xf32, #tpu.memory_space<vmem>>, vector<1x1x16xf32>,
        %parallel_loop3A_209 = vector.shape_cast %parallel_loop3A_208 : vector<1x1x16xf32> to vector<16xf32>
        %parallel_loop3A_210 = arith.constant 3.200000e+01 : f32
        %parallel_loop3A_211 = vector.broadcast %parallel_loop3A_210 : f32 to vector<16xf32>
        %parallel_loop3A_212 = arith.mulf %parallel_loop3A_209, %parallel_loop3A_211 : vector<16xf32>
        %parallel_loop3A_213 = arith.index_cast %rem3A_123 : i32 to index
        %parallel_loop3A_214 = arith.index_cast %parallel_loop3A_162 : i32 to index
        %parallel_loop3A_215 = arith.constant 48 : index
        %parallel_loop3A_216 = tpu.vector_load %arg6[%parallel_loop3A_213, %parallel_loop3A_214, %parallel_loop3A_215] {strides = array<i32>} : memref<7x16x1024xf32, #tpu.memory_space<vmem>>, vector<1x1x16xf32>,
        %parallel_loop3A_217 = vector.shape_cast %parallel_loop3A_216 : vector<1x1x16xf32> to vector<16xf32>
        %parallel_loop3A_218 = vector.shape_cast %parallel_loop3A_212 : vector<16xf32> to vector<1x1x16xf32>
        tpu.vector_store %arg6[%parallel_loop3A_213, %parallel_loop3A_214, %parallel_loop3A_215], %parallel_loop3A_218 {strides = array<i32>} : memref<7x16x1024xf32, #tpu.memory_space<vmem>>, vector<1x1x16xf32>,
        %parallel_loop3A_219 = arith.index_cast %rem3A_123 : i32 to index
        %parallel_loop3A_220 = arith.index_cast %parallel_loop3A_162 : i32 to index
        %parallel_loop3A_221 = arith.constant 64 : index
        %parallel_loop3A_222 = tpu.vector_load %arg6[%parallel_loop3A_219, %parallel_loop3A_220, %parallel_loop3A_221] {strides = array<i32>} : memref<7x16x1024xf32, #tpu.memory_space<vmem>>, vector<1x1x16xf32>,
        %parallel_loop3A_223 = vector.shape_cast %parallel_loop3A_222 : vector<1x1x16xf32> to vector<16xf32>
        %parallel_loop3A_224 = arith.constant 3.200000e+01 : f32
        %parallel_loop3A_225 = vector.broadcast %parallel_loop3A_224 : f32 to vector<16xf32>
        %parallel_loop3A_226 = arith.mulf %parallel_loop3A_223, %parallel_loop3A_225 : vector<16xf32>
        %parallel_loop3A_227 = arith.index_cast %rem3A_123 : i32 to index
        %parallel_loop3A_228 = arith.index_cast %parallel_loop3A_162 : i32 to index
        %parallel_loop3A_229 = arith.constant 64 : index
        %parallel_loop3A_230 = tpu.vector_load %arg6[%parallel_loop3A_227, %parallel_loop3A_228, %parallel_loop3A_229] {strides = array<i32>} : memref<7x16x1024xf32, #tpu.memory_space<vmem>>, vector<1x1x16xf32>,
        %parallel_loop3A_231 = vector.shape_cast %parallel_loop3A_230 : vector<1x1x16xf32> to vector<16xf32>
        %parallel_loop3A_232 = vector.shape_cast %parallel_loop3A_226 : vector<16xf32> to vector<1x1x16xf32>
        tpu.vector_store %arg6[%parallel_loop3A_227, %parallel_loop3A_228, %parallel_loop3A_229], %parallel_loop3A_232 {strides = array<i32>} : memref<7x16x1024xf32, #tpu.memory_space<vmem>>, vector<1x1x16xf32>,
        %parallel_loop3A_233 = arith.index_cast %rem3A_123 : i32 to index
        %parallel_loop3A_234 = arith.index_cast %parallel_loop3A_162 : i32 to index
        %parallel_loop3A_235 = arith.constant 80 : index
        %parallel_loop3A_236 = tpu.vector_load %arg6[%parallel_loop3A_233, %parallel_loop3A_234, %parallel_loop3A_235] {strides = array<i32>} : memref<7x16x1024xf32, #tpu.memory_space<vmem>>, vector<1x1x16xf32>,
        %parallel_loop3A_237 = vector.shape_cast %parallel_loop3A_236 : vector<1x1x16xf32> to vector<16xf32>
        %parallel_loop3A_238 = arith.constant 3.200000e+01 : f32
        %parallel_loop3A_239 = vector.broadcast %parallel_loop3A_238 : f32 to vector<16xf32>
        %parallel_loop3A_240 = arith.mulf %parallel_loop3A_237, %parallel_loop3A_239 : vector<16xf32>
        %parallel_loop3A_241 = arith.index_cast %rem3A_123 : i32 to index
        %parallel_loop3A_242 = arith.index_cast %parallel_loop3A_162 : i32 to index
        %parallel_loop3A_243 = arith.constant 80 : index
        %parallel_loop3A_244 = tpu.vector_load %arg6[%parallel_loop3A_241, %parallel_loop3A_242, %parallel_loop3A_243] {strides = array<i32>} : memref<7x16x1024xf32, #tpu.memory_space<vmem>>, vector<1x1x16xf32>,
        %parallel_loop3A_245 = vector.shape_cast %parallel_loop3A_244 : vector<1x1x16xf32> to vector<16xf32>
        %parallel_loop3A_246 = vector.shape_cast %parallel_loop3A_240 : vector<16xf32> to vector<1x1x16xf32>
        tpu.vector_store %arg6[%parallel_loop3A_241, %parallel_loop3A_242, %parallel_loop3A_243], %parallel_loop3A_246 {strides = array<i32>} : memref<7x16x1024xf32, #tpu.memory_space<vmem>>, vector<1x1x16xf32>,
        %parallel_loop3A_247 = arith.index_cast %rem3A_123 : i32 to index
        %parallel_loop3A_248 = arith.index_cast %parallel_loop3A_162 : i32 to index
        %parallel_loop3A_249 = arith.constant 96 : index
        %parallel_loop3A_250 = tpu.vector_load %arg6[%parallel_loop3A_247, %parallel_loop3A_248, %parallel_loop3A_249] {strides = array<i32>} : memref<7x16x1024xf32, #tpu.memory_space<vmem>>, vector<1x1x16xf32>,
        %parallel_loop3A_251 = vector.shape_cast %parallel_loop3A_250 : vector<1x1x16xf32> to vector<16xf32>
        %parallel_loop3A_252 = arith.constant 3.200000e+01 : f32
        %parallel_loop3A_253 = vector.broadcast %parallel_loop3A_252 : f32 to vector<16xf32>
        %parallel_loop3A_254 = arith.mulf %parallel_loop3A_251, %parallel_loop3A_253 : vector<16xf32>
        %parallel_loop3A_255 = arith.index_cast %rem3A_123 : i32 to index
        %parallel_loop3A_256 = arith.index_cast %parallel_loop3A_162 : i32 to index
        %parallel_loop3A_257 = arith.constant 96 : index
        %parallel_loop3A_258 = tpu.vector_load %arg6[%parallel_loop3A_255, %parallel_loop3A_256, %parallel_loop3A_257] {strides = array<i32>} : memref<7x16x1024xf32, #tpu.memory_space<vmem>>, vector<1x1x16xf32>,
        %parallel_loop3A_259 = vector.shape_cast %parallel_loop3A_258 : vector<1x1x16xf32> to vector<16xf32>
        %parallel_loop3A_260 = vector.shape_cast %parallel_loop3A_254 : vector<16xf32> to vector<1x1x16xf32>
        tpu.vector_store %arg6[%parallel_loop3A_255, %parallel_loop3A_256, %parallel_loop3A_257], %parallel_loop3A_260 {strides = array<i32>} : memref<7x16x1024xf32, #tpu.memory_space<vmem>>, vector<1x1x16xf32>,
        %parallel_loop3A_261 = arith.index_cast %rem3A_123 : i32 to index
        %parallel_loop3A_262 = arith.index_cast %parallel_loop3A_162 : i32 to index
        %parallel_loop3A_263 = arith.constant 112 : index
        %parallel_loop3A_264 = tpu.vector_load %arg6[%parallel_loop3A_261, %parallel_loop3A_262, %parallel_loop3A_263] {strides = array<i32>} : memref<7x16x1024xf32, #tpu.memory_space<vmem>>, vector<1x1x16xf32>,
        %parallel_loop3A_265 = vector.shape_cast %parallel_loop3A_264 : vector<1x1x16xf32> to vector<16xf32>
        %parallel_loop3A_266 = arith.constant 3.200000e+01 : f32
        %parallel_loop3A_267 = vector.broadcast %parallel_loop3A_266 : f32 to vector<16xf32>
        %parallel_loop3A_268 = arith.mulf %parallel_loop3A_265, %parallel_loop3A_267 : vector<16xf32>
        %parallel_loop3A_269 = arith.index_cast %rem3A_123 : i32 to index
        %parallel_loop3A_270 = arith.index_cast %parallel_loop3A_162 : i32 to index
        %parallel_loop3A_271 = arith.constant 112 : index
        %parallel_loop3A_272 = tpu.vector_load %arg6[%parallel_loop3A_269, %parallel_loop3A_270, %parallel_loop3A_271] {strides = array<i32>} : memref<7x16x1024xf32, #tpu.memory_space<vmem>>, vector<1x1x16xf32>,
        %parallel_loop3A_273 = vector.shape_cast %parallel_loop3A_272 : vector<1x1x16xf32> to vector<16xf32>
        %parallel_loop3A_274 = vector.shape_cast %parallel_loop3A_268 : vector<16xf32> to vector<1x1x16xf32>
        tpu.vector_store %arg6[%parallel_loop3A_269, %parallel_loop3A_270, %parallel_loop3A_271], %parallel_loop3A_274 {strides = array<i32>} : memref<7x16x1024xf32, #tpu.memory_space<vmem>>, vector<1x1x16xf32>,
        %parallel_loop3A_275 = arith.index_cast %rem3A_123 : i32 to index
        %parallel_loop3A_276 = arith.index_cast %parallel_loop3A_162 : i32 to index
        %parallel_loop3A_277 = arith.constant 128 : index
        %parallel_loop3A_278 = tpu.vector_load %arg6[%parallel_loop3A_275, %parallel_loop3A_276, %parallel_loop3A_277] {strides = array<i32>} : memref<7x16x1024xf32, #tpu.memory_space<vmem>>, vector<1x1x16xf32>,
        %parallel_loop3A_279 = vector.shape_cast %parallel_loop3A_278 : vector<1x1x16xf32> to vector<16xf32>
        %parallel_loop3A_280 = arith.constant 3.200000e+01 : f32
        %parallel_loop3A_281 = vector.broadcast %parallel_loop3A_280 : f32 to vector<16xf32>
        %parallel_loop3A_282 = arith.mulf %parallel_loop3A_279, %parallel_loop3A_281 : vector<16xf32>
        %parallel_loop3A_283 = arith.index_cast %rem3A_123 : i32 to index
        %parallel_loop3A_284 = arith.index_cast %parallel_loop3A_162 : i32 to index
        %parallel_loop3A_285 = arith.constant 128 : index
        %parallel_loop3A_286 = tpu.vector_load %arg6[%parallel_loop3A_283, %parallel_loop3A_284, %parallel_loop3A_285] {strides = array<i32>} : memref<7x16x1024xf32, #tpu.memory_space<vmem>>, vector<1x1x16xf32>,
        %parallel_loop3A_287 = vector.shape_cast %parallel_loop3A_286 : vector<1x1x16xf32> to vector<16xf32>
        %parallel_loop3A_288 = vector.shape_cast %parallel_loop3A_282 : vector<16xf32> to vector<1x1x16xf32>
        tpu.vector_store %arg6[%parallel_loop3A_283, %parallel_loop3A_284, %parallel_loop3A_285], %parallel_loop3A_288 {strides = array<i32>} : memref<7x16x1024xf32, #tpu.memory_space<vmem>>, vector<1x1x16xf32>,
        %parallel_loop3A_289 = arith.index_cast %rem3A_123 : i32 to index
        %parallel_loop3A_290 = arith.index_cast %parallel_loop3A_162 : i32 to index
        %parallel_loop3A_291 = arith.constant 144 : index
        %parallel_loop3A_292 = tpu.vector_load %arg6[%parallel_loop3A_289, %parallel_loop3A_290, %parallel_loop3A_291] {strides = array<i32>} : memref<7x16x1024xf32, #tpu.memory_space<vmem>>, vector<1x1x16xf32>,
        %parallel_loop3A_293 = vector.shape_cast %parallel_loop3A_292 : vector<1x1x16xf32> to vector<16xf32>
        %parallel_loop3A_294 = arith.constant 3.200000e+01 : f32
        %parallel_loop3A_295 = vector.broadcast %parallel_loop3A_294 : f32 to vector<16xf32>
        %parallel_loop3A_296 = arith.mulf %parallel_loop3A_293, %parallel_loop3A_295 : vector<16xf32>
        %parallel_loop3A_297 = arith.index_cast %rem3A_123 : i32 to index
        %parallel_loop3A_298 = arith.index_cast %parallel_loop3A_162 : i32 to index
        %parallel_loop3A_299 = arith.constant 144 : index
        %parallel_loop3A_300 = tpu.vector_load %arg6[%parallel_loop3A_297, %parallel_loop3A_298, %parallel_loop3A_299] {strides = array<i32>} : memref<7x16x1024xf32, #tpu.memory_space<vmem>>, vector<1x1x16xf32>,
        %parallel_loop3A_301 = vector.shape_cast %parallel_loop3A_300 : vector<1x1x16xf32> to vector<16xf32>
        %parallel_loop3A_302 = vector.shape_cast %parallel_loop3A_296 : vector<16xf32> to vector<1x1x16xf32>
        tpu.vector_store %arg6[%parallel_loop3A_297, %parallel_loop3A_298, %parallel_loop3A_299], %parallel_loop3A_302 {strides = array<i32>} : memref<7x16x1024xf32, #tpu.memory_space<vmem>>, vector<1x1x16xf32>,
        %parallel_loop3A_303 = arith.index_cast %rem3A_123 : i32 to index
        %parallel_loop3A_304 = arith.index_cast %parallel_loop3A_162 : i32 to index
        %parallel_loop3A_305 = arith.constant 160 : index
        %parallel_loop3A_306 = tpu.vector_load %arg6[%parallel_loop3A_303, %parallel_loop3A_304, %parallel_loop3A_305] {strides = array<i32>} : memref<7x16x1024xf32, #tpu.memory_space<vmem>>, vector<1x1x16xf32>,
        %parallel_loop3A_307 = vector.shape_cast %parallel_loop3A_306 : vector<1x1x16xf32> to vector<16xf32>
        %parallel_loop3A_308 = arith.constant 3.200000e+01 : f32
        %parallel_loop3A_309 = vector.broadcast %parallel_loop3A_308 : f32 to vector<16xf32>
        %parallel_loop3A_310 = arith.mulf %parallel_loop3A_307, %parallel_loop3A_309 : vector<16xf32>
        %parallel_loop3A_311 = arith.index_cast %rem3A_123 : i32 to index
        %parallel_loop3A_312 = arith.index_cast %parallel_loop3A_162 : i32 to index
        %parallel_loop3A_313 = arith.constant 160 : index
        %parallel_loop3A_314 = tpu.vector_load %arg6[%parallel_loop3A_311, %parallel_loop3A_312, %parallel_loop3A_313] {strides = array<i32>} : memref<7x16x1024xf32, #tpu.memory_space<vmem>>, vector<1x1x16xf32>,
        %parallel_loop3A_315 = vector.shape_cast %parallel_loop3A_314 : vector<1x1x16xf32> to vector<16xf32>
        %parallel_loop3A_316 = vector.shape_cast %parallel_loop3A_310 : vector<16xf32> to vector<1x1x16xf32>
        tpu.vector_store %arg6[%parallel_loop3A_311, %parallel_loop3A_312, %parallel_loop3A_313], %parallel_loop3A_316 {strides = array<i32>} : memref<7x16x1024xf32, #tpu.memory_space<vmem>>, vector<1x1x16xf32>,
        %parallel_loop3A_317 = arith.index_cast %rem3A_123 : i32 to index
        %parallel_loop3A_318 = arith.index_cast %parallel_loop3A_162 : i32 to index
        %parallel_loop3A_319 = arith.constant 176 : index
        %parallel_loop3A_320 = tpu.vector_load %arg6[%parallel_loop3A_317, %parallel_loop3A_318, %parallel_loop3A_319] {strides = array<i32>} : memref<7x16x1024xf32, #tpu.memory_space<vmem>>, vector<1x1x16xf32>,
        %parallel_loop3A_321 = vector.shape_cast %parallel_loop3A_320 : vector<1x1x16xf32> to vector<16xf32>
        %parallel_loop3A_322 = arith.constant 3.200000e+01 : f32
        %parallel_loop3A_323 = vector.broadcast %parallel_loop3A_322 : f32 to vector<16xf32>
        %parallel_loop3A_324 = arith.mulf %parallel_loop3A_321, %parallel_loop3A_323 : vector<16xf32>
        %parallel_loop3A_325 = arith.index_cast %rem3A_123 : i32 to index
        %parallel_loop3A_326 = arith.index_cast %parallel_loop3A_162 : i32 to index
        %parallel_loop3A_327 = arith.constant 176 : index
        %parallel_loop3A_328 = tpu.vector_load %arg6[%parallel_loop3A_325, %parallel_loop3A_326, %parallel_loop3A_327] {strides = array<i32>} : memref<7x16x1024xf32, #tpu.memory_space<vmem>>, vector<1x1x16xf32>,
        %parallel_loop3A_329 = vector.shape_cast %parallel_loop3A_328 : vector<1x1x16xf32> to vector<16xf32>
        %parallel_loop3A_330 = vector.shape_cast %parallel_loop3A_324 : vector<16xf32> to vector<1x1x16xf32>
        tpu.vector_store %arg6[%parallel_loop3A_325, %parallel_loop3A_326, %parallel_loop3A_327], %parallel_loop3A_330 {strides = array<i32>} : memref<7x16x1024xf32, #tpu.memory_space<vmem>>, vector<1x1x16xf32>,
        %parallel_loop3A_331 = arith.index_cast %rem3A_123 : i32 to index
        %parallel_loop3A_332 = arith.index_cast %parallel_loop3A_162 : i32 to index
        %parallel_loop3A_333 = arith.constant 192 : index
        %parallel_loop3A_334 = tpu.vector_load %arg6[%parallel_loop3A_331, %parallel_loop3A_332, %parallel_loop3A_333] {strides = array<i32>} : memref<7x16x1024xf32, #tpu.memory_space<vmem>>, vector<1x1x16xf32>,
        %parallel_loop3A_335 = vector.shape_cast %parallel_loop3A_334 : vector<1x1x16xf32> to vector<16xf32>
        %parallel_loop3A_336 = arith.constant 3.200000e+01 : f32
        %parallel_loop3A_337 = vector.broadcast %parallel_loop3A_336 : f32 to vector<16xf32>
        %parallel_loop3A_338 = arith.mulf %parallel_loop3A_335, %parallel_loop3A_337 : vector<16xf32>
        %parallel_loop3A_339 = arith.index_cast %rem3A_123 : i32 to index
        %parallel_loop3A_340 = arith.index_cast %parallel_loop3A_162 : i32 to index
        %parallel_loop3A_341 = arith.constant 192 : index
        %parallel_loop3A_342 = tpu.vector_load %arg6[%parallel_loop3A_339, %parallel_loop3A_340, %parallel_loop3A_341] {strides = array<i32>} : memref<7x16x1024xf32, #tpu.memory_space<vmem>>, vector<1x1x16xf32>,
        %parallel_loop3A_343 = vector.shape_cast %parallel_loop3A_342 : vector<1x1x16xf32> to vector<16xf32>
        %parallel_loop3A_344 = vector.shape_cast %parallel_loop3A_338 : vector<16xf32> to vector<1x1x16xf32>
        tpu.vector_store %arg6[%parallel_loop3A_339, %parallel_loop3A_340, %parallel_loop3A_341], %parallel_loop3A_344 {strides = array<i32>} : memref<7x16x1024xf32, #tpu.memory_space<vmem>>, vector<1x1x16xf32>,
        %parallel_loop3A_345 = arith.index_cast %rem3A_123 : i32 to index
        %parallel_loop3A_346 = arith.index_cast %parallel_loop3A_162 : i32 to index
        %parallel_loop3A_347 = arith.constant 208 : index
        %parallel_loop3A_348 = tpu.vector_load %arg6[%parallel_loop3A_345, %parallel_loop3A_346, %parallel_loop3A_347] {strides = array<i32>} : memref<7x16x1024xf32, #tpu.memory_space<vmem>>, vector<1x1x16xf32>,
        %parallel_loop3A_349 = vector.shape_cast %parallel_loop3A_348 : vector<1x1x16xf32> to vector<16xf32>
        %parallel_loop3A_350 = arith.constant 3.200000e+01 : f32
        %parallel_loop3A_351 = vector.broadcast %parallel_loop3A_350 : f32 to vector<16xf32>
        %parallel_loop3A_352 = arith.mulf %parallel_loop3A_349, %parallel_loop3A_351 : vector<16xf32>
        %parallel_loop3A_353 = arith.index_cast %rem3A_123 : i32 to index
        %parallel_loop3A_354 = arith.index_cast %parallel_loop3A_162 : i32 to index
        %parallel_loop3A_355 = arith.constant 208 : index
        %parallel_loop3A_356 = tpu.vector_load %arg6[%parallel_loop3A_353, %parallel_loop3A_354, %parallel_loop3A_355] {strides = array<i32>} : memref<7x16x1024xf32, #tpu.memory_space<vmem>>, vector<1x1x16xf32>,
        %parallel_loop3A_357 = vector.shape_cast %parallel_loop3A_356 : vector<1x1x16xf32> to vector<16xf32>
        %parallel_loop3A_358 = vector.shape_cast %parallel_loop3A_352 : vector<16xf32> to vector<1x1x16xf32>
        tpu.vector_store %arg6[%parallel_loop3A_353, %parallel_loop3A_354, %parallel_loop3A_355], %parallel_loop3A_358 {strides = array<i32>} : memref<7x16x1024xf32, #tpu.memory_space<vmem>>, vector<1x1x16xf32>,
        %parallel_loop3A_359 = arith.index_cast %rem3A_123 : i32 to index
        %parallel_loop3A_360 = arith.index_cast %parallel_loop3A_162 : i32 to index
        %parallel_loop3A_361 = arith.constant 224 : index
        %parallel_loop3A_362 = tpu.vector_load %arg6[%parallel_loop3A_359, %parallel_loop3A_360, %parallel_loop3A_361] {strides = array<i32>} : memref<7x16x1024xf32, #tpu.memory_space<vmem>>, vector<1x1x16xf32>,
        %parallel_loop3A_363 = vector.shape_cast %parallel_loop3A_362 : vector<1x1x16xf32> to vector<16xf32>
        %parallel_loop3A_364 = arith.constant 3.200000e+01 : f32
        %parallel_loop3A_365 = vector.broadcast %parallel_loop3A_364 : f32 to vector<16xf32>
        %parallel_loop3A_366 = arith.mulf %parallel_loop3A_363, %parallel_loop3A_365 : vector<16xf32>
        %parallel_loop3A_367 = arith.index_cast %rem3A_123 : i32 to index
        %parallel_loop3A_368 = arith.index_cast %parallel_loop3A_162 : i32 to index
        %parallel_loop3A_369 = arith.constant 224 : index
        %parallel_loop3A_370 = tpu.vector_load %arg6[%parallel_loop3A_367, %parallel_loop3A_368, %parallel_loop3A_369] {strides = array<i32>} : memref<7x16x1024xf32, #tpu.memory_space<vmem>>, vector<1x1x16xf32>,
        %parallel_loop3A_371 = vector.shape_cast %parallel_loop3A_370 : vector<1x1x16xf32> to vector<16xf32>
        %parallel_loop3A_372 = vector.shape_cast %parallel_loop3A_366 : vector<16xf32> to vector<1x1x16xf32>
        tpu.vector_store %arg6[%parallel_loop3A_367, %parallel_loop3A_368, %parallel_loop3A_369], %parallel_loop3A_372 {strides = array<i32>} : memref<7x16x1024xf32, #tpu.memory_space<vmem>>, vector<1x1x16xf32>,
        %parallel_loop3A_373 = arith.index_cast %rem3A_123 : i32 to index
        %parallel_loop3A_374 = arith.index_cast %parallel_loop3A_162 : i32 to index
        %parallel_loop3A_375 = arith.constant 240 : index
        %parallel_loop3A_376 = tpu.vector_load %arg6[%parallel_loop3A_373, %parallel_loop3A_374, %parallel_loop3A_375] {strides = array<i32>} : memref<7x16x1024xf32, #tpu.memory_space<vmem>>, vector<1x1x16xf32>,
        %parallel_loop3A_377 = vector.shape_cast %parallel_loop3A_376 : vector<1x1x16xf32> to vector<16xf32>
        %parallel_loop3A_378 = arith.constant 3.200000e+01 : f32
        %parallel_loop3A_379 = vector.broadcast %parallel_loop3A_378 : f32 to vector<16xf32>
        %parallel_loop3A_380 = arith.mulf %parallel_loop3A_377, %parallel_loop3A_379 : vector<16xf32>
        %parallel_loop3A_381 = arith.index_cast %rem3A_123 : i32 to index
        %parallel_loop3A_382 = arith.index_cast %parallel_loop3A_162 : i32 to index
        %parallel_loop3A_383 = arith.constant 240 : index
        %parallel_loop3A_384 = tpu.vector_load %arg6[%parallel_loop3A_381, %parallel_loop3A_382, %parallel_loop3A_383] {strides = array<i32>} : memref<7x16x1024xf32, #tpu.memory_space<vmem>>, vector<1x1x16xf32>,
        %parallel_loop3A_385 = vector.shape_cast %parallel_loop3A_384 : vector<1x1x16xf32> to vector<16xf32>
        %parallel_loop3A_386 = vector.shape_cast %parallel_loop3A_380 : vector<16xf32> to vector<1x1x16xf32>
        tpu.vector_store %arg6[%parallel_loop3A_381, %parallel_loop3A_382, %parallel_loop3A_383], %parallel_loop3A_386 {strides = array<i32>} : memref<7x16x1024xf32, #tpu.memory_space<vmem>>, vector<1x1x16xf32>,
        %parallel_loop3A_387 = arith.index_cast %rem3A_123 : i32 to index
        %parallel_loop3A_388 = arith.index_cast %parallel_loop3A_162 : i32 to index
        %parallel_loop3A_389 = arith.constant 256 : index
        %parallel_loop3A_390 = tpu.vector_load %arg6[%parallel_loop3A_387, %parallel_loop3A_388, %parallel_loop3A_389] {strides = array<i32>} : memref<7x16x1024xf32, #tpu.memory_space<vmem>>, vector<1x1x16xf32>,
        %parallel_loop3A_391 = vector.shape_cast %parallel_loop3A_390 : vector<1x1x16xf32> to vector<16xf32>
        %parallel_loop3A_392 = arith.constant 3.200000e+01 : f32
        %parallel_loop3A_393 = vector.broadcast %parallel_loop3A_392 : f32 to vector<16xf32>
        %parallel_loop3A_394 = arith.mulf %parallel_loop3A_391, %parallel_loop3A_393 : vector<16xf32>
        %parallel_loop3A_395 = arith.index_cast %rem3A_123 : i32 to index
        %parallel_loop3A_396 = arith.index_cast %parallel_loop3A_162 : i32 to index
        %parallel_loop3A_397 = arith.constant 256 : index
        %parallel_loop3A_398 = tpu.vector_load %arg6[%parallel_loop3A_395, %parallel_loop3A_396, %parallel_loop3A_397] {strides = array<i32>} : memref<7x16x1024xf32, #tpu.memory_space<vmem>>, vector<1x1x16xf32>,
        %parallel_loop3A_399 = vector.shape_cast %parallel_loop3A_398 : vector<1x1x16xf32> to vector<16xf32>
        %parallel_loop3A_400 = vector.shape_cast %parallel_loop3A_394 : vector<16xf32> to vector<1x1x16xf32>
        tpu.vector_store %arg6[%parallel_loop3A_395, %parallel_loop3A_396, %parallel_loop3A_397], %parallel_loop3A_400 {strides = array<i32>} : memref<7x16x1024xf32, #tpu.memory_space<vmem>>, vector<1x1x16xf32>,
        %parallel_loop3A_401 = arith.index_cast %rem3A_123 : i32 to index
        %parallel_loop3A_402 = arith.index_cast %parallel_loop3A_162 : i32 to index
        %parallel_loop3A_403 = arith.constant 272 : index
        %parallel_loop3A_404 = tpu.vector_load %arg6[%parallel_loop3A_401, %parallel_loop3A_402, %parallel_loop3A_403] {strides = array<i32>} : memref<7x16x1024xf32, #tpu.memory_space<vmem>>, vector<1x1x16xf32>,
        %parallel_loop3A_405 = vector.shape_cast %parallel_loop3A_404 : vector<1x1x16xf32> to vector<16xf32>
        %parallel_loop3A_406 = arith.constant 3.200000e+01 : f32
        %parallel_loop3A_407 = vector.broadcast %parallel_loop3A_406 : f32 to vector<16xf32>
        %parallel_loop3A_408 = arith.mulf %parallel_loop3A_405, %parallel_loop3A_407 : vector<16xf32>
        %parallel_loop3A_409 = arith.index_cast %rem3A_123 : i32 to index
        %parallel_loop3A_410 = arith.index_cast %parallel_loop3A_162 : i32 to index
        %parallel_loop3A_411 = arith.constant 272 : index
        %parallel_loop3A_412 = tpu.vector_load %arg6[%parallel_loop3A_409, %parallel_loop3A_410, %parallel_loop3A_411] {strides = array<i32>} : memref<7x16x1024xf32, #tpu.memory_space<vmem>>, vector<1x1x16xf32>,
        %parallel_loop3A_413 = vector.shape_cast %parallel_loop3A_412 : vector<1x1x16xf32> to vector<16xf32>
        %parallel_loop3A_414 = vector.shape_cast %parallel_loop3A_408 : vector<16xf32> to vector<1x1x16xf32>
        tpu.vector_store %arg6[%parallel_loop3A_409, %parallel_loop3A_410, %parallel_loop3A_411], %parallel_loop3A_414 {strides = array<i32>} : memref<7x16x1024xf32, #tpu.memory_space<vmem>>, vector<1x1x16xf32>,
        %parallel_loop3A_415 = arith.index_cast %rem3A_123 : i32 to index
        %parallel_loop3A_416 = arith.index_cast %parallel_loop3A_162 : i32 to index
        %parallel_loop3A_417 = arith.constant 288 : index
        %parallel_loop3A_418 = tpu.vector_load %arg6[%parallel_loop3A_415, %parallel_loop3A_416, %parallel_loop3A_417] {strides = array<i32>} : memref<7x16x1024xf32, #tpu.memory_space<vmem>>, vector<1x1x16xf32>,
        %parallel_loop3A_419 = vector.shape_cast %parallel_loop3A_418 : vector<1x1x16xf32> to vector<16xf32>
        %parallel_loop3A_420 = arith.constant 3.200000e+01 : f32
        %parallel_loop3A_421 = vector.broadcast %parallel_loop3A_420 : f32 to vector<16xf32>
        %parallel_loop3A_422 = arith.mulf %parallel_loop3A_419, %parallel_loop3A_421 : vector<16xf32>
        %parallel_loop3A_423 = arith.index_cast %rem3A_123 : i32 to index
        %parallel_loop3A_424 = arith.index_cast %parallel_loop3A_162 : i32 to index
        %parallel_loop3A_425 = arith.constant 288 : index
        %parallel_loop3A_426 = tpu.vector_load %arg6[%parallel_loop3A_423, %parallel_loop3A_424, %parallel_loop3A_425] {strides = array<i32>} : memref<7x16x1024xf32, #tpu.memory_space<vmem>>, vector<1x1x16xf32>,
        %parallel_loop3A_427 = vector.shape_cast %parallel_loop3A_426 : vector<1x1x16xf32> to vector<16xf32>
        %parallel_loop3A_428 = vector.shape_cast %parallel_loop3A_422 : vector<16xf32> to vector<1x1x16xf32>
        tpu.vector_store %arg6[%parallel_loop3A_423, %parallel_loop3A_424, %parallel_loop3A_425], %parallel_loop3A_428 {strides = array<i32>} : memref<7x16x1024xf32, #tpu.memory_space<vmem>>, vector<1x1x16xf32>,
        %parallel_loop3A_429 = arith.index_cast %rem3A_123 : i32 to index
        %parallel_loop3A_430 = arith.index_cast %parallel_loop3A_162 : i32 to index
        %parallel_loop3A_431 = arith.constant 304 : index
        %parallel_loop3A_432 = tpu.vector_load %arg6[%parallel_loop3A_429, %parallel_loop3A_430, %parallel_loop3A_431] {strides = array<i32>} : memref<7x16x1024xf32, #tpu.memory_space<vmem>>, vector<1x1x16xf32>,
        %parallel_loop3A_433 = vector.shape_cast %parallel_loop3A_432 : vector<1x1x16xf32> to vector<16xf32>
        %parallel_loop3A_434 = arith.constant 3.200000e+01 : f32
        %parallel_loop3A_435 = vector.broadcast %parallel_loop3A_434 : f32 to vector<16xf32>
        %parallel_loop3A_436 = arith.mulf %parallel_loop3A_433, %parallel_loop3A_435 : vector<16xf32>
        %parallel_loop3A_437 = arith.index_cast %rem3A_123 : i32 to index
        %parallel_loop3A_438 = arith.index_cast %parallel_loop3A_162 : i32 to index
        %parallel_loop3A_439 = arith.constant 304 : index
        %parallel_loop3A_440 = tpu.vector_load %arg6[%parallel_loop3A_437, %parallel_loop3A_438, %parallel_loop3A_439] {strides = array<i32>} : memref<7x16x1024xf32, #tpu.memory_space<vmem>>, vector<1x1x16xf32>,
        %parallel_loop3A_441 = vector.shape_cast %parallel_loop3A_440 : vector<1x1x16xf32> to vector<16xf32>
        %parallel_loop3A_442 = vector.shape_cast %parallel_loop3A_436 : vector<16xf32> to vector<1x1x16xf32>
        tpu.vector_store %arg6[%parallel_loop3A_437, %parallel_loop3A_438, %parallel_loop3A_439], %parallel_loop3A_442 {strides = array<i32>} : memref<7x16x1024xf32, #tpu.memory_space<vmem>>, vector<1x1x16xf32>,
        %parallel_loop3A_443 = arith.index_cast %rem3A_123 : i32 to index
        %parallel_loop3A_444 = arith.index_cast %parallel_loop3A_162 : i32 to index
        %parallel_loop3A_445 = arith.constant 320 : index
        %parallel_loop3A_446 = tpu.vector_load %arg6[%parallel_loop3A_443, %parallel_loop3A_444, %parallel_loop3A_445] {strides = array<i32>} : memref<7x16x1024xf32, #tpu.memory_space<vmem>>, vector<1x1x16xf32>,
        %parallel_loop3A_447 = vector.shape_cast %parallel_loop3A_446 : vector<1x1x16xf32> to vector<16xf32>
        %parallel_loop3A_448 = arith.constant 3.200000e+01 : f32
        %parallel_loop3A_449 = vector.broadcast %parallel_loop3A_448 : f32 to vector<16xf32>
        %parallel_loop3A_450 = arith.mulf %parallel_loop3A_447, %parallel_loop3A_449 : vector<16xf32>
        %parallel_loop3A_451 = arith.index_cast %rem3A_123 : i32 to index
        %parallel_loop3A_452 = arith.index_cast %parallel_loop3A_162 : i32 to index
        %parallel_loop3A_453 = arith.constant 320 : index
        %parallel_loop3A_454 = tpu.vector_load %arg6[%parallel_loop3A_451, %parallel_loop3A_452, %parallel_loop3A_453] {strides = array<i32>} : memref<7x16x1024xf32, #tpu.memory_space<vmem>>, vector<1x1x16xf32>,
        %parallel_loop3A_455 = vector.shape_cast %parallel_loop3A_454 : vector<1x1x16xf32> to vector<16xf32>
        %parallel_loop3A_456 = vector.shape_cast %parallel_loop3A_450 : vector<16xf32> to vector<1x1x16xf32>
        tpu.vector_store %arg6[%parallel_loop3A_451, %parallel_loop3A_452, %parallel_loop3A_453], %parallel_loop3A_456 {strides = array<i32>} : memref<7x16x1024xf32, #tpu.memory_space<vmem>>, vector<1x1x16xf32>,
        %parallel_loop3A_457 = arith.index_cast %rem3A_123 : i32 to index
        %parallel_loop3A_458 = arith.index_cast %parallel_loop3A_162 : i32 to index
        %parallel_loop3A_459 = arith.constant 336 : index
        %parallel_loop3A_460 = tpu.vector_load %arg6[%parallel_loop3A_457, %parallel_loop3A_458, %parallel_loop3A_459] {strides = array<i32>} : memref<7x16x1024xf32, #tpu.memory_space<vmem>>, vector<1x1x16xf32>,
        %parallel_loop3A_461 = vector.shape_cast %parallel_loop3A_460 : vector<1x1x16xf32> to vector<16xf32>
        %parallel_loop3A_462 = arith.constant 3.200000e+01 : f32
        %parallel_loop3A_463 = vector.broadcast %parallel_loop3A_462 : f32 to vector<16xf32>
        %parallel_loop3A_464 = arith.mulf %parallel_loop3A_461, %parallel_loop3A_463 : vector<16xf32>
        %parallel_loop3A_465 = arith.index_cast %rem3A_123 : i32 to index
        %parallel_loop3A_466 = arith.index_cast %parallel_loop3A_162 : i32 to index
        %parallel_loop3A_467 = arith.constant 336 : index
        %parallel_loop3A_468 = tpu.vector_load %arg6[%parallel_loop3A_465, %parallel_loop3A_466, %parallel_loop3A_467] {strides = array<i32>} : memref<7x16x1024xf32, #tpu.memory_space<vmem>>, vector<1x1x16xf32>,
        %parallel_loop3A_469 = vector.shape_cast %parallel_loop3A_468 : vector<1x1x16xf32> to vector<16xf32>
        %parallel_loop3A_470 = vector.shape_cast %parallel_loop3A_464 : vector<16xf32> to vector<1x1x16xf32>
        tpu.vector_store %arg6[%parallel_loop3A_465, %parallel_loop3A_466, %parallel_loop3A_467], %parallel_loop3A_470 {strides = array<i32>} : memref<7x16x1024xf32, #tpu.memory_space<vmem>>, vector<1x1x16xf32>,
        %parallel_loop3A_471 = arith.index_cast %rem3A_123 : i32 to index
        %parallel_loop3A_472 = arith.index_cast %parallel_loop3A_162 : i32 to index
        %parallel_loop3A_473 = arith.constant 352 : index
        %parallel_loop3A_474 = tpu.vector_load %arg6[%parallel_loop3A_471, %parallel_loop3A_472, %parallel_loop3A_473] {strides = array<i32>} : memref<7x16x1024xf32, #tpu.memory_space<vmem>>, vector<1x1x16xf32>,
        %parallel_loop3A_475 = vector.shape_cast %parallel_loop3A_474 : vector<1x1x16xf32> to vector<16xf32>
        %parallel_loop3A_476 = arith.constant 3.200000e+01 : f32
        %parallel_loop3A_477 = vector.broadcast %parallel_loop3A_476 : f32 to vector<16xf32>
        %parallel_loop3A_478 = arith.mulf %parallel_loop3A_475, %parallel_loop3A_477 : vector<16xf32>
        %parallel_loop3A_479 = arith.index_cast %rem3A_123 : i32 to index
        %parallel_loop3A_480 = arith.index_cast %parallel_loop3A_162 : i32 to index
        %parallel_loop3A_481 = arith.constant 352 : index
        %parallel_loop3A_482 = tpu.vector_load %arg6[%parallel_loop3A_479, %parallel_loop3A_480, %parallel_loop3A_481] {strides = array<i32>} : memref<7x16x1024xf32, #tpu.memory_space<vmem>>, vector<1x1x16xf32>,
        %parallel_loop3A_483 = vector.shape_cast %parallel_loop3A_482 : vector<1x1x16xf32> to vector<16xf32>
        %parallel_loop3A_484 = vector.shape_cast %parallel_loop3A_478 : vector<16xf32> to vector<1x1x16xf32>
        tpu.vector_store %arg6[%parallel_loop3A_479, %parallel_loop3A_480, %parallel_loop3A_481], %parallel_loop3A_484 {strides = array<i32>} : memref<7x16x1024xf32, #tpu.memory_space<vmem>>, vector<1x1x16xf32>,
        %parallel_loop3A_485 = arith.index_cast %rem3A_123 : i32 to index
        %parallel_loop3A_486 = arith.index_cast %parallel_loop3A_162 : i32 to index
        %parallel_loop3A_487 = arith.constant 368 : index
        %parallel_loop3A_488 = tpu.vector_load %arg6[%parallel_loop3A_485, %parallel_loop3A_486, %parallel_loop3A_487] {strides = array<i32>} : memref<7x16x1024xf32, #tpu.memory_space<vmem>>, vector<1x1x16xf32>,
        %parallel_loop3A_489 = vector.shape_cast %parallel_loop3A_488 : vector<1x1x16xf32> to vector<16xf32>
        %parallel_loop3A_490 = arith.constant 3.200000e+01 : f32
        %parallel_loop3A_491 = vector.broadcast %parallel_loop3A_490 : f32 to vector<16xf32>
        %parallel_loop3A_492 = arith.mulf %parallel_loop3A_489, %parallel_loop3A_491 : vector<16xf32>
        %parallel_loop3A_493 = arith.index_cast %rem3A_123 : i32 to index
        %parallel_loop3A_494 = arith.index_cast %parallel_loop3A_162 : i32 to index
        %parallel_loop3A_495 = arith.constant 368 : index
        %parallel_loop3A_496 = tpu.vector_load %arg6[%parallel_loop3A_493, %parallel_loop3A_494, %parallel_loop3A_495] {strides = array<i32>} : memref<7x16x1024xf32, #tpu.memory_space<vmem>>, vector<1x1x16xf32>,
        %parallel_loop3A_497 = vector.shape_cast %parallel_loop3A_496 : vector<1x1x16xf32> to vector<16xf32>
        %parallel_loop3A_498 = vector.shape_cast %parallel_loop3A_492 : vector<16xf32> to vector<1x1x16xf32>
        tpu.vector_store %arg6[%parallel_loop3A_493, %parallel_loop3A_494, %parallel_loop3A_495], %parallel_loop3A_498 {strides = array<i32>} : memref<7x16x1024xf32, #tpu.memory_space<vmem>>, vector<1x1x16xf32>,
        %parallel_loop3A_499 = arith.index_cast %rem3A_123 : i32 to index
        %parallel_loop3A_500 = arith.index_cast %parallel_loop3A_162 : i32 to index
        %parallel_loop3A_501 = arith.constant 384 : index
        %parallel_loop3A_502 = tpu.vector_load %arg6[%parallel_loop3A_499, %parallel_loop3A_500, %parallel_loop3A_501] {strides = array<i32>} : memref<7x16x1024xf32, #tpu.memory_space<vmem>>, vector<1x1x16xf32>,
        %parallel_loop3A_503 = vector.shape_cast %parallel_loop3A_502 : vector<1x1x16xf32> to vector<16xf32>
        %parallel_loop3A_504 = arith.constant 3.200000e+01 : f32
        %parallel_loop3A_505 = vector.broadcast %parallel_loop3A_504 : f32 to vector<16xf32>
        %parallel_loop3A_506 = arith.mulf %parallel_loop3A_503, %parallel_loop3A_505 : vector<16xf32>
        %parallel_loop3A_507 = arith.index_cast %rem3A_123 : i32 to index
        %parallel_loop3A_508 = arith.index_cast %parallel_loop3A_162 : i32 to index
        %parallel_loop3A_509 = arith.constant 384 : index
        %parallel_loop3A_510 = tpu.vector_load %arg6[%parallel_loop3A_507, %parallel_loop3A_508, %parallel_loop3A_509] {strides = array<i32>} : memref<7x16x1024xf32, #tpu.memory_space<vmem>>, vector<1x1x16xf32>,
        %parallel_loop3A_511 = vector.shape_cast %parallel_loop3A_510 : vector<1x1x16xf32> to vector<16xf32>
        %parallel_loop3A_512 = vector.shape_cast %parallel_loop3A_506 : vector<16xf32> to vector<1x1x16xf32>
        tpu.vector_store %arg6[%parallel_loop3A_507, %parallel_loop3A_508, %parallel_loop3A_509], %parallel_loop3A_512 {strides = array<i32>} : memref<7x16x1024xf32, #tpu.memory_space<vmem>>, vector<1x1x16xf32>,
        %parallel_loop3A_513 = arith.index_cast %rem3A_123 : i32 to index
        %parallel_loop3A_514 = arith.index_cast %parallel_loop3A_162 : i32 to index
        %parallel_loop3A_515 = arith.constant 400 : index
        %parallel_loop3A_516 = tpu.vector_load %arg6[%parallel_loop3A_513, %parallel_loop3A_514, %parallel_loop3A_515] {strides = array<i32>} : memref<7x16x1024xf32, #tpu.memory_space<vmem>>, vector<1x1x16xf32>,
        %parallel_loop3A_517 = vector.shape_cast %parallel_loop3A_516 : vector<1x1x16xf32> to vector<16xf32>
        %parallel_loop3A_518 = arith.constant 3.200000e+01 : f32
        %parallel_loop3A_519 = vector.broadcast %parallel_loop3A_518 : f32 to vector<16xf32>
        %parallel_loop3A_520 = arith.mulf %parallel_loop3A_517, %parallel_loop3A_519 : vector<16xf32>
        %parallel_loop3A_521 = arith.index_cast %rem3A_123 : i32 to index
        %parallel_loop3A_522 = arith.index_cast %parallel_loop3A_162 : i32 to index
        %parallel_loop3A_523 = arith.constant 400 : index
        %parallel_loop3A_524 = tpu.vector_load %arg6[%parallel_loop3A_521, %parallel_loop3A_522, %parallel_loop3A_523] {strides = array<i32>} : memref<7x16x1024xf32, #tpu.memory_space<vmem>>, vector<1x1x16xf32>,
        %parallel_loop3A_525 = vector.shape_cast %parallel_loop3A_524 : vector<1x1x16xf32> to vector<16xf32>
        %parallel_loop3A_526 = vector.shape_cast %parallel_loop3A_520 : vector<16xf32> to vector<1x1x16xf32>
        tpu.vector_store %arg6[%parallel_loop3A_521, %parallel_loop3A_522, %parallel_loop3A_523], %parallel_loop3A_526 {strides = array<i32>} : memref<7x16x1024xf32, #tpu.memory_space<vmem>>, vector<1x1x16xf32>,
        %parallel_loop3A_527 = arith.index_cast %rem3A_123 : i32 to index
        %parallel_loop3A_528 = arith.index_cast %parallel_loop3A_162 : i32 to index
        %parallel_loop3A_529 = arith.constant 416 : index
        %parallel_loop3A_530 = tpu.vector_load %arg6[%parallel_loop3A_527, %parallel_loop3A_528, %parallel_loop3A_529] {strides = array<i32>} : memref<7x16x1024xf32, #tpu.memory_space<vmem>>, vector<1x1x16xf32>,
        %parallel_loop3A_531 = vector.shape_cast %parallel_loop3A_530 : vector<1x1x16xf32> to vector<16xf32>
        %parallel_loop3A_532 = arith.constant 3.200000e+01 : f32
        %parallel_loop3A_533 = vector.broadcast %parallel_loop3A_532 : f32 to vector<16xf32>
        %parallel_loop3A_534 = arith.mulf %parallel_loop3A_531, %parallel_loop3A_533 : vector<16xf32>
        %parallel_loop3A_535 = arith.index_cast %rem3A_123 : i32 to index
        %parallel_loop3A_536 = arith.index_cast %parallel_loop3A_162 : i32 to index
        %parallel_loop3A_537 = arith.constant 416 : index
        %parallel_loop3A_538 = tpu.vector_load %arg6[%parallel_loop3A_535, %parallel_loop3A_536, %parallel_loop3A_537] {strides = array<i32>} : memref<7x16x1024xf32, #tpu.memory_space<vmem>>, vector<1x1x16xf32>,
        %parallel_loop3A_539 = vector.shape_cast %parallel_loop3A_538 : vector<1x1x16xf32> to vector<16xf32>
        %parallel_loop3A_540 = vector.shape_cast %parallel_loop3A_534 : vector<16xf32> to vector<1x1x16xf32>
        tpu.vector_store %arg6[%parallel_loop3A_535, %parallel_loop3A_536, %parallel_loop3A_537], %parallel_loop3A_540 {strides = array<i32>} : memref<7x16x1024xf32, #tpu.memory_space<vmem>>, vector<1x1x16xf32>,
        %parallel_loop3A_541 = arith.index_cast %rem3A_123 : i32 to index
        %parallel_loop3A_542 = arith.index_cast %parallel_loop3A_162 : i32 to index
        %parallel_loop3A_543 = arith.constant 432 : index
        %parallel_loop3A_544 = tpu.vector_load %arg6[%parallel_loop3A_541, %parallel_loop3A_542, %parallel_loop3A_543] {strides = array<i32>} : memref<7x16x1024xf32, #tpu.memory_space<vmem>>, vector<1x1x16xf32>,
        %parallel_loop3A_545 = vector.shape_cast %parallel_loop3A_544 : vector<1x1x16xf32> to vector<16xf32>
        %parallel_loop3A_546 = arith.constant 3.200000e+01 : f32
        %parallel_loop3A_547 = vector.broadcast %parallel_loop3A_546 : f32 to vector<16xf32>
        %parallel_loop3A_548 = arith.mulf %parallel_loop3A_545, %parallel_loop3A_547 : vector<16xf32>
        %parallel_loop3A_549 = arith.index_cast %rem3A_123 : i32 to index
        %parallel_loop3A_550 = arith.index_cast %parallel_loop3A_162 : i32 to index
        %parallel_loop3A_551 = arith.constant 432 : index
        %parallel_loop3A_552 = tpu.vector_load %arg6[%parallel_loop3A_549, %parallel_loop3A_550, %parallel_loop3A_551] {strides = array<i32>} : memref<7x16x1024xf32, #tpu.memory_space<vmem>>, vector<1x1x16xf32>,
        %parallel_loop3A_553 = vector.shape_cast %parallel_loop3A_552 : vector<1x1x16xf32> to vector<16xf32>
        %parallel_loop3A_554 = vector.shape_cast %parallel_loop3A_548 : vector<16xf32> to vector<1x1x16xf32>
        tpu.vector_store %arg6[%parallel_loop3A_549, %parallel_loop3A_550, %parallel_loop3A_551], %parallel_loop3A_554 {strides = array<i32>} : memref<7x16x1024xf32, #tpu.memory_space<vmem>>, vector<1x1x16xf32>,
        %parallel_loop3A_555 = arith.index_cast %rem3A_123 : i32 to index
        %parallel_loop3A_556 = arith.index_cast %parallel_loop3A_162 : i32 to index
        %parallel_loop3A_557 = arith.constant 448 : index
        %parallel_loop3A_558 = tpu.vector_load %arg6[%parallel_loop3A_555, %parallel_loop3A_556, %parallel_loop3A_557] {strides = array<i32>} : memref<7x16x1024xf32, #tpu.memory_space<vmem>>, vector<1x1x16xf32>,
        %parallel_loop3A_559 = vector.shape_cast %parallel_loop3A_558 : vector<1x1x16xf32> to vector<16xf32>
        %parallel_loop3A_560 = arith.constant 3.200000e+01 : f32
        %parallel_loop3A_561 = vector.broadcast %parallel_loop3A_560 : f32 to vector<16xf32>
        %parallel_loop3A_562 = arith.mulf %parallel_loop3A_559, %parallel_loop3A_561 : vector<16xf32>
        %parallel_loop3A_563 = arith.index_cast %rem3A_123 : i32 to index
        %parallel_loop3A_564 = arith.index_cast %parallel_loop3A_162 : i32 to index
        %parallel_loop3A_565 = arith.constant 448 : index
        %parallel_loop3A_566 = tpu.vector_load %arg6[%parallel_loop3A_563, %parallel_loop3A_564, %parallel_loop3A_565] {strides = array<i32>} : memref<7x16x1024xf32, #tpu.memory_space<vmem>>, vector<1x1x16xf32>,
        %parallel_loop3A_567 = vector.shape_cast %parallel_loop3A_566 : vector<1x1x16xf32> to vector<16xf32>
        %parallel_loop3A_568 = vector.shape_cast %parallel_loop3A_562 : vector<16xf32> to vector<1x1x16xf32>
        tpu.vector_store %arg6[%parallel_loop3A_563, %parallel_loop3A_564, %parallel_loop3A_565], %parallel_loop3A_568 {strides = array<i32>} : memref<7x16x1024xf32, #tpu.memory_space<vmem>>, vector<1x1x16xf32>,
        %parallel_loop3A_569 = arith.index_cast %rem3A_123 : i32 to index
        %parallel_loop3A_570 = arith.index_cast %parallel_loop3A_162 : i32 to index
        %parallel_loop3A_571 = arith.constant 464 : index
        %parallel_loop3A_572 = tpu.vector_load %arg6[%parallel_loop3A_569, %parallel_loop3A_570, %parallel_loop3A_571] {strides = array<i32>} : memref<7x16x1024xf32, #tpu.memory_space<vmem>>, vector<1x1x16xf32>,
        %parallel_loop3A_573 = vector.shape_cast %parallel_loop3A_572 : vector<1x1x16xf32> to vector<16xf32>
        %parallel_loop3A_574 = arith.constant 3.200000e+01 : f32
        %parallel_loop3A_575 = vector.broadcast %parallel_loop3A_574 : f32 to vector<16xf32>
        %parallel_loop3A_576 = arith.mulf %parallel_loop3A_573, %parallel_loop3A_575 : vector<16xf32>
        %parallel_loop3A_577 = arith.index_cast %rem3A_123 : i32 to index
        %parallel_loop3A_578 = arith.index_cast %parallel_loop3A_162 : i32 to index
        %parallel_loop3A_579 = arith.constant 464 : index
        %parallel_loop3A_580 = tpu.vector_load %arg6[%parallel_loop3A_577, %parallel_loop3A_578, %parallel_loop3A_579] {strides = array<i32>} : memref<7x16x1024xf32, #tpu.memory_space<vmem>>, vector<1x1x16xf32>,
        %parallel_loop3A_581 = vector.shape_cast %parallel_loop3A_580 : vector<1x1x16xf32> to vector<16xf32>
        %parallel_loop3A_582 = vector.shape_cast %parallel_loop3A_576 : vector<16xf32> to vector<1x1x16xf32>
        tpu.vector_store %arg6[%parallel_loop3A_577, %parallel_loop3A_578, %parallel_loop3A_579], %parallel_loop3A_582 {strides = array<i32>} : memref<7x16x1024xf32, #tpu.memory_space<vmem>>, vector<1x1x16xf32>,
        %parallel_loop3A_583 = arith.index_cast %rem3A_123 : i32 to index
        %parallel_loop3A_584 = arith.index_cast %parallel_loop3A_162 : i32 to index
        %parallel_loop3A_585 = arith.constant 480 : index
        %parallel_loop3A_586 = tpu.vector_load %arg6[%parallel_loop3A_583, %parallel_loop3A_584, %parallel_loop3A_585] {strides = array<i32>} : memref<7x16x1024xf32, #tpu.memory_space<vmem>>, vector<1x1x16xf32>,
        %parallel_loop3A_587 = vector.shape_cast %parallel_loop3A_586 : vector<1x1x16xf32> to vector<16xf32>
        %parallel_loop3A_588 = arith.constant 3.200000e+01 : f32
        %parallel_loop3A_589 = vector.broadcast %parallel_loop3A_588 : f32 to vector<16xf32>
        %parallel_loop3A_590 = arith.mulf %parallel_loop3A_587, %parallel_loop3A_589 : vector<16xf32>
        %parallel_loop3A_591 = arith.index_cast %rem3A_123 : i32 to index
        %parallel_loop3A_592 = arith.index_cast %parallel_loop3A_162 : i32 to index
        %parallel_loop3A_593 = arith.constant 480 : index
        %parallel_loop3A_594 = tpu.vector_load %arg6[%parallel_loop3A_591, %parallel_loop3A_592, %parallel_loop3A_593] {strides = array<i32>} : memref<7x16x1024xf32, #tpu.memory_space<vmem>>, vector<1x1x16xf32>,
        %parallel_loop3A_595 = vector.shape_cast %parallel_loop3A_594 : vector<1x1x16xf32> to vector<16xf32>
        %parallel_loop3A_596 = vector.shape_cast %parallel_loop3A_590 : vector<16xf32> to vector<1x1x16xf32>
        tpu.vector_store %arg6[%parallel_loop3A_591, %parallel_loop3A_592, %parallel_loop3A_593], %parallel_loop3A_596 {strides = array<i32>} : memref<7x16x1024xf32, #tpu.memory_space<vmem>>, vector<1x1x16xf32>,
        %parallel_loop3A_597 = arith.index_cast %rem3A_123 : i32 to index
        %parallel_loop3A_598 = arith.index_cast %parallel_loop3A_162 : i32 to index
        %parallel_loop3A_599 = arith.constant 496 : index
        %parallel_loop3A_600 = tpu.vector_load %arg6[%parallel_loop3A_597, %parallel_loop3A_598, %parallel_loop3A_599] {strides = array<i32>} : memref<7x16x1024xf32, #tpu.memory_space<vmem>>, vector<1x1x16xf32>,
        %parallel_loop3A_601 = vector.shape_cast %parallel_loop3A_600 : vector<1x1x16xf32> to vector<16xf32>
        %parallel_loop3A_602 = arith.constant 3.200000e+01 : f32
        %parallel_loop3A_603 = vector.broadcast %parallel_loop3A_602 : f32 to vector<16xf32>
        %parallel_loop3A_604 = arith.mulf %parallel_loop3A_601, %parallel_loop3A_603 : vector<16xf32>
        %parallel_loop3A_605 = arith.index_cast %rem3A_123 : i32 to index
        %parallel_loop3A_606 = arith.index_cast %parallel_loop3A_162 : i32 to index
        %parallel_loop3A_607 = arith.constant 496 : index
        %parallel_loop3A_608 = tpu.vector_load %arg6[%parallel_loop3A_605, %parallel_loop3A_606, %parallel_loop3A_607] {strides = array<i32>} : memref<7x16x1024xf32, #tpu.memory_space<vmem>>, vector<1x1x16xf32>,
        %parallel_loop3A_609 = vector.shape_cast %parallel_loop3A_608 : vector<1x1x16xf32> to vector<16xf32>
        %parallel_loop3A_610 = vector.shape_cast %parallel_loop3A_604 : vector<16xf32> to vector<1x1x16xf32>
        tpu.vector_store %arg6[%parallel_loop3A_605, %parallel_loop3A_606, %parallel_loop3A_607], %parallel_loop3A_610 {strides = array<i32>} : memref<7x16x1024xf32, #tpu.memory_space<vmem>>, vector<1x1x16xf32>,
        %parallel_loop3A_611 = arith.index_cast %rem3A_123 : i32 to index
        %parallel_loop3A_612 = arith.index_cast %parallel_loop3A_162 : i32 to index
        %parallel_loop3A_613 = arith.constant 512 : index
        %parallel_loop3A_614 = tpu.vector_load %arg6[%parallel_loop3A_611, %parallel_loop3A_612, %parallel_loop3A_613] {strides = array<i32>} : memref<7x16x1024xf32, #tpu.memory_space<vmem>>, vector<1x1x16xf32>,
        %parallel_loop3A_615 = vector.shape_cast %parallel_loop3A_614 : vector<1x1x16xf32> to vector<16xf32>
        %parallel_loop3A_616 = arith.constant 3.200000e+01 : f32
        %parallel_loop3A_617 = vector.broadcast %parallel_loop3A_616 : f32 to vector<16xf32>
        %parallel_loop3A_618 = arith.mulf %parallel_loop3A_615, %parallel_loop3A_617 : vector<16xf32>
        %parallel_loop3A_619 = arith.index_cast %rem3A_123 : i32 to index
        %parallel_loop3A_620 = arith.index_cast %parallel_loop3A_162 : i32 to index
        %parallel_loop3A_621 = arith.constant 512 : index
        %parallel_loop3A_622 = tpu.vector_load %arg6[%parallel_loop3A_619, %parallel_loop3A_620, %parallel_loop3A_621] {strides = array<i32>} : memref<7x16x1024xf32, #tpu.memory_space<vmem>>, vector<1x1x16xf32>,
        %parallel_loop3A_623 = vector.shape_cast %parallel_loop3A_622 : vector<1x1x16xf32> to vector<16xf32>
        %parallel_loop3A_624 = vector.shape_cast %parallel_loop3A_618 : vector<16xf32> to vector<1x1x16xf32>
        tpu.vector_store %arg6[%parallel_loop3A_619, %parallel_loop3A_620, %parallel_loop3A_621], %parallel_loop3A_624 {strides = array<i32>} : memref<7x16x1024xf32, #tpu.memory_space<vmem>>, vector<1x1x16xf32>,
        %parallel_loop3A_625 = arith.index_cast %rem3A_123 : i32 to index
        %parallel_loop3A_626 = arith.index_cast %parallel_loop3A_162 : i32 to index
        %parallel_loop3A_627 = arith.constant 528 : index
        %parallel_loop3A_628 = tpu.vector_load %arg6[%parallel_loop3A_625, %parallel_loop3A_626, %parallel_loop3A_627] {strides = array<i32>} : memref<7x16x1024xf32, #tpu.memory_space<vmem>>, vector<1x1x16xf32>,
        %parallel_loop3A_629 = vector.shape_cast %parallel_loop3A_628 : vector<1x1x16xf32> to vector<16xf32>
        %parallel_loop3A_630 = arith.constant 3.200000e+01 : f32
        %parallel_loop3A_631 = vector.broadcast %parallel_loop3A_630 : f32 to vector<16xf32>
        %parallel_loop3A_632 = arith.mulf %parallel_loop3A_629, %parallel_loop3A_631 : vector<16xf32>
        %parallel_loop3A_633 = arith.index_cast %rem3A_123 : i32 to index
        %parallel_loop3A_634 = arith.index_cast %parallel_loop3A_162 : i32 to index
        %parallel_loop3A_635 = arith.constant 528 : index
        %parallel_loop3A_636 = tpu.vector_load %arg6[%parallel_loop3A_633, %parallel_loop3A_634, %parallel_loop3A_635] {strides = array<i32>} : memref<7x16x1024xf32, #tpu.memory_space<vmem>>, vector<1x1x16xf32>,
        %parallel_loop3A_637 = vector.shape_cast %parallel_loop3A_636 : vector<1x1x16xf32> to vector<16xf32>
        %parallel_loop3A_638 = vector.shape_cast %parallel_loop3A_632 : vector<16xf32> to vector<1x1x16xf32>
        tpu.vector_store %arg6[%parallel_loop3A_633, %parallel_loop3A_634, %parallel_loop3A_635], %parallel_loop3A_638 {strides = array<i32>} : memref<7x16x1024xf32, #tpu.memory_space<vmem>>, vector<1x1x16xf32>,
        %parallel_loop3A_639 = arith.index_cast %rem3A_123 : i32 to index
        %parallel_loop3A_640 = arith.index_cast %parallel_loop3A_162 : i32 to index
        %parallel_loop3A_641 = arith.constant 544 : index
        %parallel_loop3A_642 = tpu.vector_load %arg6[%parallel_loop3A_639, %parallel_loop3A_640, %parallel_loop3A_641] {strides = array<i32>} : memref<7x16x1024xf32, #tpu.memory_space<vmem>>, vector<1x1x16xf32>,
        %parallel_loop3A_643 = vector.shape_cast %parallel_loop3A_642 : vector<1x1x16xf32> to vector<16xf32>
        %parallel_loop3A_644 = arith.constant 3.200000e+01 : f32
        %parallel_loop3A_645 = vector.broadcast %parallel_loop3A_644 : f32 to vector<16xf32>
        %parallel_loop3A_646 = arith.mulf %parallel_loop3A_643, %parallel_loop3A_645 : vector<16xf32>
        %parallel_loop3A_647 = arith.index_cast %rem3A_123 : i32 to index
        %parallel_loop3A_648 = arith.index_cast %parallel_loop3A_162 : i32 to index
        %parallel_loop3A_649 = arith.constant 544 : index
        %parallel_loop3A_650 = tpu.vector_load %arg6[%parallel_loop3A_647, %parallel_loop3A_648, %parallel_loop3A_649] {strides = array<i32>} : memref<7x16x1024xf32, #tpu.memory_space<vmem>>, vector<1x1x16xf32>,
        %parallel_loop3A_651 = vector.shape_cast %parallel_loop3A_650 : vector<1x1x16xf32> to vector<16xf32>
        %parallel_loop3A_652 = vector.shape_cast %parallel_loop3A_646 : vector<16xf32> to vector<1x1x16xf32>
        tpu.vector_store %arg6[%parallel_loop3A_647, %parallel_loop3A_648, %parallel_loop3A_649], %parallel_loop3A_652 {strides = array<i32>} : memref<7x16x1024xf32, #tpu.memory_space<vmem>>, vector<1x1x16xf32>,
        %parallel_loop3A_653 = arith.index_cast %rem3A_123 : i32 to index
        %parallel_loop3A_654 = arith.index_cast %parallel_loop3A_162 : i32 to index
        %parallel_loop3A_655 = arith.constant 560 : index
        %parallel_loop3A_656 = tpu.vector_load %arg6[%parallel_loop3A_653, %parallel_loop3A_654, %parallel_loop3A_655] {strides = array<i32>} : memref<7x16x1024xf32, #tpu.memory_space<vmem>>, vector<1x1x16xf32>,
        %parallel_loop3A_657 = vector.shape_cast %parallel_loop3A_656 : vector<1x1x16xf32> to vector<16xf32>
        %parallel_loop3A_658 = arith.constant 3.200000e+01 : f32
        %parallel_loop3A_659 = vector.broadcast %parallel_loop3A_658 : f32 to vector<16xf32>
        %parallel_loop3A_660 = arith.mulf %parallel_loop3A_657, %parallel_loop3A_659 : vector<16xf32>
        %parallel_loop3A_661 = arith.index_cast %rem3A_123 : i32 to index
        %parallel_loop3A_662 = arith.index_cast %parallel_loop3A_162 : i32 to index
        %parallel_loop3A_663 = arith.constant 560 : index
        %parallel_loop3A_664 = tpu.vector_load %arg6[%parallel_loop3A_661, %parallel_loop3A_662, %parallel_loop3A_663] {strides = array<i32>} : memref<7x16x1024xf32, #tpu.memory_space<vmem>>, vector<1x1x16xf32>,
        %parallel_loop3A_665 = vector.shape_cast %parallel_loop3A_664 : vector<1x1x16xf32> to vector<16xf32>
        %parallel_loop3A_666 = vector.shape_cast %parallel_loop3A_660 : vector<16xf32> to vector<1x1x16xf32>
        tpu.vector_store %arg6[%parallel_loop3A_661, %parallel_loop3A_662, %parallel_loop3A_663], %parallel_loop3A_666 {strides = array<i32>} : memref<7x16x1024xf32, #tpu.memory_space<vmem>>, vector<1x1x16xf32>,
        %parallel_loop3A_667 = arith.index_cast %rem3A_123 : i32 to index
        %parallel_loop3A_668 = arith.index_cast %parallel_loop3A_162 : i32 to index
        %parallel_loop3A_669 = arith.constant 576 : index
        %parallel_loop3A_670 = tpu.vector_load %arg6[%parallel_loop3A_667, %parallel_loop3A_668, %parallel_loop3A_669] {strides = array<i32>} : memref<7x16x1024xf32, #tpu.memory_space<vmem>>, vector<1x1x16xf32>,
        %parallel_loop3A_671 = vector.shape_cast %parallel_loop3A_670 : vector<1x1x16xf32> to vector<16xf32>
        %parallel_loop3A_672 = arith.constant 3.200000e+01 : f32
        %parallel_loop3A_673 = vector.broadcast %parallel_loop3A_672 : f32 to vector<16xf32>
        %parallel_loop3A_674 = arith.mulf %parallel_loop3A_671, %parallel_loop3A_673 : vector<16xf32>
        %parallel_loop3A_675 = arith.index_cast %rem3A_123 : i32 to index
        %parallel_loop3A_676 = arith.index_cast %parallel_loop3A_162 : i32 to index
        %parallel_loop3A_677 = arith.constant 576 : index
        %parallel_loop3A_678 = tpu.vector_load %arg6[%parallel_loop3A_675, %parallel_loop3A_676, %parallel_loop3A_677] {strides = array<i32>} : memref<7x16x1024xf32, #tpu.memory_space<vmem>>, vector<1x1x16xf32>,
        %parallel_loop3A_679 = vector.shape_cast %parallel_loop3A_678 : vector<1x1x16xf32> to vector<16xf32>
        %parallel_loop3A_680 = vector.shape_cast %parallel_loop3A_674 : vector<16xf32> to vector<1x1x16xf32>
        tpu.vector_store %arg6[%parallel_loop3A_675, %parallel_loop3A_676, %parallel_loop3A_677], %parallel_loop3A_680 {strides = array<i32>} : memref<7x16x1024xf32, #tpu.memory_space<vmem>>, vector<1x1x16xf32>,
        %parallel_loop3A_681 = arith.index_cast %rem3A_123 : i32 to index
        %parallel_loop3A_682 = arith.index_cast %parallel_loop3A_162 : i32 to index
        %parallel_loop3A_683 = arith.constant 592 : index
        %parallel_loop3A_684 = tpu.vector_load %arg6[%parallel_loop3A_681, %parallel_loop3A_682, %parallel_loop3A_683] {strides = array<i32>} : memref<7x16x1024xf32, #tpu.memory_space<vmem>>, vector<1x1x16xf32>,
        %parallel_loop3A_685 = vector.shape_cast %parallel_loop3A_684 : vector<1x1x16xf32> to vector<16xf32>
        %parallel_loop3A_686 = arith.constant 3.200000e+01 : f32
        %parallel_loop3A_687 = vector.broadcast %parallel_loop3A_686 : f32 to vector<16xf32>
        %parallel_loop3A_688 = arith.mulf %parallel_loop3A_685, %parallel_loop3A_687 : vector<16xf32>
        %parallel_loop3A_689 = arith.index_cast %rem3A_123 : i32 to index
        %parallel_loop3A_690 = arith.index_cast %parallel_loop3A_162 : i32 to index
        %parallel_loop3A_691 = arith.constant 592 : index
        %parallel_loop3A_692 = tpu.vector_load %arg6[%parallel_loop3A_689, %parallel_loop3A_690, %parallel_loop3A_691] {strides = array<i32>} : memref<7x16x1024xf32, #tpu.memory_space<vmem>>, vector<1x1x16xf32>,
        %parallel_loop3A_693 = vector.shape_cast %parallel_loop3A_692 : vector<1x1x16xf32> to vector<16xf32>
        %parallel_loop3A_694 = vector.shape_cast %parallel_loop3A_688 : vector<16xf32> to vector<1x1x16xf32>
        tpu.vector_store %arg6[%parallel_loop3A_689, %parallel_loop3A_690, %parallel_loop3A_691], %parallel_loop3A_694 {strides = array<i32>} : memref<7x16x1024xf32, #tpu.memory_space<vmem>>, vector<1x1x16xf32>,
        %parallel_loop3A_695 = arith.index_cast %rem3A_123 : i32 to index
        %parallel_loop3A_696 = arith.index_cast %parallel_loop3A_162 : i32 to index
        %parallel_loop3A_697 = arith.constant 608 : index
        %parallel_loop3A_698 = tpu.vector_load %arg6[%parallel_loop3A_695, %parallel_loop3A_696, %parallel_loop3A_697] {strides = array<i32>} : memref<7x16x1024xf32, #tpu.memory_space<vmem>>, vector<1x1x16xf32>,
        %parallel_loop3A_699 = vector.shape_cast %parallel_loop3A_698 : vector<1x1x16xf32> to vector<16xf32>
        %parallel_loop3A_700 = arith.constant 3.200000e+01 : f32
        %parallel_loop3A_701 = vector.broadcast %parallel_loop3A_700 : f32 to vector<16xf32>
        %parallel_loop3A_702 = arith.mulf %parallel_loop3A_699, %parallel_loop3A_701 : vector<16xf32>
        %parallel_loop3A_703 = arith.index_cast %rem3A_123 : i32 to index
        %parallel_loop3A_704 = arith.index_cast %parallel_loop3A_162 : i32 to index
        %parallel_loop3A_705 = arith.constant 608 : index
        %parallel_loop3A_706 = tpu.vector_load %arg6[%parallel_loop3A_703, %parallel_loop3A_704, %parallel_loop3A_705] {strides = array<i32>} : memref<7x16x1024xf32, #tpu.memory_space<vmem>>, vector<1x1x16xf32>,
        %parallel_loop3A_707 = vector.shape_cast %parallel_loop3A_706 : vector<1x1x16xf32> to vector<16xf32>
        %parallel_loop3A_708 = vector.shape_cast %parallel_loop3A_702 : vector<16xf32> to vector<1x1x16xf32>
        tpu.vector_store %arg6[%parallel_loop3A_703, %parallel_loop3A_704, %parallel_loop3A_705], %parallel_loop3A_708 {strides = array<i32>} : memref<7x16x1024xf32, #tpu.memory_space<vmem>>, vector<1x1x16xf32>,
        %parallel_loop3A_709 = arith.index_cast %rem3A_123 : i32 to index
        %parallel_loop3A_710 = arith.index_cast %parallel_loop3A_162 : i32 to index
        %parallel_loop3A_711 = arith.constant 624 : index
        %parallel_loop3A_712 = tpu.vector_load %arg6[%parallel_loop3A_709, %parallel_loop3A_710, %parallel_loop3A_711] {strides = array<i32>} : memref<7x16x1024xf32, #tpu.memory_space<vmem>>, vector<1x1x16xf32>,
        %parallel_loop3A_713 = vector.shape_cast %parallel_loop3A_712 : vector<1x1x16xf32> to vector<16xf32>
        %parallel_loop3A_714 = arith.constant 3.200000e+01 : f32
        %parallel_loop3A_715 = vector.broadcast %parallel_loop3A_714 : f32 to vector<16xf32>
        %parallel_loop3A_716 = arith.mulf %parallel_loop3A_713, %parallel_loop3A_715 : vector<16xf32>
        %parallel_loop3A_717 = arith.index_cast %rem3A_123 : i32 to index
        %parallel_loop3A_718 = arith.index_cast %parallel_loop3A_162 : i32 to index
        %parallel_loop3A_719 = arith.constant 624 : index
        %parallel_loop3A_720 = tpu.vector_load %arg6[%parallel_loop3A_717, %parallel_loop3A_718, %parallel_loop3A_719] {strides = array<i32>} : memref<7x16x1024xf32, #tpu.memory_space<vmem>>, vector<1x1x16xf32>,
        %parallel_loop3A_721 = vector.shape_cast %parallel_loop3A_720 : vector<1x1x16xf32> to vector<16xf32>
        %parallel_loop3A_722 = vector.shape_cast %parallel_loop3A_716 : vector<16xf32> to vector<1x1x16xf32>
        tpu.vector_store %arg6[%parallel_loop3A_717, %parallel_loop3A_718, %parallel_loop3A_719], %parallel_loop3A_722 {strides = array<i32>} : memref<7x16x1024xf32, #tpu.memory_space<vmem>>, vector<1x1x16xf32>,
        %parallel_loop3A_723 = arith.index_cast %rem3A_123 : i32 to index
        %parallel_loop3A_724 = arith.index_cast %parallel_loop3A_162 : i32 to index
        %parallel_loop3A_725 = arith.constant 640 : index
        %parallel_loop3A_726 = tpu.vector_load %arg6[%parallel_loop3A_723, %parallel_loop3A_724, %parallel_loop3A_725] {strides = array<i32>} : memref<7x16x1024xf32, #tpu.memory_space<vmem>>, vector<1x1x16xf32>,
        %parallel_loop3A_727 = vector.shape_cast %parallel_loop3A_726 : vector<1x1x16xf32> to vector<16xf32>
        %parallel_loop3A_728 = arith.constant 3.200000e+01 : f32
        %parallel_loop3A_729 = vector.broadcast %parallel_loop3A_728 : f32 to vector<16xf32>
        %parallel_loop3A_730 = arith.mulf %parallel_loop3A_727, %parallel_loop3A_729 : vector<16xf32>
        %parallel_loop3A_731 = arith.index_cast %rem3A_123 : i32 to index
        %parallel_loop3A_732 = arith.index_cast %parallel_loop3A_162 : i32 to index
        %parallel_loop3A_733 = arith.constant 640 : index
        %parallel_loop3A_734 = tpu.vector_load %arg6[%parallel_loop3A_731, %parallel_loop3A_732, %parallel_loop3A_733] {strides = array<i32>} : memref<7x16x1024xf32, #tpu.memory_space<vmem>>, vector<1x1x16xf32>,
        %parallel_loop3A_735 = vector.shape_cast %parallel_loop3A_734 : vector<1x1x16xf32> to vector<16xf32>
        %parallel_loop3A_736 = vector.shape_cast %parallel_loop3A_730 : vector<16xf32> to vector<1x1x16xf32>
        tpu.vector_store %arg6[%parallel_loop3A_731, %parallel_loop3A_732, %parallel_loop3A_733], %parallel_loop3A_736 {strides = array<i32>} : memref<7x16x1024xf32, #tpu.memory_space<vmem>>, vector<1x1x16xf32>,
        %parallel_loop3A_737 = arith.index_cast %rem3A_123 : i32 to index
        %parallel_loop3A_738 = arith.index_cast %parallel_loop3A_162 : i32 to index
        %parallel_loop3A_739 = arith.constant 656 : index
        %parallel_loop3A_740 = tpu.vector_load %arg6[%parallel_loop3A_737, %parallel_loop3A_738, %parallel_loop3A_739] {strides = array<i32>} : memref<7x16x1024xf32, #tpu.memory_space<vmem>>, vector<1x1x16xf32>,
        %parallel_loop3A_741 = vector.shape_cast %parallel_loop3A_740 : vector<1x1x16xf32> to vector<16xf32>
        %parallel_loop3A_742 = arith.constant 3.200000e+01 : f32
        %parallel_loop3A_743 = vector.broadcast %parallel_loop3A_742 : f32 to vector<16xf32>
        %parallel_loop3A_744 = arith.mulf %parallel_loop3A_741, %parallel_loop3A_743 : vector<16xf32>
        %parallel_loop3A_745 = arith.index_cast %rem3A_123 : i32 to index
        %parallel_loop3A_746 = arith.index_cast %parallel_loop3A_162 : i32 to index
        %parallel_loop3A_747 = arith.constant 656 : index
        %parallel_loop3A_748 = tpu.vector_load %arg6[%parallel_loop3A_745, %parallel_loop3A_746, %parallel_loop3A_747] {strides = array<i32>} : memref<7x16x1024xf32, #tpu.memory_space<vmem>>, vector<1x1x16xf32>,
        %parallel_loop3A_749 = vector.shape_cast %parallel_loop3A_748 : vector<1x1x16xf32> to vector<16xf32>
        %parallel_loop3A_750 = vector.shape_cast %parallel_loop3A_744 : vector<16xf32> to vector<1x1x16xf32>
        tpu.vector_store %arg6[%parallel_loop3A_745, %parallel_loop3A_746, %parallel_loop3A_747], %parallel_loop3A_750 {strides = array<i32>} : memref<7x16x1024xf32, #tpu.memory_space<vmem>>, vector<1x1x16xf32>,
        %parallel_loop3A_751 = arith.index_cast %rem3A_123 : i32 to index
        %parallel_loop3A_752 = arith.index_cast %parallel_loop3A_162 : i32 to index
        %parallel_loop3A_753 = arith.constant 672 : index
        %parallel_loop3A_754 = tpu.vector_load %arg6[%parallel_loop3A_751, %parallel_loop3A_752, %parallel_loop3A_753] {strides = array<i32>} : memref<7x16x1024xf32, #tpu.memory_space<vmem>>, vector<1x1x16xf32>,
        %parallel_loop3A_755 = vector.shape_cast %parallel_loop3A_754 : vector<1x1x16xf32> to vector<16xf32>
        %parallel_loop3A_756 = arith.constant 3.200000e+01 : f32
        %parallel_loop3A_757 = vector.broadcast %parallel_loop3A_756 : f32 to vector<16xf32>
        %parallel_loop3A_758 = arith.mulf %parallel_loop3A_755, %parallel_loop3A_757 : vector<16xf32>
        %parallel_loop3A_759 = arith.index_cast %rem3A_123 : i32 to index
        %parallel_loop3A_760 = arith.index_cast %parallel_loop3A_162 : i32 to index
        %parallel_loop3A_761 = arith.constant 672 : index
        %parallel_loop3A_762 = tpu.vector_load %arg6[%parallel_loop3A_759, %parallel_loop3A_760, %parallel_loop3A_761] {strides = array<i32>} : memref<7x16x1024xf32, #tpu.memory_space<vmem>>, vector<1x1x16xf32>,
        %parallel_loop3A_763 = vector.shape_cast %parallel_loop3A_762 : vector<1x1x16xf32> to vector<16xf32>
        %parallel_loop3A_764 = vector.shape_cast %parallel_loop3A_758 : vector<16xf32> to vector<1x1x16xf32>
        tpu.vector_store %arg6[%parallel_loop3A_759, %parallel_loop3A_760, %parallel_loop3A_761], %parallel_loop3A_764 {strides = array<i32>} : memref<7x16x1024xf32, #tpu.memory_space<vmem>>, vector<1x1x16xf32>,
        %parallel_loop3A_765 = arith.index_cast %rem3A_123 : i32 to index
        %parallel_loop3A_766 = arith.index_cast %parallel_loop3A_162 : i32 to index
        %parallel_loop3A_767 = arith.constant 688 : index
        %parallel_loop3A_768 = tpu.vector_load %arg6[%parallel_loop3A_765, %parallel_loop3A_766, %parallel_loop3A_767] {strides = array<i32>} : memref<7x16x1024xf32, #tpu.memory_space<vmem>>, vector<1x1x16xf32>,
        %parallel_loop3A_769 = vector.shape_cast %parallel_loop3A_768 : vector<1x1x16xf32> to vector<16xf32>
        %parallel_loop3A_770 = arith.constant 3.200000e+01 : f32
        %parallel_loop3A_771 = vector.broadcast %parallel_loop3A_770 : f32 to vector<16xf32>
        %parallel_loop3A_772 = arith.mulf %parallel_loop3A_769, %parallel_loop3A_771 : vector<16xf32>
        %parallel_loop3A_773 = arith.index_cast %rem3A_123 : i32 to index
        %parallel_loop3A_774 = arith.index_cast %parallel_loop3A_162 : i32 to index
        %parallel_loop3A_775 = arith.constant 688 : index
        %parallel_loop3A_776 = tpu.vector_load %arg6[%parallel_loop3A_773, %parallel_loop3A_774, %parallel_loop3A_775] {strides = array<i32>} : memref<7x16x1024xf32, #tpu.memory_space<vmem>>, vector<1x1x16xf32>,
        %parallel_loop3A_777 = vector.shape_cast %parallel_loop3A_776 : vector<1x1x16xf32> to vector<16xf32>
        %parallel_loop3A_778 = vector.shape_cast %parallel_loop3A_772 : vector<16xf32> to vector<1x1x16xf32>
        tpu.vector_store %arg6[%parallel_loop3A_773, %parallel_loop3A_774, %parallel_loop3A_775], %parallel_loop3A_778 {strides = array<i32>} : memref<7x16x1024xf32, #tpu.memory_space<vmem>>, vector<1x1x16xf32>,
        %parallel_loop3A_779 = arith.index_cast %rem3A_123 : i32 to index
        %parallel_loop3A_780 = arith.index_cast %parallel_loop3A_162 : i32 to index
        %parallel_loop3A_781 = arith.constant 704 : index
        %parallel_loop3A_782 = tpu.vector_load %arg6[%parallel_loop3A_779, %parallel_loop3A_780, %parallel_loop3A_781] {strides = array<i32>} : memref<7x16x1024xf32, #tpu.memory_space<vmem>>, vector<1x1x16xf32>,
        %parallel_loop3A_783 = vector.shape_cast %parallel_loop3A_782 : vector<1x1x16xf32> to vector<16xf32>
        %parallel_loop3A_784 = arith.constant 3.200000e+01 : f32
        %parallel_loop3A_785 = vector.broadcast %parallel_loop3A_784 : f32 to vector<16xf32>
        %parallel_loop3A_786 = arith.mulf %parallel_loop3A_783, %parallel_loop3A_785 : vector<16xf32>
        %parallel_loop3A_787 = arith.index_cast %rem3A_123 : i32 to index
        %parallel_loop3A_788 = arith.index_cast %parallel_loop3A_162 : i32 to index
        %parallel_loop3A_789 = arith.constant 704 : index
        %parallel_loop3A_790 = tpu.vector_load %arg6[%parallel_loop3A_787, %parallel_loop3A_788, %parallel_loop3A_789] {strides = array<i32>} : memref<7x16x1024xf32, #tpu.memory_space<vmem>>, vector<1x1x16xf32>,
        %parallel_loop3A_791 = vector.shape_cast %parallel_loop3A_790 : vector<1x1x16xf32> to vector<16xf32>
        %parallel_loop3A_792 = vector.shape_cast %parallel_loop3A_786 : vector<16xf32> to vector<1x1x16xf32>
        tpu.vector_store %arg6[%parallel_loop3A_787, %parallel_loop3A_788, %parallel_loop3A_789], %parallel_loop3A_792 {strides = array<i32>} : memref<7x16x1024xf32, #tpu.memory_space<vmem>>, vector<1x1x16xf32>,
        %parallel_loop3A_793 = arith.index_cast %rem3A_123 : i32 to index
        %parallel_loop3A_794 = arith.index_cast %parallel_loop3A_162 : i32 to index
        %parallel_loop3A_795 = arith.constant 720 : index
        %parallel_loop3A_796 = tpu.vector_load %arg6[%parallel_loop3A_793, %parallel_loop3A_794, %parallel_loop3A_795] {strides = array<i32>} : memref<7x16x1024xf32, #tpu.memory_space<vmem>>, vector<1x1x16xf32>,
        %parallel_loop3A_797 = vector.shape_cast %parallel_loop3A_796 : vector<1x1x16xf32> to vector<16xf32>
        %parallel_loop3A_798 = arith.constant 3.200000e+01 : f32
        %parallel_loop3A_799 = vector.broadcast %parallel_loop3A_798 : f32 to vector<16xf32>
        %parallel_loop3A_800 = arith.mulf %parallel_loop3A_797, %parallel_loop3A_799 : vector<16xf32>
        %parallel_loop3A_801 = arith.index_cast %rem3A_123 : i32 to index
        %parallel_loop3A_802 = arith.index_cast %parallel_loop3A_162 : i32 to index
        %parallel_loop3A_803 = arith.constant 720 : index
        %parallel_loop3A_804 = tpu.vector_load %arg6[%parallel_loop3A_801, %parallel_loop3A_802, %parallel_loop3A_803] {strides = array<i32>} : memref<7x16x1024xf32, #tpu.memory_space<vmem>>, vector<1x1x16xf32>,
        %parallel_loop3A_805 = vector.shape_cast %parallel_loop3A_804 : vector<1x1x16xf32> to vector<16xf32>
        %parallel_loop3A_806 = vector.shape_cast %parallel_loop3A_800 : vector<16xf32> to vector<1x1x16xf32>
        tpu.vector_store %arg6[%parallel_loop3A_801, %parallel_loop3A_802, %parallel_loop3A_803], %parallel_loop3A_806 {strides = array<i32>} : memref<7x16x1024xf32, #tpu.memory_space<vmem>>, vector<1x1x16xf32>,
        %parallel_loop3A_807 = arith.index_cast %rem3A_123 : i32 to index
        %parallel_loop3A_808 = arith.index_cast %parallel_loop3A_162 : i32 to index
        %parallel_loop3A_809 = arith.constant 736 : index
        %parallel_loop3A_810 = tpu.vector_load %arg6[%parallel_loop3A_807, %parallel_loop3A_808, %parallel_loop3A_809] {strides = array<i32>} : memref<7x16x1024xf32, #tpu.memory_space<vmem>>, vector<1x1x16xf32>,
        %parallel_loop3A_811 = vector.shape_cast %parallel_loop3A_810 : vector<1x1x16xf32> to vector<16xf32>
        %parallel_loop3A_812 = arith.constant 3.200000e+01 : f32
        %parallel_loop3A_813 = vector.broadcast %parallel_loop3A_812 : f32 to vector<16xf32>
        %parallel_loop3A_814 = arith.mulf %parallel_loop3A_811, %parallel_loop3A_813 : vector<16xf32>
        %parallel_loop3A_815 = arith.index_cast %rem3A_123 : i32 to index
        %parallel_loop3A_816 = arith.index_cast %parallel_loop3A_162 : i32 to index
        %parallel_loop3A_817 = arith.constant 736 : index
        %parallel_loop3A_818 = tpu.vector_load %arg6[%parallel_loop3A_815, %parallel_loop3A_816, %parallel_loop3A_817] {strides = array<i32>} : memref<7x16x1024xf32, #tpu.memory_space<vmem>>, vector<1x1x16xf32>,
        %parallel_loop3A_819 = vector.shape_cast %parallel_loop3A_818 : vector<1x1x16xf32> to vector<16xf32>
        %parallel_loop3A_820 = vector.shape_cast %parallel_loop3A_814 : vector<16xf32> to vector<1x1x16xf32>
        tpu.vector_store %arg6[%parallel_loop3A_815, %parallel_loop3A_816, %parallel_loop3A_817], %parallel_loop3A_820 {strides = array<i32>} : memref<7x16x1024xf32, #tpu.memory_space<vmem>>, vector<1x1x16xf32>,
        %parallel_loop3A_821 = arith.index_cast %rem3A_123 : i32 to index
        %parallel_loop3A_822 = arith.index_cast %parallel_loop3A_162 : i32 to index
        %parallel_loop3A_823 = arith.constant 752 : index
        %parallel_loop3A_824 = tpu.vector_load %arg6[%parallel_loop3A_821, %parallel_loop3A_822, %parallel_loop3A_823] {strides = array<i32>} : memref<7x16x1024xf32, #tpu.memory_space<vmem>>, vector<1x1x16xf32>,
        %parallel_loop3A_825 = vector.shape_cast %parallel_loop3A_824 : vector<1x1x16xf32> to vector<16xf32>
        %parallel_loop3A_826 = arith.constant 3.200000e+01 : f32
        %parallel_loop3A_827 = vector.broadcast %parallel_loop3A_826 : f32 to vector<16xf32>
        %parallel_loop3A_828 = arith.mulf %parallel_loop3A_825, %parallel_loop3A_827 : vector<16xf32>
        %parallel_loop3A_829 = arith.index_cast %rem3A_123 : i32 to index
        %parallel_loop3A_830 = arith.index_cast %parallel_loop3A_162 : i32 to index
        %parallel_loop3A_831 = arith.constant 752 : index
        %parallel_loop3A_832 = tpu.vector_load %arg6[%parallel_loop3A_829, %parallel_loop3A_830, %parallel_loop3A_831] {strides = array<i32>} : memref<7x16x1024xf32, #tpu.memory_space<vmem>>, vector<1x1x16xf32>,
        %parallel_loop3A_833 = vector.shape_cast %parallel_loop3A_832 : vector<1x1x16xf32> to vector<16xf32>
        %parallel_loop3A_834 = vector.shape_cast %parallel_loop3A_828 : vector<16xf32> to vector<1x1x16xf32>
        tpu.vector_store %arg6[%parallel_loop3A_829, %parallel_loop3A_830, %parallel_loop3A_831], %parallel_loop3A_834 {strides = array<i32>} : memref<7x16x1024xf32, #tpu.memory_space<vmem>>, vector<1x1x16xf32>,
        %parallel_loop3A_835 = arith.index_cast %rem3A_123 : i32 to index
        %parallel_loop3A_836 = arith.index_cast %parallel_loop3A_162 : i32 to index
        %parallel_loop3A_837 = arith.constant 768 : index
        %parallel_loop3A_838 = tpu.vector_load %arg6[%parallel_loop3A_835, %parallel_loop3A_836, %parallel_loop3A_837] {strides = array<i32>} : memref<7x16x1024xf32, #tpu.memory_space<vmem>>, vector<1x1x16xf32>,
        %parallel_loop3A_839 = vector.shape_cast %parallel_loop3A_838 : vector<1x1x16xf32> to vector<16xf32>
        %parallel_loop3A_840 = arith.constant 3.200000e+01 : f32
        %parallel_loop3A_841 = vector.broadcast %parallel_loop3A_840 : f32 to vector<16xf32>
        %parallel_loop3A_842 = arith.mulf %parallel_loop3A_839, %parallel_loop3A_841 : vector<16xf32>
        %parallel_loop3A_843 = arith.index_cast %rem3A_123 : i32 to index
        %parallel_loop3A_844 = arith.index_cast %parallel_loop3A_162 : i32 to index
        %parallel_loop3A_845 = arith.constant 768 : index
        %parallel_loop3A_846 = tpu.vector_load %arg6[%parallel_loop3A_843, %parallel_loop3A_844, %parallel_loop3A_845] {strides = array<i32>} : memref<7x16x1024xf32, #tpu.memory_space<vmem>>, vector<1x1x16xf32>,
        %parallel_loop3A_847 = vector.shape_cast %parallel_loop3A_846 : vector<1x1x16xf32> to vector<16xf32>
        %parallel_loop3A_848 = vector.shape_cast %parallel_loop3A_842 : vector<16xf32> to vector<1x1x16xf32>
        tpu.vector_store %arg6[%parallel_loop3A_843, %parallel_loop3A_844, %parallel_loop3A_845], %parallel_loop3A_848 {strides = array<i32>} : memref<7x16x1024xf32, #tpu.memory_space<vmem>>, vector<1x1x16xf32>,
        %parallel_loop3A_849 = arith.index_cast %rem3A_123 : i32 to index
        %parallel_loop3A_850 = arith.index_cast %parallel_loop3A_162 : i32 to index
        %parallel_loop3A_851 = arith.constant 784 : index
        %parallel_loop3A_852 = tpu.vector_load %arg6[%parallel_loop3A_849, %parallel_loop3A_850, %parallel_loop3A_851] {strides = array<i32>} : memref<7x16x1024xf32, #tpu.memory_space<vmem>>, vector<1x1x16xf32>,
        %parallel_loop3A_853 = vector.shape_cast %parallel_loop3A_852 : vector<1x1x16xf32> to vector<16xf32>
        %parallel_loop3A_854 = arith.constant 3.200000e+01 : f32
        %parallel_loop3A_855 = vector.broadcast %parallel_loop3A_854 : f32 to vector<16xf32>
        %parallel_loop3A_856 = arith.mulf %parallel_loop3A_853, %parallel_loop3A_855 : vector<16xf32>
        %parallel_loop3A_857 = arith.index_cast %rem3A_123 : i32 to index
        %parallel_loop3A_858 = arith.index_cast %parallel_loop3A_162 : i32 to index
        %parallel_loop3A_859 = arith.constant 784 : index
        %parallel_loop3A_860 = tpu.vector_load %arg6[%parallel_loop3A_857, %parallel_loop3A_858, %parallel_loop3A_859] {strides = array<i32>} : memref<7x16x1024xf32, #tpu.memory_space<vmem>>, vector<1x1x16xf32>,
        %parallel_loop3A_861 = vector.shape_cast %parallel_loop3A_860 : vector<1x1x16xf32> to vector<16xf32>
        %parallel_loop3A_862 = vector.shape_cast %parallel_loop3A_856 : vector<16xf32> to vector<1x1x16xf32>
        tpu.vector_store %arg6[%parallel_loop3A_857, %parallel_loop3A_858, %parallel_loop3A_859], %parallel_loop3A_862 {strides = array<i32>} : memref<7x16x1024xf32, #tpu.memory_space<vmem>>, vector<1x1x16xf32>,
        %parallel_loop3A_863 = arith.index_cast %rem3A_123 : i32 to index
        %parallel_loop3A_864 = arith.index_cast %parallel_loop3A_162 : i32 to index
        %parallel_loop3A_865 = arith.constant 800 : index
        %parallel_loop3A_866 = tpu.vector_load %arg6[%parallel_loop3A_863, %parallel_loop3A_864, %parallel_loop3A_865] {strides = array<i32>} : memref<7x16x1024xf32, #tpu.memory_space<vmem>>, vector<1x1x16xf32>,
        %parallel_loop3A_867 = vector.shape_cast %parallel_loop3A_866 : vector<1x1x16xf32> to vector<16xf32>
        %parallel_loop3A_868 = arith.constant 3.200000e+01 : f32
        %parallel_loop3A_869 = vector.broadcast %parallel_loop3A_868 : f32 to vector<16xf32>
        %parallel_loop3A_870 = arith.mulf %parallel_loop3A_867, %parallel_loop3A_869 : vector<16xf32>
        %parallel_loop3A_871 = arith.index_cast %rem3A_123 : i32 to index
        %parallel_loop3A_872 = arith.index_cast %parallel_loop3A_162 : i32 to index
        %parallel_loop3A_873 = arith.constant 800 : index
        %parallel_loop3A_874 = tpu.vector_load %arg6[%parallel_loop3A_871, %parallel_loop3A_872, %parallel_loop3A_873] {strides = array<i32>} : memref<7x16x1024xf32, #tpu.memory_space<vmem>>, vector<1x1x16xf32>,
        %parallel_loop3A_875 = vector.shape_cast %parallel_loop3A_874 : vector<1x1x16xf32> to vector<16xf32>
        %parallel_loop3A_876 = vector.shape_cast %parallel_loop3A_870 : vector<16xf32> to vector<1x1x16xf32>
        tpu.vector_store %arg6[%parallel_loop3A_871, %parallel_loop3A_872, %parallel_loop3A_873], %parallel_loop3A_876 {strides = array<i32>} : memref<7x16x1024xf32, #tpu.memory_space<vmem>>, vector<1x1x16xf32>,
        %parallel_loop3A_877 = arith.index_cast %rem3A_123 : i32 to index
        %parallel_loop3A_878 = arith.index_cast %parallel_loop3A_162 : i32 to index
        %parallel_loop3A_879 = arith.constant 816 : index
        %parallel_loop3A_880 = tpu.vector_load %arg6[%parallel_loop3A_877, %parallel_loop3A_878, %parallel_loop3A_879] {strides = array<i32>} : memref<7x16x1024xf32, #tpu.memory_space<vmem>>, vector<1x1x16xf32>,
        %parallel_loop3A_881 = vector.shape_cast %parallel_loop3A_880 : vector<1x1x16xf32> to vector<16xf32>
        %parallel_loop3A_882 = arith.constant 3.200000e+01 : f32
        %parallel_loop3A_883 = vector.broadcast %parallel_loop3A_882 : f32 to vector<16xf32>
        %parallel_loop3A_884 = arith.mulf %parallel_loop3A_881, %parallel_loop3A_883 : vector<16xf32>
        %parallel_loop3A_885 = arith.index_cast %rem3A_123 : i32 to index
        %parallel_loop3A_886 = arith.index_cast %parallel_loop3A_162 : i32 to index
        %parallel_loop3A_887 = arith.constant 816 : index
        %parallel_loop3A_888 = tpu.vector_load %arg6[%parallel_loop3A_885, %parallel_loop3A_886, %parallel_loop3A_887] {strides = array<i32>} : memref<7x16x1024xf32, #tpu.memory_space<vmem>>, vector<1x1x16xf32>,
        %parallel_loop3A_889 = vector.shape_cast %parallel_loop3A_888 : vector<1x1x16xf32> to vector<16xf32>
        %parallel_loop3A_890 = vector.shape_cast %parallel_loop3A_884 : vector<16xf32> to vector<1x1x16xf32>
        tpu.vector_store %arg6[%parallel_loop3A_885, %parallel_loop3A_886, %parallel_loop3A_887], %parallel_loop3A_890 {strides = array<i32>} : memref<7x16x1024xf32, #tpu.memory_space<vmem>>, vector<1x1x16xf32>,
        %parallel_loop3A_891 = arith.index_cast %rem3A_123 : i32 to index
        %parallel_loop3A_892 = arith.index_cast %parallel_loop3A_162 : i32 to index
        %parallel_loop3A_893 = arith.constant 832 : index
        %parallel_loop3A_894 = tpu.vector_load %arg6[%parallel_loop3A_891, %parallel_loop3A_892, %parallel_loop3A_893] {strides = array<i32>} : memref<7x16x1024xf32, #tpu.memory_space<vmem>>, vector<1x1x16xf32>,
        %parallel_loop3A_895 = vector.shape_cast %parallel_loop3A_894 : vector<1x1x16xf32> to vector<16xf32>
        %parallel_loop3A_896 = arith.constant 3.200000e+01 : f32
        %parallel_loop3A_897 = vector.broadcast %parallel_loop3A_896 : f32 to vector<16xf32>
        %parallel_loop3A_898 = arith.mulf %parallel_loop3A_895, %parallel_loop3A_897 : vector<16xf32>
        %parallel_loop3A_899 = arith.index_cast %rem3A_123 : i32 to index
        %parallel_loop3A_900 = arith.index_cast %parallel_loop3A_162 : i32 to index
        %parallel_loop3A_901 = arith.constant 832 : index
        %parallel_loop3A_902 = tpu.vector_load %arg6[%parallel_loop3A_899, %parallel_loop3A_900, %parallel_loop3A_901] {strides = array<i32>} : memref<7x16x1024xf32, #tpu.memory_space<vmem>>, vector<1x1x16xf32>,
        %parallel_loop3A_903 = vector.shape_cast %parallel_loop3A_902 : vector<1x1x16xf32> to vector<16xf32>
        %parallel_loop3A_904 = vector.shape_cast %parallel_loop3A_898 : vector<16xf32> to vector<1x1x16xf32>
        tpu.vector_store %arg6[%parallel_loop3A_899, %parallel_loop3A_900, %parallel_loop3A_901], %parallel_loop3A_904 {strides = array<i32>} : memref<7x16x1024xf32, #tpu.memory_space<vmem>>, vector<1x1x16xf32>,
        %parallel_loop3A_905 = arith.index_cast %rem3A_123 : i32 to index
        %parallel_loop3A_906 = arith.index_cast %parallel_loop3A_162 : i32 to index
        %parallel_loop3A_907 = arith.constant 848 : index
        %parallel_loop3A_908 = tpu.vector_load %arg6[%parallel_loop3A_905, %parallel_loop3A_906, %parallel_loop3A_907] {strides = array<i32>} : memref<7x16x1024xf32, #tpu.memory_space<vmem>>, vector<1x1x16xf32>,
        %parallel_loop3A_909 = vector.shape_cast %parallel_loop3A_908 : vector<1x1x16xf32> to vector<16xf32>
        %parallel_loop3A_910 = arith.constant 3.200000e+01 : f32
        %parallel_loop3A_911 = vector.broadcast %parallel_loop3A_910 : f32 to vector<16xf32>
        %parallel_loop3A_912 = arith.mulf %parallel_loop3A_909, %parallel_loop3A_911 : vector<16xf32>
        %parallel_loop3A_913 = arith.index_cast %rem3A_123 : i32 to index
        %parallel_loop3A_914 = arith.index_cast %parallel_loop3A_162 : i32 to index
        %parallel_loop3A_915 = arith.constant 848 : index
        %parallel_loop3A_916 = tpu.vector_load %arg6[%parallel_loop3A_913, %parallel_loop3A_914, %parallel_loop3A_915] {strides = array<i32>} : memref<7x16x1024xf32, #tpu.memory_space<vmem>>, vector<1x1x16xf32>,
        %parallel_loop3A_917 = vector.shape_cast %parallel_loop3A_916 : vector<1x1x16xf32> to vector<16xf32>
        %parallel_loop3A_918 = vector.shape_cast %parallel_loop3A_912 : vector<16xf32> to vector<1x1x16xf32>
        tpu.vector_store %arg6[%parallel_loop3A_913, %parallel_loop3A_914, %parallel_loop3A_915], %parallel_loop3A_918 {strides = array<i32>} : memref<7x16x1024xf32, #tpu.memory_space<vmem>>, vector<1x1x16xf32>,
        %parallel_loop3A_919 = arith.index_cast %rem3A_123 : i32 to index
        %parallel_loop3A_920 = arith.index_cast %parallel_loop3A_162 : i32 to index
        %parallel_loop3A_921 = arith.constant 864 : index
        %parallel_loop3A_922 = tpu.vector_load %arg6[%parallel_loop3A_919, %parallel_loop3A_920, %parallel_loop3A_921] {strides = array<i32>} : memref<7x16x1024xf32, #tpu.memory_space<vmem>>, vector<1x1x16xf32>,
        %parallel_loop3A_923 = vector.shape_cast %parallel_loop3A_922 : vector<1x1x16xf32> to vector<16xf32>
        %parallel_loop3A_924 = arith.constant 3.200000e+01 : f32
        %parallel_loop3A_925 = vector.broadcast %parallel_loop3A_924 : f32 to vector<16xf32>
        %parallel_loop3A_926 = arith.mulf %parallel_loop3A_923, %parallel_loop3A_925 : vector<16xf32>
        %parallel_loop3A_927 = arith.index_cast %rem3A_123 : i32 to index
        %parallel_loop3A_928 = arith.index_cast %parallel_loop3A_162 : i32 to index
        %parallel_loop3A_929 = arith.constant 864 : index
        %parallel_loop3A_930 = tpu.vector_load %arg6[%parallel_loop3A_927, %parallel_loop3A_928, %parallel_loop3A_929] {strides = array<i32>} : memref<7x16x1024xf32, #tpu.memory_space<vmem>>, vector<1x1x16xf32>,
        %parallel_loop3A_931 = vector.shape_cast %parallel_loop3A_930 : vector<1x1x16xf32> to vector<16xf32>
        %parallel_loop3A_932 = vector.shape_cast %parallel_loop3A_926 : vector<16xf32> to vector<1x1x16xf32>
        tpu.vector_store %arg6[%parallel_loop3A_927, %parallel_loop3A_928, %parallel_loop3A_929], %parallel_loop3A_932 {strides = array<i32>} : memref<7x16x1024xf32, #tpu.memory_space<vmem>>, vector<1x1x16xf32>,
        %parallel_loop3A_933 = arith.index_cast %rem3A_123 : i32 to index
        %parallel_loop3A_934 = arith.index_cast %parallel_loop3A_162 : i32 to index
        %parallel_loop3A_935 = arith.constant 880 : index
        %parallel_loop3A_936 = tpu.vector_load %arg6[%parallel_loop3A_933, %parallel_loop3A_934, %parallel_loop3A_935] {strides = array<i32>} : memref<7x16x1024xf32, #tpu.memory_space<vmem>>, vector<1x1x16xf32>,
        %parallel_loop3A_937 = vector.shape_cast %parallel_loop3A_936 : vector<1x1x16xf32> to vector<16xf32>
        %parallel_loop3A_938 = arith.constant 3.200000e+01 : f32
        %parallel_loop3A_939 = vector.broadcast %parallel_loop3A_938 : f32 to vector<16xf32>
        %parallel_loop3A_940 = arith.mulf %parallel_loop3A_937, %parallel_loop3A_939 : vector<16xf32>
        %parallel_loop3A_941 = arith.index_cast %rem3A_123 : i32 to index
        %parallel_loop3A_942 = arith.index_cast %parallel_loop3A_162 : i32 to index
        %parallel_loop3A_943 = arith.constant 880 : index
        %parallel_loop3A_944 = tpu.vector_load %arg6[%parallel_loop3A_941, %parallel_loop3A_942, %parallel_loop3A_943] {strides = array<i32>} : memref<7x16x1024xf32, #tpu.memory_space<vmem>>, vector<1x1x16xf32>,
        %parallel_loop3A_945 = vector.shape_cast %parallel_loop3A_944 : vector<1x1x16xf32> to vector<16xf32>
        %parallel_loop3A_946 = vector.shape_cast %parallel_loop3A_940 : vector<16xf32> to vector<1x1x16xf32>
        tpu.vector_store %arg6[%parallel_loop3A_941, %parallel_loop3A_942, %parallel_loop3A_943], %parallel_loop3A_946 {strides = array<i32>} : memref<7x16x1024xf32, #tpu.memory_space<vmem>>, vector<1x1x16xf32>,
        %parallel_loop3A_947 = arith.index_cast %rem3A_123 : i32 to index
        %parallel_loop3A_948 = arith.index_cast %parallel_loop3A_162 : i32 to index
        %parallel_loop3A_949 = arith.constant 896 : index
        %parallel_loop3A_950 = tpu.vector_load %arg6[%parallel_loop3A_947, %parallel_loop3A_948, %parallel_loop3A_949] {strides = array<i32>} : memref<7x16x1024xf32, #tpu.memory_space<vmem>>, vector<1x1x16xf32>,
        %parallel_loop3A_951 = vector.shape_cast %parallel_loop3A_950 : vector<1x1x16xf32> to vector<16xf32>
        %parallel_loop3A_952 = arith.constant 3.200000e+01 : f32
        %parallel_loop3A_953 = vector.broadcast %parallel_loop3A_952 : f32 to vector<16xf32>
        %parallel_loop3A_954 = arith.mulf %parallel_loop3A_951, %parallel_loop3A_953 : vector<16xf32>
        %parallel_loop3A_955 = arith.index_cast %rem3A_123 : i32 to index
        %parallel_loop3A_956 = arith.index_cast %parallel_loop3A_162 : i32 to index
        %parallel_loop3A_957 = arith.constant 896 : index
        %parallel_loop3A_958 = tpu.vector_load %arg6[%parallel_loop3A_955, %parallel_loop3A_956, %parallel_loop3A_957] {strides = array<i32>} : memref<7x16x1024xf32, #tpu.memory_space<vmem>>, vector<1x1x16xf32>,
        %parallel_loop3A_959 = vector.shape_cast %parallel_loop3A_958 : vector<1x1x16xf32> to vector<16xf32>
        %parallel_loop3A_960 = vector.shape_cast %parallel_loop3A_954 : vector<16xf32> to vector<1x1x16xf32>
        tpu.vector_store %arg6[%parallel_loop3A_955, %parallel_loop3A_956, %parallel_loop3A_957], %parallel_loop3A_960 {strides = array<i32>} : memref<7x16x1024xf32, #tpu.memory_space<vmem>>, vector<1x1x16xf32>,
        %parallel_loop3A_961 = arith.index_cast %rem3A_123 : i32 to index
        %parallel_loop3A_962 = arith.index_cast %parallel_loop3A_162 : i32 to index
        %parallel_loop3A_963 = arith.constant 912 : index
        %parallel_loop3A_964 = tpu.vector_load %arg6[%parallel_loop3A_961, %parallel_loop3A_962, %parallel_loop3A_963] {strides = array<i32>} : memref<7x16x1024xf32, #tpu.memory_space<vmem>>, vector<1x1x16xf32>,
        %parallel_loop3A_965 = vector.shape_cast %parallel_loop3A_964 : vector<1x1x16xf32> to vector<16xf32>
        %parallel_loop3A_966 = arith.constant 3.200000e+01 : f32
        %parallel_loop3A_967 = vector.broadcast %parallel_loop3A_966 : f32 to vector<16xf32>
        %parallel_loop3A_968 = arith.mulf %parallel_loop3A_965, %parallel_loop3A_967 : vector<16xf32>
        %parallel_loop3A_969 = arith.index_cast %rem3A_123 : i32 to index
        %parallel_loop3A_970 = arith.index_cast %parallel_loop3A_162 : i32 to index
        %parallel_loop3A_971 = arith.constant 912 : index
        %parallel_loop3A_972 = tpu.vector_load %arg6[%parallel_loop3A_969, %parallel_loop3A_970, %parallel_loop3A_971] {strides = array<i32>} : memref<7x16x1024xf32, #tpu.memory_space<vmem>>, vector<1x1x16xf32>,
        %parallel_loop3A_973 = vector.shape_cast %parallel_loop3A_972 : vector<1x1x16xf32> to vector<16xf32>
        %parallel_loop3A_974 = vector.shape_cast %parallel_loop3A_968 : vector<16xf32> to vector<1x1x16xf32>
        tpu.vector_store %arg6[%parallel_loop3A_969, %parallel_loop3A_970, %parallel_loop3A_971], %parallel_loop3A_974 {strides = array<i32>} : memref<7x16x1024xf32, #tpu.memory_space<vmem>>, vector<1x1x16xf32>,
        %parallel_loop3A_975 = arith.index_cast %rem3A_123 : i32 to index
        %parallel_loop3A_976 = arith.index_cast %parallel_loop3A_162 : i32 to index
        %parallel_loop3A_977 = arith.constant 928 : index
        %parallel_loop3A_978 = tpu.vector_load %arg6[%parallel_loop3A_975, %parallel_loop3A_976, %parallel_loop3A_977] {strides = array<i32>} : memref<7x16x1024xf32, #tpu.memory_space<vmem>>, vector<1x1x16xf32>,
        %parallel_loop3A_979 = vector.shape_cast %parallel_loop3A_978 : vector<1x1x16xf32> to vector<16xf32>
        %parallel_loop3A_980 = arith.constant 3.200000e+01 : f32
        %parallel_loop3A_981 = vector.broadcast %parallel_loop3A_980 : f32 to vector<16xf32>
        %parallel_loop3A_982 = arith.mulf %parallel_loop3A_979, %parallel_loop3A_981 : vector<16xf32>
        %parallel_loop3A_983 = arith.index_cast %rem3A_123 : i32 to index
        %parallel_loop3A_984 = arith.index_cast %parallel_loop3A_162 : i32 to index
        %parallel_loop3A_985 = arith.constant 928 : index
        %parallel_loop3A_986 = tpu.vector_load %arg6[%parallel_loop3A_983, %parallel_loop3A_984, %parallel_loop3A_985] {strides = array<i32>} : memref<7x16x1024xf32, #tpu.memory_space<vmem>>, vector<1x1x16xf32>,
        %parallel_loop3A_987 = vector.shape_cast %parallel_loop3A_986 : vector<1x1x16xf32> to vector<16xf32>
        %parallel_loop3A_988 = vector.shape_cast %parallel_loop3A_982 : vector<16xf32> to vector<1x1x16xf32>
        tpu.vector_store %arg6[%parallel_loop3A_983, %parallel_loop3A_984, %parallel_loop3A_985], %parallel_loop3A_988 {strides = array<i32>} : memref<7x16x1024xf32, #tpu.memory_space<vmem>>, vector<1x1x16xf32>,
        %parallel_loop3A_989 = arith.index_cast %rem3A_123 : i32 to index
        %parallel_loop3A_990 = arith.index_cast %parallel_loop3A_162 : i32 to index
        %parallel_loop3A_991 = arith.constant 944 : index
        %parallel_loop3A_992 = tpu.vector_load %arg6[%parallel_loop3A_989, %parallel_loop3A_990, %parallel_loop3A_991] {strides = array<i32>} : memref<7x16x1024xf32, #tpu.memory_space<vmem>>, vector<1x1x16xf32>,
        %parallel_loop3A_993 = vector.shape_cast %parallel_loop3A_992 : vector<1x1x16xf32> to vector<16xf32>
        %parallel_loop3A_994 = arith.constant 3.200000e+01 : f32
        %parallel_loop3A_995 = vector.broadcast %parallel_loop3A_994 : f32 to vector<16xf32>
        %parallel_loop3A_996 = arith.mulf %parallel_loop3A_993, %parallel_loop3A_995 : vector<16xf32>
        %parallel_loop3A_997 = arith.index_cast %rem3A_123 : i32 to index
        %parallel_loop3A_998 = arith.index_cast %parallel_loop3A_162 : i32 to index
        %parallel_loop3A_999 = arith.constant 944 : index
        %parallel_loop3A_1000 = tpu.vector_load %arg6[%parallel_loop3A_997, %parallel_loop3A_998, %parallel_loop3A_999] {strides = array<i32>} : memref<7x16x1024xf32, #tpu.memory_space<vmem>>, vector<1x1x16xf32>,
        %parallel_loop3A_1001 = vector.shape_cast %parallel_loop3A_1000 : vector<1x1x16xf32> to vector<16xf32>
        %parallel_loop3A_1002 = vector.shape_cast %parallel_loop3A_996 : vector<16xf32> to vector<1x1x16xf32>
        tpu.vector_store %arg6[%parallel_loop3A_997, %parallel_loop3A_998, %parallel_loop3A_999], %parallel_loop3A_1002 {strides = array<i32>} : memref<7x16x1024xf32, #tpu.memory_space<vmem>>, vector<1x1x16xf32>,
        %parallel_loop3A_1003 = arith.index_cast %rem3A_123 : i32 to index
        %parallel_loop3A_1004 = arith.index_cast %parallel_loop3A_162 : i32 to index
        %parallel_loop3A_1005 = arith.constant 960 : index
        %parallel_loop3A_1006 = tpu.vector_load %arg6[%parallel_loop3A_1003, %parallel_loop3A_1004, %parallel_loop3A_1005] {strides = array<i32>} : memref<7x16x1024xf32, #tpu.memory_space<vmem>>, vector<1x1x16xf32>,
        %parallel_loop3A_1007 = vector.shape_cast %parallel_loop3A_1006 : vector<1x1x16xf32> to vector<16xf32>
        %parallel_loop3A_1008 = arith.constant 3.200000e+01 : f32
        %parallel_loop3A_1009 = vector.broadcast %parallel_loop3A_1008 : f32 to vector<16xf32>
        %parallel_loop3A_1010 = arith.mulf %parallel_loop3A_1007, %parallel_loop3A_1009 : vector<16xf32>
        %parallel_loop3A_1011 = arith.index_cast %rem3A_123 : i32 to index
        %parallel_loop3A_1012 = arith.index_cast %parallel_loop3A_162 : i32 to index
        %parallel_loop3A_1013 = arith.constant 960 : index
        %parallel_loop3A_1014 = tpu.vector_load %arg6[%parallel_loop3A_1011, %parallel_loop3A_1012, %parallel_loop3A_1013] {strides = array<i32>} : memref<7x16x1024xf32, #tpu.memory_space<vmem>>, vector<1x1x16xf32>,
        %parallel_loop3A_1015 = vector.shape_cast %parallel_loop3A_1014 : vector<1x1x16xf32> to vector<16xf32>
        %parallel_loop3A_1016 = vector.shape_cast %parallel_loop3A_1010 : vector<16xf32> to vector<1x1x16xf32>
        tpu.vector_store %arg6[%parallel_loop3A_1011, %parallel_loop3A_1012, %parallel_loop3A_1013], %parallel_loop3A_1016 {strides = array<i32>} : memref<7x16x1024xf32, #tpu.memory_space<vmem>>, vector<1x1x16xf32>,
        %parallel_loop3A_1017 = arith.index_cast %rem3A_123 : i32 to index
        %parallel_loop3A_1018 = arith.index_cast %parallel_loop3A_162 : i32 to index
        %parallel_loop3A_1019 = arith.constant 976 : index
        %parallel_loop3A_1020 = tpu.vector_load %arg6[%parallel_loop3A_1017, %parallel_loop3A_1018, %parallel_loop3A_1019] {strides = array<i32>} : memref<7x16x1024xf32, #tpu.memory_space<vmem>>, vector<1x1x16xf32>,
        %parallel_loop3A_1021 = vector.shape_cast %parallel_loop3A_1020 : vector<1x1x16xf32> to vector<16xf32>
        %parallel_loop3A_1022 = arith.constant 3.200000e+01 : f32
        %parallel_loop3A_1023 = vector.broadcast %parallel_loop3A_1022 : f32 to vector<16xf32>
        %parallel_loop3A_1024 = arith.mulf %parallel_loop3A_1021, %parallel_loop3A_1023 : vector<16xf32>
        %parallel_loop3A_1025 = arith.index_cast %rem3A_123 : i32 to index
        %parallel_loop3A_1026 = arith.index_cast %parallel_loop3A_162 : i32 to index
        %parallel_loop3A_1027 = arith.constant 976 : index
        %parallel_loop3A_1028 = tpu.vector_load %arg6[%parallel_loop3A_1025, %parallel_loop3A_1026, %parallel_loop3A_1027] {strides = array<i32>} : memref<7x16x1024xf32, #tpu.memory_space<vmem>>, vector<1x1x16xf32>,
        %parallel_loop3A_1029 = vector.shape_cast %parallel_loop3A_1028 : vector<1x1x16xf32> to vector<16xf32>
        %parallel_loop3A_1030 = vector.shape_cast %parallel_loop3A_1024 : vector<16xf32> to vector<1x1x16xf32>
        tpu.vector_store %arg6[%parallel_loop3A_1025, %parallel_loop3A_1026, %parallel_loop3A_1027], %parallel_loop3A_1030 {strides = array<i32>} : memref<7x16x1024xf32, #tpu.memory_space<vmem>>, vector<1x1x16xf32>,
        %parallel_loop3A_1031 = arith.index_cast %rem3A_123 : i32 to index
        %parallel_loop3A_1032 = arith.index_cast %parallel_loop3A_162 : i32 to index
        %parallel_loop3A_1033 = arith.constant 992 : index
        %parallel_loop3A_1034 = tpu.vector_load %arg6[%parallel_loop3A_1031, %parallel_loop3A_1032, %parallel_loop3A_1033] {strides = array<i32>} : memref<7x16x1024xf32, #tpu.memory_space<vmem>>, vector<1x1x16xf32>,
        %parallel_loop3A_1035 = vector.shape_cast %parallel_loop3A_1034 : vector<1x1x16xf32> to vector<16xf32>
        %parallel_loop3A_1036 = arith.constant 3.200000e+01 : f32
        %parallel_loop3A_1037 = vector.broadcast %parallel_loop3A_1036 : f32 to vector<16xf32>
        %parallel_loop3A_1038 = arith.mulf %parallel_loop3A_1035, %parallel_loop3A_1037 : vector<16xf32>
        %parallel_loop3A_1039 = arith.index_cast %rem3A_123 : i32 to index
        %parallel_loop3A_1040 = arith.index_cast %parallel_loop3A_162 : i32 to index
        %parallel_loop3A_1041 = arith.constant 992 : index
        %parallel_loop3A_1042 = tpu.vector_load %arg6[%parallel_loop3A_1039, %parallel_loop3A_1040, %parallel_loop3A_1041] {strides = array<i32>} : memref<7x16x1024xf32, #tpu.memory_space<vmem>>, vector<1x1x16xf32>,
        %parallel_loop3A_1043 = vector.shape_cast %parallel_loop3A_1042 : vector<1x1x16xf32> to vector<16xf32>
        %parallel_loop3A_1044 = vector.shape_cast %parallel_loop3A_1038 : vector<16xf32> to vector<1x1x16xf32>
        tpu.vector_store %arg6[%parallel_loop3A_1039, %parallel_loop3A_1040, %parallel_loop3A_1041], %parallel_loop3A_1044 {strides = array<i32>} : memref<7x16x1024xf32, #tpu.memory_space<vmem>>, vector<1x1x16xf32>,
        %parallel_loop3A_1045 = arith.index_cast %rem3A_123 : i32 to index
        %parallel_loop3A_1046 = arith.index_cast %parallel_loop3A_162 : i32 to index
        %parallel_loop3A_1047 = arith.constant 1008 : index
        %parallel_loop3A_1048 = tpu.vector_load %arg6[%parallel_loop3A_1045, %parallel_loop3A_1046, %parallel_loop3A_1047] {strides = array<i32>} : memref<7x16x1024xf32, #tpu.memory_space<vmem>>, vector<1x1x16xf32>,
        %parallel_loop3A_1049 = vector.shape_cast %parallel_loop3A_1048 : vector<1x1x16xf32> to vector<16xf32>
        %parallel_loop3A_1050 = arith.constant 3.200000e+01 : f32
        %parallel_loop3A_1051 = vector.broadcast %parallel_loop3A_1050 : f32 to vector<16xf32>
        %parallel_loop3A_1052 = arith.mulf %parallel_loop3A_1049, %parallel_loop3A_1051 : vector<16xf32>
        %parallel_loop3A_1053 = arith.index_cast %rem3A_123 : i32 to index
        %parallel_loop3A_1054 = arith.index_cast %parallel_loop3A_162 : i32 to index
        %parallel_loop3A_1055 = arith.constant 1008 : index
        %parallel_loop3A_1056 = tpu.vector_load %arg6[%parallel_loop3A_1053, %parallel_loop3A_1054, %parallel_loop3A_1055] {strides = array<i32>} : memref<7x16x1024xf32, #tpu.memory_space<vmem>>, vector<1x1x16xf32>,
        %parallel_loop3A_1057 = vector.shape_cast %parallel_loop3A_1056 : vector<1x1x16xf32> to vector<16xf32>
        %parallel_loop3A_1058 = vector.shape_cast %parallel_loop3A_1052 : vector<16xf32> to vector<1x1x16xf32>
        tpu.vector_store %arg6[%parallel_loop3A_1053, %parallel_loop3A_1054, %parallel_loop3A_1055], %parallel_loop3A_1058 {strides = array<i32>} : memref<7x16x1024xf32, #tpu.memory_space<vmem>>, vector<1x1x16xf32>,
      } {sc.loop_unroll_factor = 1 : i64, sc.parallel_access}
      %mul3A_136 = arith.constant 16 : i32
      %mul3A_137 = arith.muli %scan3A_121, %mul3A_136 : i32
      %add3A_138 = arith.addi %mul3A_32, %mul3A_137 : i32
      %dma_start3A_139 = arith.constant 0 : i32
      %dma_start3A_140 = arith.constant 0 : i32
      %dma_start3A_141 = tpu.memref_slice %arg6[%rem3A_123, %dma_start3A_139, %dma_start3A_140] : memref<7x16x1024xf32, #tpu.memory_space<vmem>> -> memref<1x16x1024xf32, #tpu.memory_space<vmem>>
      %dma_start3A_142 = tpu.memref_squeeze %dma_start3A_141 : memref<1x16x1024xf32, #tpu.memory_space<vmem>> -> memref<16x1024xf32, #tpu.memory_space<vmem>>
      %dma_start3A_143 = arith.constant 0 : i32
      %dma_start3A_144 = tpu.memref_slice %arg4[%select_n3A, %add3A_138, %dma_start3A_143] : memref<4x4096x1024xf32, #tpu.memory_space<hbm>> -> memref<1x16x1024xf32, #tpu.memory_space<hbm>>
      %dma_start3A_145 = tpu.memref_squeeze %dma_start3A_144 : memref<1x16x1024xf32, #tpu.memory_space<hbm>> -> memref<16x1024xf32, #tpu.memory_space<hbm>>
      %dma_start3A_146 = tpu.memref_slice %arg8[%rem3A_123] : memref<7x!tpu.dma_semaphore, #tpu.memory_space<semaphore_mem>> -> memref<1x!tpu.dma_semaphore, #tpu.memory_space<semaphore_mem>>
      %dma_start3A_147 = tpu.memref_squeeze %dma_start3A_146 : memref<1x!tpu.dma_semaphore, #tpu.memory_space<semaphore_mem>> -> memref<!tpu.dma_semaphore, #tpu.memory_space<semaphore_mem>>
      %dma_start3A_148 = arith.constant 0 : i32
      %dma_start3A_149 = tpu.memref_slice %arg4[%select_n3A, %add3A_138, %dma_start3A_148] : memref<4x4096x1024xf32, #tpu.memory_space<hbm>> -> memref<1x16x1024xf32, #tpu.memory_space<hbm>>
      %dma_start3A_150 = tpu.memref_squeeze %dma_start3A_149 : memref<1x16x1024xf32, #tpu.memory_space<hbm>> -> memref<16x1024xf32, #tpu.memory_space<hbm>>
      %dma_start3A_151 = arith.constant 0 : i32
      %dma_start3A_152 = arith.constant 0 : i32
      %dma_start3A_153 = tpu.memref_slice %arg6[%rem3A_123, %dma_start3A_151, %dma_start3A_152] : memref<7x16x1024xf32, #tpu.memory_space<vmem>> -> memref<1x16x1024xf32, #tpu.memory_space<vmem>>
      %dma_start3A_154 = tpu.memref_squeeze %dma_start3A_153 : memref<1x16x1024xf32, #tpu.memory_space<vmem>> -> memref<16x1024xf32, #tpu.memory_space<vmem>>
      tpu.enqueue_dma source(%dma_start3A_154 : memref<16x1024xf32, #tpu.memory_space<vmem>>) target(%dma_start3A_150 : memref<16x1024xf32, #tpu.memory_space<hbm>>) target_semaphore(%dma_start3A_147 : memref<!tpu.dma_semaphore, #tpu.memory_space<semaphore_mem>>)
      %add3A_155 = arith.constant 7 : i32
      %add3A_156 = arith.addi %scan3A_121, %add3A_155 : i32
      %sub3A_157 = arith.constant 1 : i32
      %sub3A_158 = arith.subi %add3A_156, %sub3A_157 : i32
      %lt3A_159 = arith.constant 32 : i32
      %lt3A_160 = arith.cmpi slt, %sub3A_158, %lt3A_159 : i32
      %convert_element_type3A = arith.extui %lt3A_160 : i1 to i32
      %cond3A = arith.constant 0 : i32
      %cond3A_161 = arith.cmpi ne, %convert_element_type3A, %cond3A : i32
      scf.if %cond3A_161 {
        %rem3A_162 = arith.constant 7 : i32
        %rem3A_163 = arith.remsi %sub3A_158, %rem3A_162 : i32
        %ge3A = arith.constant 7 : i32
        %ge3A_164 = arith.cmpi sge, %sub3A_158, %ge3A : i32
        %convert_element_type3A_165 = arith.extui %ge3A_164 : i1 to i32
        %cond3A_166 = arith.constant 0 : i32
        %cond3A_167 = arith.cmpi ne, %convert_element_type3A_165, %cond3A_166 : i32
        scf.if %cond3A_167 {
          %dma_wait3A_180 = arith.constant 0 : i32
          %dma_wait3A_181 = arith.constant 0 : i32
          %dma_wait3A_182 = arith.constant 0 : i32
          %dma_wait3A_183 = tpu.memref_slice %arg6[%rem3A_163, %dma_wait3A_181, %dma_wait3A_182] : memref<7x16x1024xf32, #tpu.memory_space<vmem>> -> memref<1x16x1024xf32, #tpu.memory_space<vmem>>
          %dma_wait3A_184 = tpu.memref_squeeze %dma_wait3A_183 : memref<1x16x1024xf32, #tpu.memory_space<vmem>> -> memref<16x1024xf32, #tpu.memory_space<vmem>>
          %dma_wait3A_185 = arith.constant 0 : i32
          %dma_wait3A_186 = arith.constant 0 : i32
          %dma_wait3A_187 = tpu.memref_slice %arg4[%dma_wait3A_180, %dma_wait3A_185, %dma_wait3A_186] : memref<4x4096x1024xf32, #tpu.memory_space<hbm>> -> memref<1x16x1024xf32, #tpu.memory_space<hbm>>
          %dma_wait3A_188 = tpu.memref_squeeze %dma_wait3A_187 : memref<1x16x1024xf32, #tpu.memory_space<hbm>> -> memref<16x1024xf32, #tpu.memory_space<hbm>>
          %dma_wait3A_189 = tpu.memref_slice %arg8[%rem3A_163] : memref<7x!tpu.dma_semaphore, #tpu.memory_space<semaphore_mem>> -> memref<1x!tpu.dma_semaphore, #tpu.memory_space<semaphore_mem>>
          %dma_wait3A_190 = tpu.memref_squeeze %dma_wait3A_189 : memref<1x!tpu.dma_semaphore, #tpu.memory_space<semaphore_mem>> -> memref<!tpu.dma_semaphore, #tpu.memory_space<semaphore_mem>>
          %dma_wait3A_191 = arith.constant 0 : i32
          %dma_wait3A_192 = arith.constant 0 : i32
          %dma_wait3A_193 = tpu.memref_slice %arg4[%dma_wait3A_180, %dma_wait3A_191, %dma_wait3A_192] : memref<4x4096x1024xf32, #tpu.memory_space<hbm>> -> memref<1x16x1024xf32, #tpu.memory_space<hbm>>
          %dma_wait3A_194 = tpu.memref_squeeze %dma_wait3A_193 : memref<1x16x1024xf32, #tpu.memory_space<hbm>> -> memref<16x1024xf32, #tpu.memory_space<hbm>>
          %dma_wait3A_195 = arith.constant 0 : i32
          %dma_wait3A_196 = arith.constant 0 : i32
          %dma_wait3A_197 = tpu.memref_slice %arg6[%rem3A_163, %dma_wait3A_195, %dma_wait3A_196] : memref<7x16x1024xf32, #tpu.memory_space<vmem>> -> memref<1x16x1024xf32, #tpu.memory_space<vmem>>
          %dma_wait3A_198 = tpu.memref_squeeze %dma_wait3A_197 : memref<1x16x1024xf32, #tpu.memory_space<vmem>> -> memref<16x1024xf32, #tpu.memory_space<vmem>>
          tpu.wait_dma2 semaphore(%dma_wait3A_190 : memref<!tpu.dma_semaphore, #tpu.memory_space<semaphore_mem>>) src(%dma_wait3A_198 : memref<16x1024xf32, #tpu.memory_space<vmem>>) dst(%dma_wait3A_194 : memref<16x1024xf32, #tpu.memory_space<hbm>>)
        } else {
        }
        %mul3A_168 = arith.constant 16 : i32
        %mul3A_169 = arith.muli %sub3A_158, %mul3A_168 : i32
        %dma_start3A_170 = arith.constant 0 : i32
        %dma_start3A_171 = arith.constant 0 : i32
        %dma_start3A_172 = tpu.memref_slice %arg6[%rem3A_163, %dma_start3A_170, %dma_start3A_171] : memref<7x16x1024xf32, #tpu.memory_space<vmem>> -> memref<1x16x1024xf32, #tpu.memory_space<vmem>>
        %dma_start3A_173 = tpu.memref_squeeze %dma_start3A_172 : memref<1x16x1024xf32, #tpu.memory_space<vmem>> -> memref<16x1024xf32, #tpu.memory_space<vmem>>
        %dma_start3A_174 = tpu.memref_slice %arg5[%mul3A_169] : memref<512xi32, #tpu.memory_space<vmem>> -> memref<16xi32, #tpu.memory_space<vmem>>
        %dma_start3A_175 = arith.constant 0 : i32
        %dma_start3A_176 = arith.constant 0 : i32
        %dma_start3A_177 = tpu.memref_slice %arg3[%dma_start3A_175, %dma_start3A_176] : memref<100000x1024xf32, #tpu.memory_space<hbm>> -> memref<100000x1024xf32, #tpu.memory_space<hbm>>
        %dma_start3A_178 = tpu.memref_slice %arg7[%rem3A_163] : memref<7x!tpu.dma_semaphore, #tpu.memory_space<semaphore_mem>> -> memref<1x!tpu.dma_semaphore, #tpu.memory_space<semaphore_mem>>
        %dma_start3A_179 = tpu.memref_squeeze %dma_start3A_178 : memref<1x!tpu.dma_semaphore, #tpu.memory_space<semaphore_mem>> -> memref<!tpu.dma_semaphore, #tpu.memory_space<semaphore_mem>>
        tpu.enqueue_indirect_dma source(%dma_start3A_177 : memref<100000x1024xf32, #tpu.memory_space<hbm>>) target(%dma_start3A_173 : memref<16x1024xf32, #tpu.memory_space<vmem>>) offsets(%dma_start3A_174 : memref<16xi32, #tpu.memory_space<vmem>>) semaphore(%dma_start3A_179 : memref<!tpu.dma_semaphore, #tpu.memory_space<semaphore_mem>>)
      } else {
      }
    }
    %scan3A_114 = arith.constant 32 : i32
    %scan3A_115 = arith.constant 0 : i32
    %scan3A_116 = arith.constant 25 : i32
    %scan3A_117 = arith.constant 7 : i32
    %scan3A_118 = arith.addi %scan3A_116, %scan3A_117 : i32
    %scan3A_119 = arith.constant 1 : i32
    scf.for %scan3A_121 = %scan3A_116 to %scan3A_118 step %scan3A_119  : i32 {
      %rem3A_122 = arith.constant 7 : i32
      %rem3A_123 = arith.remsi %scan3A_121, %rem3A_122 : i32
      %dma_wait3A = arith.constant 0 : i32
      %dma_wait3A_124 = arith.constant 0 : i32
      %dma_wait3A_125 = arith.constant 0 : i32
      %dma_wait3A_126 = tpu.memref_slice %arg6[%rem3A_123, %dma_wait3A_124, %dma_wait3A_125] : memref<7x16x1024xf32, #tpu.memory_space<vmem>> -> memref<1x16x1024xf32, #tpu.memory_space<vmem>>
      %dma_wait3A_127 = tpu.memref_squeeze %dma_wait3A_126 : memref<1x16x1024xf32, #tpu.memory_space<vmem>> -> memref<16x1024xf32, #tpu.memory_space<vmem>>
      %dma_wait3A_128 = arith.constant 0 : i32
      %dma_wait3A_129 = arith.constant 0 : i32
      %dma_wait3A_130 = tpu.memref_slice %arg4[%dma_wait3A, %dma_wait3A_128, %dma_wait3A_129] : memref<4x4096x1024xf32, #tpu.memory_space<hbm>> -> memref<1x16x1024xf32, #tpu.memory_space<hbm>>
      %dma_wait3A_131 = tpu.memref_squeeze %dma_wait3A_130 : memref<1x16x1024xf32, #tpu.memory_space<hbm>> -> memref<16x1024xf32, #tpu.memory_space<hbm>>
      %dma_wait3A_132 = tpu.memref_slice %arg8[%rem3A_123] : memref<7x!tpu.dma_semaphore, #tpu.memory_space<semaphore_mem>> -> memref<1x!tpu.dma_semaphore, #tpu.memory_space<semaphore_mem>>
      %dma_wait3A_133 = tpu.memref_squeeze %dma_wait3A_132 : memref<1x!tpu.dma_semaphore, #tpu.memory_space<semaphore_mem>> -> memref<!tpu.dma_semaphore, #tpu.memory_space<semaphore_mem>>
      %dma_wait3A_134 = arith.constant 0 : i32
      %dma_wait3A_135 = arith.constant 0 : i32
      %dma_wait3A_136 = tpu.memref_slice %arg4[%dma_wait3A, %dma_wait3A_134, %dma_wait3A_135] : memref<4x4096x1024xf32, #tpu.memory_space<hbm>> -> memref<1x16x1024xf32, #tpu.memory_space<hbm>>
      %dma_wait3A_137 = tpu.memref_squeeze %dma_wait3A_136 : memref<1x16x1024xf32, #tpu.memory_space<hbm>> -> memref<16x1024xf32, #tpu.memory_space<hbm>>
      %dma_wait3A_138 = arith.constant 0 : i32
      %dma_wait3A_139 = arith.constant 0 : i32
      %dma_wait3A_140 = tpu.memref_slice %arg6[%rem3A_123, %dma_wait3A_138, %dma_wait3A_139] : memref<7x16x1024xf32, #tpu.memory_space<vmem>> -> memref<1x16x1024xf32, #tpu.memory_space<vmem>>
      %dma_wait3A_141 = tpu.memref_squeeze %dma_wait3A_140 : memref<1x16x1024xf32, #tpu.memory_space<vmem>> -> memref<16x1024xf32, #tpu.memory_space<vmem>>
      tpu.wait_dma2 semaphore(%dma_wait3A_133 : memref<!tpu.dma_semaphore, #tpu.memory_space<semaphore_mem>>) src(%dma_wait3A_141 : memref<16x1024xf32, #tpu.memory_space<vmem>>) dst(%dma_wait3A_137 : memref<16x1024xf32, #tpu.memory_space<hbm>>)
    }
    %scan3A_120 = arith.constant 7 : i32
    return
  }
}

</mosaic_0001>

<sc_bundles>
// kernel: kernel.3.cloned.1.call-start
scs
__scs_entry_jumppad:
0x0: {  	(pc) =	sbr.rel $0x88, $3  }
0x1: {  	(tag) =	ssettag $0x0;
	lr =	simm.s32 $0x1  }
0x2: {  	[smem:$0x3F9F] =	sst lr;
	_ =	strace $0xD0000000  }
0x3: {  	_ = 	snop  }
0x4: {  	_ = 	snop  }
0x5: {  	_ = 	snop  }
0x6: {  	_ = 	snop  }
0x7: {  	_ = 	snop  }
__scs_overlays_trampoline_lowered:
0x8: {  	[smem:$0x3FAE] =	sst s0  }
0x9: {  	[smem:$0x3FAF] =	sst s1  }
0xa: {  	[smem:$0x3FB0] =	sst s2  }
0xb: {  	[smem:$0x3FB1] =	sst s3  }
0xc: {  	[smem:$0x3FB2] =	sst s4  }
0xd: {  	[smem:$0x3FB3] =	sst s5  }
0xe: {  	[smem:$0x3FB4] =	sst s6  }
0xf: {  	[smem:$0x3FB5] =	sst s7  }
0x10: {  	[smem:$0x3FB6] =	sst s8  }
0x11: {  	[smem:$0x3FB7] =	sst s9;
	s0 =	simm.s32 @!p0 $0x0  }
0x12: {  	s1 =	sld [smem:$0x3F9D];
	s0 =	simm.s32 @p0 $0x1  }
0x13: {  	[smem:$0x3FB8] =	sst s0;
	s0 =	simm.s32 @!p1 $0x0  }
0x14: {  	s2 =	sld [smem:$0x3F9C];
	s0 =	simm.s32 @p1 $0x1  }
0x15: {  	[smem:$0x3FB9] =	sst s0;
	s0 =	simm.s32 @!p2 $0x0  }
0x16: {  	s3 =	sld [smem:$0x3FDB];
	s0 =	simm.s32 @p2 $0x1  }
0x17: {  	s4 =	simm.s32 $0x1BF5;
	[smem:$0x3FBB] =	sst s0  }
0x18: {  	s0 =	sld [smem:$0x3F9E];
	_ =	swait.ge [sflag:s4], $0x0  }
0x19: {  	s7 =	sld [smem:$0x3F9F]  }
0x1a: {  	s8 =	sadd.s32 $0xFFFFE003, lr  }
0x1b: {  	s9 =	sadd.s32 $0xFFFFFEF7, lr;
	s5 =	simm.s32 $0xFFFFFFFF;
	p2 =	slt.u32 s8, $0xFFFFF086  }
0x1c: {  	p1 =	slt.u32 s9, $0xF7A;
	s5 =	simm.s32 @!p2 $0x0  }
0x1d: {  	s5 =	simm.s32 @p1 $0x1;
	p0 =	seq.s32 s7, s2  }
0x1e: {  	s7 =	smul.u32 @!p0 $0xF7A, s2;
	p2 =	seq.s32 @!p0 s5, $0x0  }
0x1f: {  	s9 =	smul.u32 $0xF7A, s1;
	s8 =	simm.s32 @!p0 $0x1BF5;
	p2 =	por !p2, p0  }
0x20: {  	[sflag:s8] =	ssyncset.s32 @!p0 $0xFFFFF086;
	s6 =	sadd.s32 @!p0 s3, s7;
	s7 =	simm.s32 @!p0 $0x108  }
0x21: {  	s3 =	sadd.s32 s3, s9;
	s6 =	sadd.s32 @!p0 $0x88, s6;
	s7 =	simm.s32 @p2 $0x1082  }
0x22: {  	[simem:s7], [sflag:s8] =	dma.local @!p0 [hbm:s6], $0xF7A  }
0x23: {  	s9 =	sor.u32 $0xD0000000, s2;
	s6 =	simm.s32 $0x108;
	_ =	swait.ge @!p0 [sflag:s8], $0x0  }
0x24: {  	s3 =	sadd.s32 $0x88, s3;
	s6 =	simm.s32 @!p1 $0x1082;
	[sflag:s4] =	ssyncset.s32 $0xFFFFF086  }
0x25: {  	[simem:s6], [sflag:s4] =	dma.local [hbm:s3], $0xF7A  }
0x26: {  	[smem:$0x3F9F] =	sst s1;
	(tag) =	ssettag s2;
	_ =	strace s9  }
0x27: {  	s1 =	sld [smem:$0x3FAF]  }
0x28: {  	s2 =	sld [smem:$0x3FB0]  }
0x29: {  	s4 =	sld [smem:$0x3FB2]  }
0x2a: {  	p0 =	seq.s32 s5, $0x0;
	s5 =	sld [smem:$0x3FB3]  }
0x2b: {  	s6 =	sld [smem:$0x3FB4]  }
0x2c: {  	s7 =	sld [smem:$0x3FB5]  }
0x2d: {  	s3 =	simm.s32 $0x108;
	s8 =	sld [smem:$0x3FB6]  }
0x2e: {  	s3 =	simm.s32 @!p0 $0x1082;
	s9 =	sld [smem:$0x3FB7]  }
0x2f: {  	lr =	sadd.s32 s0, s3;
	s0 =	sld [smem:$0x3FAE]  }
0x30: {  	s3 =	sld [smem:$0x3FB1]  }
0x31: {  	[smem:$0x3FBA] =	sst s10  }
0x32: {  	s10 =	sld [smem:$0x3FB8];
	_ =	sdelay $0x3  }
0x33: {  	p0 =	seq.s32 s10, $0x1;
	s10 =	sld [smem:$0x3FBA];
	_ =	sdelay $0x3  }
0x34: {  	[smem:$0x3FBA] =	sst s10  }
0x35: {  	s10 =	sld [smem:$0x3FB9];
	_ =	sdelay $0x3  }
0x36: {  	p1 =	seq.s32 s10, $0x1;
	s10 =	sld [smem:$0x3FBA];
	_ =	sdelay $0x3  }
0x37: {  	[smem:$0x3FBA] =	sst s10  }
0x38: {  	s10 =	sld [smem:$0x3FBB]  }
0x39: {  	_ = 	snop;
	(pc) =	sbr.ind lr, $3  }
0x3a: {  	_ = 	snop  }
0x3b: {  	_ = 	snop  }
0x3c: {  	p2 =	seq.s32 s10, $0x1;
	s10 =	sld [smem:$0x3FBA]  }
0x3d: {  	_ =	shalt  }
0x3e: {  	_ =	shalt  }
0x3f: {  	_ =	shalt  }
0x40: {  	_ =	shalt  }
0x41: {  	_ =	shalt  }
0x42: {  	_ =	shalt  }
0x43: {  	_ =	shalt  }
0x44: {  	_ =	shalt  }
0x45: {  	_ =	shalt  }
0x46: {  	_ =	shalt  }
0x47: {  	_ =	shalt  }
0x48: {  	_ =	shalt  }
0x49: {  	_ =	shalt  }
0x4a: {  	_ =	shalt  }
0x4b: {  	_ =	shalt  }
0x4c: {  	_ =	shalt  }
0x4d: {  	_ =	shalt  }
0x4e: {  	_ =	shalt  }
0x4f: {  	_ =	shalt  }
0x50: {  	_ =	shalt  }
0x51: {  	_ =	shalt  }
0x52: {  	_ =	shalt  }
0x53: {  	_ =	shalt  }
0x54: {  	_ =	shalt  }
0x55: {  	_ =	shalt  }
0x56: {  	_ =	shalt  }
0x57: {  	_ =	shalt  }
0x58: {  	_ =	shalt  }
0x59: {  	_ =	shalt  }
0x5a: {  	_ =	shalt  }
0x5b: {  	_ =	shalt  }
0x5c: {  	_ =	shalt  }
0x5d: {  	_ =	shalt  }
0x5e: {  	_ =	shalt  }
0x5f: {  	_ =	shalt  }
0x60: {  	_ =	shalt  }
0x61: {  	_ =	shalt  }
0x62: {  	_ =	shalt  }
0x63: {  	_ =	shalt  }
0x64: {  	_ =	shalt  }
0x65: {  	_ =	shalt  }
0x66: {  	_ =	shalt  }
0x67: {  	_ =	shalt  }
0x68: {  	_ =	shalt  }
0x69: {  	_ =	shalt  }
0x6a: {  	_ =	shalt  }
0x6b: {  	_ =	shalt  }
0x6c: {  	_ =	shalt  }
0x6d: {  	_ =	shalt  }
0x6e: {  	_ =	shalt  }
0x6f: {  	_ =	shalt  }
0x70: {  	_ =	shalt  }
0x71: {  	_ =	shalt  }
0x72: {  	_ =	shalt  }
0x73: {  	_ =	shalt  }
0x74: {  	_ =	shalt  }
0x75: {  	_ =	shalt  }
0x76: {  	_ =	shalt  }
0x77: {  	_ =	shalt  }
0x78: {  	_ =	shalt  }
0x79: {  	_ =	shalt  }
0x7a: {  	_ =	shalt  }
0x7b: {  	_ =	shalt  }
0x7c: {  	_ =	shalt  }
0x7d: {  	_ =	shalt  }
0x7e: {  	_ =	shalt  }
0x7f: {  	_ =	shalt  }
0x80: {  	_ =	shalt  }
0x81: {  	_ =	shalt  }
0x82: {  	_ =	shalt  }
0x83: {  	_ =	shalt  }
0x84: {  	_ =	shalt  }
0x85: {  	_ =	shalt  }
0x86: {  	_ =	shalt  }
0x87: {  	_ =	shalt  }
.Lfunc_end0:
.L_simem_size_0:
called_computation_lowered:
.L_overlay_start_0:
0x88: {  	s2 =	sld [smem:$0x3FD9]  }
0x89: {  	s3 =	sld [smem:$0x3FFE];
	_ =	sdelay $0x1  }
0x8a: {  	s1 =	srdreg.scid  }
0x8b: {  	s0 =	sand.u32 $0x1, s1  }
0x8c: {  	s18 =	sshll.u32 s0, $0xA;
	s2 =	sadd.s32 s3, s2  }
0x8d: {  	s2 =	sadd.s32 s2, s18  }
0x8e: {  	[smem:$0x3FC6] =	sst s2  }
0x8f: {  	_ = 	snop  }
0x90: {  	s2 =	sld [smem:$0x3FC9]  }
0x91: {  	s19 =	sld [smem:$0x3FC8]  }
0x92: {  	s4 =	sld [smem:$0x3FD0];
	(tm) =	ssettm $0x1  }
0x93: {  	s5 =	sld [smem:$0x3FFB];
	_ =	sdelay $0x3  }
0x94: {  	_ =	strace s5  }
0x95: {  	s5 =	sld [smem:$0x3FFC];
	_ =	sdelay $0x3  }
0x96: {  	_ =	strace s5  }
0x97: {  	s5 =	sld [smem:$0x3FFD];
	_ =	sdelay $0x3  }
0x98: {  	_ =	strace s5  }
0x99: {  	_ =	strace $0x8FFFFFFF  }
0x9a: {  	s20 =	sld [smem:$0x3FDB];
	_ =	sdelay $0x1  }
0x9b: {  	s6 =	simm.s32 $_scs_section_size  }
0x9c: {  	s7 =	simm.s32 $_size__tile_overlayer_lowered;
	s8 =	simm.s32 $_tile_overlayer_lowered  }
0x9d: {  	s23 =	simm.s32 $0x1BFF;
	s22 =	sshll.u32 s8, $0x1;
	s5 =	sadd.s32 s6, s20  }
0x9e: {  	s9 =	simm.s32 $0x0;
	s21 =	sshll.u32 s7, $0x1;
	s7 =	sadd.s32 s22, s5  }
0x9f: {  	[timem:s9], [sflag:s23] =	dma.local [hbm:s7], s21  }
0xa0: {  	_ =	swait.ge [sflag:s23], s21  }
0xa1: {  	s6 =	ssub.s32 $0x0, s21;
	[sflag:s23] =	ssyncset.done $0x0  }
0xa2: {  	[sflag:s23] =	ssyncadd.s32 s6;
	_ =	sdelay $0x1  }
0xa3: {  	s24 =	simm.s32 $0x1B8B  }
0xa4: {  	_ =	swait.ge [sflag:s24], $0x1  }
0xa5: {  	[sflag:s24] =	ssyncset.done $0x0  }
0xa6: {  	s25 =	simm.s32 $0x1B8E;
	[sflag:s24] =	ssyncadd.s32 $0xFFFFFFFF  }
0xa7: {  	s26 =	simm.s32 $execute0_lowered;
	[smem:$0x3FD2] =	sst s25  }
0xa8: {  	s6 =	sshll.u32 s26, $0x1;
	_ =	strace $0x80000046;
	[dreg:$0x1] =	wrdreg $0xFFFFFFFF  }
0xa9: {  	s28 =	simm.s32 $_size_execute0_lowered;
	s5 =	sadd.s32 s5, s6;
	[dreg:$0x0] =	wrdreg $0x0  }
0xaa: {  	s6 =	sshll.u32 s28, $0x1;
	[dreg:$0x2] =	wrdreg s5  }
0xab: {  	[dreg:$0x3] =	wrdreg s6  }
0xac: {  	[dreg:$0x4] =	wrdreg $0xC0  }
0xad: {  	_ =	task [dreg:s9], $0x5FFFF  }
0xae: {  	[dreg:$0x1] =	wrdreg $0xFFFFFFFF  }
0xaf: {  	[dreg:$0x0] =	wrdreg $0x60  }
0xb0: {  	[dreg:$0x2] =	wrdreg s2  }
0xb1: {  	[dreg:$0x3] =	wrdreg s19  }
0xb2: {  	[dreg:$0x4] =	wrdreg s4  }
0xb3: {  	[dreg:$0x5] =	wrdreg $0x9  }
0xb4: {  	_ =	task.clear_ibuf [dreg:s9], $0x6FFFF;
	_ =	strace $0x90000046  }
0xb5: {  	s29 =	simm.s32 $0x9;
	_ =	strace $0x80000048  }
0xb6: {  	_ =	swait.ge [sflag:s29], $0x1  }
0xb7: {  	[sflag:s29] =	ssyncadd.s32 $0xFFFFFFFF  }
0xb8: {  	_ =	strace $0x90000048  }
0xb9: {  	_ =	sfence  }
0xba: {  	s30 =	sld [smem:$0x0];
	_ =	sdelay $0x2  }
0xbb: {  	s31 =	sshll.u32 s1, $0xD;
	s1 =	sshrl.u32 s1, $0x2  }
0xbc: {  	s3 =	sand.u32 $0x4000, s31;
	s1 =	sadd.s32 s1, s30  }
0xbd: {  	s0 =	sor.u32 s3, s0;
	s1 =	sshll.u32 s1, $0x11  }
0xbe: {  	s0 =	sor.u32 s1, s0  }
0xbf: {  	s0 =	sadd.s32 $0x8F2B, s0  }
0xc0: {  	[sflag:s0] =	ssyncadd.remote.s32 $0x1  }
0xc1: {  	_ =	sfence.sel $0xFFFF  }
0xc2: {  	[dreg:$0x0] =	wrdreg $0xFFFFFFFF;
	(pc) =	sbr.abs _section_cstart, $3  }
0xc3: {  	[dreg:$0x1] =	wrdreg $0xFFFFFFFF  }
0xc4: {  	_ =	task.clear_ibuf [dreg:s9], $0x2FFFF;
	_ =	strace $0x9FFFFFFF  }
0xc5: {  	(tm) =	ssettm $0x7FFFFFFF  }
tec
execute0_lowered:
.L_overlay_start_1:
0x0: {  	(tag) =	ssettag $0x1  }
0x1: {  	s0 =	rddreg [dreg:$0x0]  }
0x2: {  	s1 =	rddreg [dreg:$0x1]  }
0x3: {  	s2 =	rddreg [dreg:$0x2]  }
0x4: {  	s3 =	simm.s32 $0x0;
	s4 =	srdreg.scid;
	s8 =	stileid.u32  }
0x5: {  	s11 =	simm.s32 $0x200;
	s12 =	simm.s32 $0xF;
	s14 =	simm.s32 $0x16200  }
0x6: {  	s15 =	simm.s32 $0x16A00;
	s16 =	simm.s32 $0x17200;
	s17 =	simm.s32 $0x17A00  }
0x7: {  	s18 =	simm.s32 $0xC;
	s19 =	simm.s32 $0xD;
	s20 =	simm.s32 $0xE  }
0x8: {  	s21 =	simm.s32 $0x8;
	s22 =	simm.s32 $0x9;
	s23 =	simm.s32 $0xA  }
0x9: {  	s24 =	simm.s32 $0xB;
	s25 =	simm.s32 $0x0;
	[smem:$0x7FF] =	sst s3  }
0xa: {  	s4 =	sand.u32 $0x1, s4;
	s6 =	sshll.u32 s8, $0x1;
	s8 =	sshrl.u32 s8, $0x2  }
0xb: {  	_ =	strace $0x80000047;
	s5 =	ssub.s32 $0x2, s4;
	s6 =	sand.u32 $0x6, s6  }
0xc: {  	s29 =	sshll.u32 s8, $0x4;
	s31 =	sshll.u32 s8, $0x13;
	s7 =	sshrl.u32 s5, $0x1  }
0xd: {  	s4 =	sor.u32 s4, s6;
	s0 =	sadd.s32 s0, s29;
	s6 =	sadd.s32 $0x200, s1  }
0xe: {  	v2 =	vlaneseq.u32;
	s9 =	ssub.s32 s5, s7;
	s10 =	sshll.u32 s4, $0x10;
	s4 =	sshll.u32 s4, $0x8  }
0xf: {  	vm0 =	vmmov $0xffff;
	v1 =	vshrl.u32 v2, $0x3;
	s5 =	sadd.s32 $0x100, s1;
	s7 =	sadd.s32 $0x300, s1;
	s30 =	sadd.s32 s10, s2  }
0x10: {  	v0 =	vand.u32 $0x7, v2;
	v2 =	vor.u32 $0x8, v2;
	v1 =	vmul.u32 $0x8, v1;
	s4 =	sadd.s32 s4, s0;
	s9 =	smax.u32 s9, $0x1;
	s8 =	sadd.s32 s30, s31  }
.LBB2_1:
0x11: {  	s0 =	simm.s32 $0x80  }
0x12: {  	[tilespmem:s3], [sflag:$0xF] =	stream.strided.gather [hbm4b:s4+s0], $0x200, s11, s0, $0x38;
	[tilespmem:$0x1C200] =	vst v63  }
0x13: {  	_ =	swait.ge [sflag:s12], $0x200  }
0x14: {  	[sflag:s12] =	ssyncset.done $0x0  }
0x15: {  	[sflag:s12] =	ssyncadd.s32 $0xFFFFFE00  }
0x16: {  	v3 =	vld [tilespmem:$0x0];
	_ =	sdelay $0x4  }
0x17: {  	v4 =	vshll.u32 v3, $0x3  }
0x18: {  	v3 =	vand.u32 $0x7, v3;
	v4 =	vand.u32 $0xFFFFFFC0, v4  }
0x19: {  	v3 =	vor.u32 v3, v4  }
0x1a: {  	v4 =	vperm.xlane v3, v0;
	_ =	sdelay $0x1  }
0x1b: {  	v4 =	vadd.s32 v1, v4;
	_ =	sdelay $0x4  }
0x1c: {  	[tilespmem:s11], [sflag:$0x1] =	stream.indirect_vreg.gather [hbm4b:s1+s3], $0x80, v4, vm0, $0xb8;
	[tilespmem:$0x1C200] =	vst v63  }
0x1d: {  	s29 =	simm.s32 $0xA00;
	v3 =	vperm.xlane v3, v2  }
0x1e: {  	[tilespmem:s29], [sflag:$0x1] =	stream.indirect_vreg.gather [hbm4b:s5+s3], $0x80, v4, vm0, $0xb8;
	[tilespmem:$0x1C200] =	vst v63  }
0x1f: {  	s30 =	simm.s32 $0x1200;
	v3 =	vadd.s32 v1, v3  }
0x20: {  	[tilespmem:s30], [sflag:$0x1] =	stream.indirect_vreg.gather [hbm4b:s6+s3], $0x80, v4, vm0, $0xb8;
	[tilespmem:$0x1C200] =	vst v63  }
0x21: {  	s31 =	simm.s32 $0x1A00  }
0x22: {  	[tilespmem:s31], [sflag:$0x1] =	stream.indirect_vreg.gather [hbm4b:s7+s3], $0x80, v4, vm0, $0xb8;
	[tilespmem:$0x1C200] =	vst v63  }
0x23: {  	s2 =	simm.s32 $0x2200  }
0x24: {  	[tilespmem:s2], [sflag:$0x1] =	stream.indirect_vreg.gather [hbm4b:s1+s3], $0x80, v3, vm0, $0xb8;
	[tilespmem:$0x1C200] =	vst v63  }
0x25: {  	s10 =	simm.s32 $0x2A00  }
0x26: {  	[tilespmem:s10], [sflag:$0x1] =	stream.indirect_vreg.gather [hbm4b:s5+s3], $0x80, v3, vm0, $0xb8;
	[tilespmem:$0x1C200] =	vst v63  }
0x27: {  	s13 =	simm.s32 $0x3200  }
0x28: {  	[tilespmem:s13], [sflag:$0x1] =	stream.indirect_vreg.gather [hbm4b:s6+s3], $0x80, v3, vm0, $0xb8;
	[tilespmem:$0x1C200] =	vst v63  }
0x29: {  	s26 =	simm.s32 $0x3A00  }
0x2a: {  	[tilespmem:s26], [sflag:$0x1] =	stream.indirect_vreg.gather [hbm4b:s7+s3], $0x80, v3, vm0, $0xb8;
	[tilespmem:$0x1C200] =	vst v63  }
0x2b: {  	v3 =	vld [tilespmem:$0x10];
	_ =	sdelay $0x4  }
0x2c: {  	v59 =	vshll.u32 v3, $0x3  }
0x2d: {  	v3 =	vand.u32 $0x7, v3;
	v4 =	vand.u32 $0xFFFFFFC0, v59  }
0x2e: {  	v3 =	vor.u32 v3, v4  }
0x2f: {  	v4 =	vperm.xlane v3, v0;
	_ =	sdelay $0x1  }
0x30: {  	v4 =	vadd.s32 v1, v4;
	_ =	sdelay $0x3  }
0x31: {  	s28 =	simm.s32 $0x4200  }
0x32: {  	[tilespmem:s28], [sflag:$0x2] =	stream.indirect_vreg.gather [hbm4b:s1+s3], $0x80, v4, vm0, $0xb8;
	[tilespmem:$0x1C200] =	vst v63  }
0x33: {  	s29 =	simm.s32 $0x4A00;
	v3 =	vperm.xlane v3, v2  }
0x34: {  	[tilespmem:s29], [sflag:$0x2] =	stream.indirect_vreg.gather [hbm4b:s5+s3], $0x80, v4, vm0, $0xb8;
	[tilespmem:$0x1C200] =	vst v63  }
0x35: {  	s30 =	simm.s32 $0x5200;
	v3 =	vadd.s32 v1, v3  }
0x36: {  	[tilespmem:s30], [sflag:$0x2] =	stream.indirect_vreg.gather [hbm4b:s6+s3], $0x80, v4, vm0, $0xb8;
	[tilespmem:$0x1C200] =	vst v63  }
0x37: {  	s31 =	simm.s32 $0x5A00  }
0x38: {  	[tilespmem:s31], [sflag:$0x2] =	stream.indirect_vreg.gather [hbm4b:s7+s3], $0x80, v4, vm0, $0xb8;
	[tilespmem:$0x1C200] =	vst v63  }
0x39: {  	s2 =	simm.s32 $0x6200  }
0x3a: {  	[tilespmem:s2], [sflag:$0x2] =	stream.indirect_vreg.gather [hbm4b:s1+s3], $0x80, v3, vm0, $0xb8;
	[tilespmem:$0x1C200] =	vst v63  }
0x3b: {  	s10 =	simm.s32 $0x6A00  }
0x3c: {  	[tilespmem:s10], [sflag:$0x2] =	stream.indirect_vreg.gather [hbm4b:s5+s3], $0x80, v3, vm0, $0xb8;
	[tilespmem:$0x1C200] =	vst v63  }
0x3d: {  	s13 =	simm.s32 $0x7200  }
0x3e: {  	[tilespmem:s13], [sflag:$0x2] =	stream.indirect_vreg.gather [hbm4b:s6+s3], $0x80, v3, vm0, $0xb8;
	[tilespmem:$0x1C200] =	vst v63  }
0x3f: {  	s26 =	simm.s32 $0x7A00  }
0x40: {  	[tilespmem:s26], [sflag:$0x2] =	stream.indirect_vreg.gather [hbm4b:s7+s3], $0x80, v3, vm0, $0xb8;
	[tilespmem:$0x1C200] =	vst v63  }
0x41: {  	v3 =	vld [tilespmem:$0x20];
	_ =	sdelay $0x4  }
0x42: {  	v60 =	vshll.u32 v3, $0x3  }
0x43: {  	v3 =	vand.u32 $0x7, v3;
	v4 =	vand.u32 $0xFFFFFFC0, v60  }
0x44: {  	v3 =	vor.u32 v3, v4  }
0x45: {  	v4 =	vperm.xlane v3, v0;
	_ =	sdelay $0x1  }
0x46: {  	v4 =	vadd.s32 v1, v4;
	_ =	sdelay $0x3  }
0x47: {  	s28 =	simm.s32 $0x8200  }
0x48: {  	[tilespmem:s28], [sflag:$0x3] =	stream.indirect_vreg.gather [hbm4b:s1+s3], $0x80, v4, vm0, $0xb8;
	[tilespmem:$0x1C200] =	vst v63  }
0x49: {  	s29 =	simm.s32 $0x8A00;
	v3 =	vperm.xlane v3, v2  }
0x4a: {  	[tilespmem:s29], [sflag:$0x3] =	stream.indirect_vreg.gather [hbm4b:s5+s3], $0x80, v4, vm0, $0xb8;
	[tilespmem:$0x1C200] =	vst v63  }
0x4b: {  	s30 =	simm.s32 $0x9200;
	v3 =	vadd.s32 v1, v3  }
0x4c: {  	[tilespmem:s30], [sflag:$0x3] =	stream.indirect_vreg.gather [hbm4b:s6+s3], $0x80, v4, vm0, $0xb8;
	[tilespmem:$0x1C200] =	vst v63  }
0x4d: {  	s31 =	simm.s32 $0x9A00  }
0x4e: {  	[tilespmem:s31], [sflag:$0x3] =	stream.indirect_vreg.gather [hbm4b:s7+s3], $0x80, v4, vm0, $0xb8;
	[tilespmem:$0x1C200] =	vst v63  }
0x4f: {  	s2 =	simm.s32 $0xA200  }
0x50: {  	[tilespmem:s2], [sflag:$0x3] =	stream.indirect_vreg.gather [hbm4b:s1+s3], $0x80, v3, vm0, $0xb8;
	[tilespmem:$0x1C200] =	vst v63  }
0x51: {  	s10 =	simm.s32 $0xAA00  }
0x52: {  	[tilespmem:s10], [sflag:$0x3] =	stream.indirect_vreg.gather [hbm4b:s5+s3], $0x80, v3, vm0, $0xb8;
	[tilespmem:$0x1C200] =	vst v63  }
0x53: {  	s13 =	simm.s32 $0xB200  }
0x54: {  	[tilespmem:s13], [sflag:$0x3] =	stream.indirect_vreg.gather [hbm4b:s6+s3], $0x80, v3, vm0, $0xb8;
	[tilespmem:$0x1C200] =	vst v63  }
0x55: {  	s26 =	simm.s32 $0xBA00  }
0x56: {  	[tilespmem:s26], [sflag:$0x3] =	stream.indirect_vreg.gather [hbm4b:s7+s3], $0x80, v3, vm0, $0xb8;
	[tilespmem:$0x1C200] =	vst v63  }
0x57: {  	v3 =	vld [tilespmem:$0x30];
	_ =	sdelay $0x4  }
0x58: {  	v61 =	vshll.u32 v3, $0x3  }
0x59: {  	v3 =	vand.u32 $0x7, v3;
	v4 =	vand.u32 $0xFFFFFFC0, v61  }
0x5a: {  	v3 =	vor.u32 v3, v4  }
0x5b: {  	v4 =	vperm.xlane v3, v0;
	_ =	sdelay $0x1  }
0x5c: {  	v4 =	vadd.s32 v1, v4;
	_ =	sdelay $0x3  }
0x5d: {  	s28 =	simm.s32 $0xC200  }
0x5e: {  	[tilespmem:s28], [sflag:$0x4] =	stream.indirect_vreg.gather [hbm4b:s1+s3], $0x80, v4, vm0, $0xb8;
	[tilespmem:$0x1C200] =	vst v63  }
0x5f: {  	s29 =	simm.s32 $0xCA00;
	v3 =	vperm.xlane v3, v2  }
0x60: {  	[tilespmem:s29], [sflag:$0x4] =	stream.indirect_vreg.gather [hbm4b:s5+s3], $0x80, v4, vm0, $0xb8;
	[tilespmem:$0x1C200] =	vst v63  }
0x61: {  	s30 =	simm.s32 $0xD200;
	v3 =	vadd.s32 v1, v3  }
0x62: {  	[tilespmem:s30], [sflag:$0x4] =	stream.indirect_vreg.gather [hbm4b:s6+s3], $0x80, v4, vm0, $0xb8;
	[tilespmem:$0x1C200] =	vst v63  }
0x63: {  	s31 =	simm.s32 $0xDA00  }
0x64: {  	[tilespmem:s31], [sflag:$0x4] =	stream.indirect_vreg.gather [hbm4b:s7+s3], $0x80, v4, vm0, $0xb8;
	[tilespmem:$0x1C200] =	vst v63  }
0x65: {  	s2 =	simm.s32 $0xE200  }
0x66: {  	[tilespmem:s2], [sflag:$0x4] =	stream.indirect_vreg.gather [hbm4b:s1+s3], $0x80, v3, vm0, $0xb8;
	[tilespmem:$0x1C200] =	vst v63  }
0x67: {  	s10 =	simm.s32 $0xEA00  }
0x68: {  	[tilespmem:s10], [sflag:$0x4] =	stream.indirect_vreg.gather [hbm4b:s5+s3], $0x80, v3, vm0, $0xb8;
	[tilespmem:$0x1C200] =	vst v63  }
0x69: {  	s13 =	simm.s32 $0xF200  }
0x6a: {  	[tilespmem:s13], [sflag:$0x4] =	stream.indirect_vreg.gather [hbm4b:s6+s3], $0x80, v3, vm0, $0xb8;
	[tilespmem:$0x1C200] =	vst v63  }
0x6b: {  	s26 =	simm.s32 $0xFA00  }
0x6c: {  	[tilespmem:s26], [sflag:$0x4] =	stream.indirect_vreg.gather [hbm4b:s7+s3], $0x80, v3, vm0, $0xb8;
	[tilespmem:$0x1C200] =	vst v63  }
0x6d: {  	v3 =	vld [tilespmem:$0x40];
	_ =	sdelay $0x4  }
0x6e: {  	v62 =	vshll.u32 v3, $0x3  }
0x6f: {  	v3 =	vand.u32 $0x7, v3;
	v4 =	vand.u32 $0xFFFFFFC0, v62  }
0x70: {  	v3 =	vor.u32 v3, v4  }
0x71: {  	v4 =	vperm.xlane v3, v0;
	_ =	sdelay $0x1  }
0x72: {  	v4 =	vadd.s32 v1, v4;
	_ =	sdelay $0x3  }
0x73: {  	s28 =	simm.s32 $0x10200  }
0x74: {  	[tilespmem:s28], [sflag:$0x5] =	stream.indirect_vreg.gather [hbm4b:s1+s3], $0x80, v4, vm0, $0xb8;
	[tilespmem:$0x1C200] =	vst v63  }
0x75: {  	s29 =	simm.s32 $0x10A00;
	v3 =	vperm.xlane v3, v2  }
0x76: {  	[tilespmem:s29], [sflag:$0x5] =	stream.indirect_vreg.gather [hbm4b:s5+s3], $0x80, v4, vm0, $0xb8;
	[tilespmem:$0x1C200] =	vst v63  }
0x77: {  	s30 =	simm.s32 $0x11200;
	v3 =	vadd.s32 v1, v3  }
0x78: {  	[tilespmem:s30], [sflag:$0x5] =	stream.indirect_vreg.gather [hbm4b:s6+s3], $0x80, v4, vm0, $0xb8;
	[tilespmem:$0x1C200] =	vst v63  }
0x79: {  	s31 =	simm.s32 $0x11A00  }
0x7a: {  	[tilespmem:s31], [sflag:$0x5] =	stream.indirect_vreg.gather [hbm4b:s7+s3], $0x80, v4, vm0, $0xb8;
	[tilespmem:$0x1C200] =	vst v63  }
0x7b: {  	s2 =	simm.s32 $0x12200  }
0x7c: {  	[tilespmem:s2], [sflag:$0x5] =	stream.indirect_vreg.gather [hbm4b:s1+s3], $0x80, v3, vm0, $0xb8;
	[tilespmem:$0x1C200] =	vst v63  }
0x7d: {  	s10 =	simm.s32 $0x12A00  }
0x7e: {  	[tilespmem:s10], [sflag:$0x5] =	stream.indirect_vreg.gather [hbm4b:s5+s3], $0x80, v3, vm0, $0xb8;
	[tilespmem:$0x1C200] =	vst v63  }
0x7f: {  	s13 =	simm.s32 $0x13200  }
0x80: {  	[tilespmem:s13], [sflag:$0x5] =	stream.indirect_vreg.gather [hbm4b:s6+s3], $0x80, v3, vm0, $0xb8;
	[tilespmem:$0x1C200] =	vst v63  }
0x81: {  	s26 =	simm.s32 $0x13A00  }
0x82: {  	[tilespmem:s26], [sflag:$0x5] =	stream.indirect_vreg.gather [hbm4b:s7+s3], $0x80, v3, vm0, $0xb8;
	[tilespmem:$0x1C200] =	vst v63  }
0x83: {  	v3 =	vld [tilespmem:$0x50];
	_ =	sdelay $0x4  }
0x84: {  	v63 =	vshll.u32 v3, $0x3  }
0x85: {  	v3 =	vand.u32 $0x7, v3;
	v4 =	vand.u32 $0xFFFFFFC0, v63  }
0x86: {  	v3 =	vor.u32 v3, v4  }
0x87: {  	v4 =	vperm.xlane v3, v0;
	_ =	sdelay $0x1  }
0x88: {  	v4 =	vadd.s32 v1, v4;
	_ =	sdelay $0x3  }
0x89: {  	s28 =	simm.s32 $0x14200  }
0x8a: {  	[tilespmem:s28], [sflag:$0x6] =	stream.indirect_vreg.gather [hbm4b:s1+s3], $0x80, v4, vm0, $0xb8;
	[tilespmem:$0x1C200] =	vst v63  }
0x8b: {  	s29 =	simm.s32 $0x14A00;
	v3 =	vperm.xlane v3, v2  }
0x8c: {  	[tilespmem:s29], [sflag:$0x6] =	stream.indirect_vreg.gather [hbm4b:s5+s3], $0x80, v4, vm0, $0xb8;
	[tilespmem:$0x1C200] =	vst v63  }
0x8d: {  	s30 =	simm.s32 $0x15200;
	v3 =	vadd.s32 v1, v3  }
0x8e: {  	[tilespmem:s30], [sflag:$0x6] =	stream.indirect_vreg.gather [hbm4b:s6+s3], $0x80, v4, vm0, $0xb8;
	[tilespmem:$0x1C200] =	vst v63  }
0x8f: {  	s31 =	simm.s32 $0x15A00  }
0x90: {  	[tilespmem:s31], [sflag:$0x6] =	stream.indirect_vreg.gather [hbm4b:s7+s3], $0x80, v4, vm0, $0xb8;
	[tilespmem:$0x1C200] =	vst v63  }
0x91: {  	_ = 	snop  }
0x92: {  	[tilespmem:s14], [sflag:$0x6] =	stream.indirect_vreg.gather [hbm4b:s1+s3], $0x80, v3, vm0, $0xb8;
	[tilespmem:$0x1C200] =	vst v63  }
0x93: {  	_ = 	snop  }
0x94: {  	[tilespmem:s15], [sflag:$0x6] =	stream.indirect_vreg.gather [hbm4b:s5+s3], $0x80, v3, vm0, $0xb8;
	[tilespmem:$0x1C200] =	vst v63  }
0x95: {  	_ = 	snop  }
0x96: {  	[tilespmem:s16], [sflag:$0x6] =	stream.indirect_vreg.gather [hbm4b:s6+s3], $0x80, v3, vm0, $0xb8;
	[tilespmem:$0x1C200] =	vst v63  }
0x97: {  	s26 =	simm.s32 $0x0  }
0x98: {  	[tilespmem:s17], [sflag:$0x6] =	stream.indirect_vreg.gather [hbm4b:s7+s3], $0x80, v3, vm0, $0xb8;
	[tilespmem:$0x1C200] =	vst v63  }
.LBB2_2:
0x99: {  	s0 =	smul.u32 $0x25, s26;
	_ =	sdelay $0x1  }
0x9a: {  	s0 =	sshrl.u32 s0, $0x8  }
0x9b: {  	s2 =	ssub.s32 s26, s0  }
0x9c: {  	s2 =	sand.u32 $0xFE, s2  }
0x9d: {  	s2 =	sshrl.u32 s2, $0x1  }
0x9e: {  	s0 =	sadd.s32 s0, s2  }
0x9f: {  	s0 =	sand.u32 $0xFC, s0  }
0xa0: {  	s0 =	sshrl.u32 s0, $0x2  }
0xa1: {  	s0 =	smul.u32 $0x7, s0;
	_ =	sdelay $0x1  }
0xa2: {  	s0 =	ssub.s32 s26, s0  }
0xa3: {  	s28 =	sand.u32 $0xFF, s0  }
0xa4: {  	s29 =	sshll.u32 s28, $0xE  }
0xa5: {  	v3 =	vmov s29  }
0xa6: {  	s0 =	sadd.s32 $0x1, s28  }
0xa7: {  	s13 =	simm.s32 $0x0;
	_ =	swait.ge [sflag:s0], $0x4000  }
0xa8: {  	s10 =	sand.u32 $0x2000, s13;
	s2 =	sand.u32 $0x380, s13;
	[sflag:s0] =	ssyncset.done $0x0  }
0xa9: {  	s30 =	sor.u32 s2, s10;
	[sflag:s0] =	ssyncadd.s32 $0xFFFFC000  }
0xaa: {  	v4 =	vld.idx.msk [tilespmem:v3+s30+$0x1E00 ss:$0x1], $0xffff  }
0xab: {  	v5 =	vld.idx.msk [tilespmem:v3+s30+$0x200 ss:$0x1], $0xffff  }
0xac: {  	v6 =	vld.idx.msk [tilespmem:v3+s30+$0x600 ss:$0x1], $0xffff  }
0xad: {  	v7 =	vld.idx.msk [tilespmem:v3+s30+$0xA00 ss:$0x1], $0xffff  }
0xae: {  	v8 =	vld.idx.msk [tilespmem:v3+s30+$0xE00 ss:$0x1], $0xffff  }
0xaf: {  	s2 =	simm.s32 $0x400;
	s10 =	simm.s32 $0x80;
	v9 =	vld.idx.msk [tilespmem:v3+s30+$0x1200 ss:$0x1], $0xffff  }
0xb0: {  	s0 =	sand.u32 $0x2000, s2;
	s2 =	sand.u32 $0x380, s10;
	v10 =	vld.idx.msk [tilespmem:v3+s30+$0x1600 ss:$0x1], $0xffff  }
0xb1: {  	s31 =	sor.u32 s2, s0;
	v11 =	vld.idx.msk [tilespmem:v3+s30+$0x1A00 ss:$0x1], $0xffff;
	v4 =	vmul.f32 $3.200000000e+01, v4  }
0xb2: {  	v12 =	vld.idx.msk [tilespmem:v3+s31+$0x1E00 ss:$0x1], $0xffff;
	v5 =	vmul.f32 $3.200000000e+01, v5  }
0xb3: {  	v13 =	vld.idx.msk [tilespmem:v3+s31+$0x200 ss:$0x1], $0xffff;
	[tilespmem:v3+s30+$0x1E00 ss:$0x1] =	vst.idx.msk $0xffff, v4  }
0xb4: {  	v14 =	vld.idx.msk [tilespmem:v3+s31+$0x600 ss:$0x1], $0xffff;
	v4 =	vmul.f32 $3.200000000e+01, v6;
	[tilespmem:v3+s30+$0x200 ss:$0x1] =	vst.idx.msk $0xffff, v5  }
0xb5: {  	v7 =	vmul.f32 $3.200000000e+01, v7;
	v5 =	vld.idx.msk [tilespmem:v3+s30+$0x1E10 ss:$0x1], $0xffff  }
0xb6: {  	v8 =	vmul.f32 $3.200000000e+01, v8;
	v6 =	vld.idx.msk [tilespmem:v3+s30+$0x210 ss:$0x1], $0xffff;
	[tilespmem:v3+s30+$0x600 ss:$0x1] =	vst.idx.msk $0xffff, v4  }
0xb7: {  	v9 =	vmul.f32 $3.200000000e+01, v9;
	v4 =	vld.idx.msk [tilespmem:v3+s30+$0x610 ss:$0x1], $0xffff;
	[tilespmem:v3+s30+$0xA00 ss:$0x1] =	vst.idx.msk $0xffff, v7  }
0xb8: {  	v10 =	vmul.f32 $3.200000000e+01, v10;
	v7 =	vld.idx.msk [tilespmem:v3+s30+$0xA10 ss:$0x1], $0xffff;
	[tilespmem:v3+s30+$0xE00 ss:$0x1] =	vst.idx.msk $0xffff, v8  }
0xb9: {  	v11 =	vmul.f32 $3.200000000e+01, v11;
	v8 =	vld.idx.msk [tilespmem:v3+s30+$0xE10 ss:$0x1], $0xffff;
	[tilespmem:v3+s30+$0x1200 ss:$0x1] =	vst.idx.msk $0xffff, v9  }
0xba: {  	v9 =	vld.idx.msk [tilespmem:v3+s30+$0x1210 ss:$0x1], $0xffff;
	[tilespmem:v3+s30+$0x1600 ss:$0x1] =	vst.idx.msk $0xffff, v10;
	v5 =	vmul.f32 $3.200000000e+01, v5  }
0xbb: {  	v10 =	vld.idx.msk [tilespmem:v3+s30+$0x1610 ss:$0x1], $0xffff;
	[tilespmem:v3+s30+$0x1A00 ss:$0x1] =	vst.idx.msk $0xffff, v11;
	v6 =	vmul.f32 $3.200000000e+01, v6  }
0xbc: {  	v11 =	vld.idx.msk [tilespmem:v3+s30+$0x1A10 ss:$0x1], $0xffff;
	[tilespmem:v3+s30+$0x1E10 ss:$0x1] =	vst.idx.msk $0xffff, v5  }
0xbd: {  	v15 =	vld.idx.msk [tilespmem:v3+s31+$0xA00 ss:$0x1], $0xffff;
	v4 =	vmul.f32 $3.200000000e+01, v4;
	[tilespmem:v3+s30+$0x210 ss:$0x1] =	vst.idx.msk $0xffff, v6  }
0xbe: {  	v7 =	vmul.f32 $3.200000000e+01, v7;
	v5 =	vld.idx.msk [tilespmem:v3+s30+$0x1E20 ss:$0x1], $0xffff  }
0xbf: {  	v8 =	vmul.f32 $3.200000000e+01, v8;
	v6 =	vld.idx.msk [tilespmem:v3+s30+$0x220 ss:$0x1], $0xffff;
	[tilespmem:v3+s30+$0x610 ss:$0x1] =	vst.idx.msk $0xffff, v4  }
0xc0: {  	v9 =	vmul.f32 $3.200000000e+01, v9;
	v4 =	vld.idx.msk [tilespmem:v3+s30+$0x620 ss:$0x1], $0xffff;
	[tilespmem:v3+s30+$0xA10 ss:$0x1] =	vst.idx.msk $0xffff, v7  }
0xc1: {  	v10 =	vmul.f32 $3.200000000e+01, v10;
	v7 =	vld.idx.msk [tilespmem:v3+s30+$0xA20 ss:$0x1], $0xffff;
	[tilespmem:v3+s30+$0xE10 ss:$0x1] =	vst.idx.msk $0xffff, v8  }
0xc2: {  	v11 =	vmul.f32 $3.200000000e+01, v11;
	v8 =	vld.idx.msk [tilespmem:v3+s30+$0xE20 ss:$0x1], $0xffff;
	[tilespmem:v3+s30+$0x1210 ss:$0x1] =	vst.idx.msk $0xffff, v9  }
0xc3: {  	v9 =	vld.idx.msk [tilespmem:v3+s30+$0x1220 ss:$0x1], $0xffff;
	[tilespmem:v3+s30+$0x1610 ss:$0x1] =	vst.idx.msk $0xffff, v10;
	v5 =	vmul.f32 $3.200000000e+01, v5  }
0xc4: {  	v10 =	vld.idx.msk [tilespmem:v3+s30+$0x1620 ss:$0x1], $0xffff;
	[tilespmem:v3+s30+$0x1A10 ss:$0x1] =	vst.idx.msk $0xffff, v11;
	v6 =	vmul.f32 $3.200000000e+01, v6  }
0xc5: {  	v11 =	vld.idx.msk [tilespmem:v3+s30+$0x1A20 ss:$0x1], $0xffff;
	[tilespmem:v3+s30+$0x1E20 ss:$0x1] =	vst.idx.msk $0xffff, v5  }
0xc6: {  	v16 =	vld.idx.msk [tilespmem:v3+s31+$0xE00 ss:$0x1], $0xffff;
	v4 =	vmul.f32 $3.200000000e+01, v4;
	[tilespmem:v3+s30+$0x220 ss:$0x1] =	vst.idx.msk $0xffff, v6  }
0xc7: {  	v7 =	vmul.f32 $3.200000000e+01, v7;
	v5 =	vld.idx.msk [tilespmem:v3+s30+$0x1E30 ss:$0x1], $0xffff  }
0xc8: {  	v8 =	vmul.f32 $3.200000000e+01, v8;
	v6 =	vld.idx.msk [tilespmem:v3+s30+$0x230 ss:$0x1], $0xffff;
	[tilespmem:v3+s30+$0x620 ss:$0x1] =	vst.idx.msk $0xffff, v4  }
0xc9: {  	v9 =	vmul.f32 $3.200000000e+01, v9;
	v4 =	vld.idx.msk [tilespmem:v3+s30+$0x630 ss:$0x1], $0xffff;
	[tilespmem:v3+s30+$0xA20 ss:$0x1] =	vst.idx.msk $0xffff, v7  }
0xca: {  	v10 =	vmul.f32 $3.200000000e+01, v10;
	v7 =	vld.idx.msk [tilespmem:v3+s30+$0xA30 ss:$0x1], $0xffff;
	[tilespmem:v3+s30+$0xE20 ss:$0x1] =	vst.idx.msk $0xffff, v8  }
0xcb: {  	v11 =	vmul.f32 $3.200000000e+01, v11;
	v8 =	vld.idx.msk [tilespmem:v3+s30+$0xE30 ss:$0x1], $0xffff;
	[tilespmem:v3+s30+$0x1220 ss:$0x1] =	vst.idx.msk $0xffff, v9  }
0xcc: {  	v9 =	vld.idx.msk [tilespmem:v3+s30+$0x1230 ss:$0x1], $0xffff;
	[tilespmem:v3+s30+$0x1620 ss:$0x1] =	vst.idx.msk $0xffff, v10;
	v5 =	vmul.f32 $3.200000000e+01, v5  }
0xcd: {  	v10 =	vld.idx.msk [tilespmem:v3+s30+$0x1630 ss:$0x1], $0xffff;
	[tilespmem:v3+s30+$0x1A20 ss:$0x1] =	vst.idx.msk $0xffff, v11;
	v6 =	vmul.f32 $3.200000000e+01, v6  }
0xce: {  	v11 =	vld.idx.msk [tilespmem:v3+s30+$0x1A30 ss:$0x1], $0xffff;
	[tilespmem:v3+s30+$0x1E30 ss:$0x1] =	vst.idx.msk $0xffff, v5  }
0xcf: {  	v17 =	vld.idx.msk [tilespmem:v3+s31+$0x1200 ss:$0x1], $0xffff;
	v4 =	vmul.f32 $3.200000000e+01, v4;
	[tilespmem:v3+s30+$0x230 ss:$0x1] =	vst.idx.msk $0xffff, v6  }
0xd0: {  	v7 =	vmul.f32 $3.200000000e+01, v7;
	v5 =	vld.idx.msk [tilespmem:v3+s30+$0x1E40 ss:$0x1], $0xffff  }
0xd1: {  	v8 =	vmul.f32 $3.200000000e+01, v8;
	v6 =	vld.idx.msk [tilespmem:v3+s30+$0x240 ss:$0x1], $0xffff;
	[tilespmem:v3+s30+$0x630 ss:$0x1] =	vst.idx.msk $0xffff, v4  }
0xd2: {  	v9 =	vmul.f32 $3.200000000e+01, v9;
	v4 =	vld.idx.msk [tilespmem:v3+s30+$0x640 ss:$0x1], $0xffff;
	[tilespmem:v3+s30+$0xA30 ss:$0x1] =	vst.idx.msk $0xffff, v7  }
0xd3: {  	v10 =	vmul.f32 $3.200000000e+01, v10;
	v7 =	vld.idx.msk [tilespmem:v3+s30+$0xA40 ss:$0x1], $0xffff;
	[tilespmem:v3+s30+$0xE30 ss:$0x1] =	vst.idx.msk $0xffff, v8  }
0xd4: {  	v11 =	vmul.f32 $3.200000000e+01, v11;
	v8 =	vld.idx.msk [tilespmem:v3+s30+$0xE40 ss:$0x1], $0xffff;
	[tilespmem:v3+s30+$0x1230 ss:$0x1] =	vst.idx.msk $0xffff, v9  }
0xd5: {  	v9 =	vld.idx.msk [tilespmem:v3+s30+$0x1240 ss:$0x1], $0xffff;
	[tilespmem:v3+s30+$0x1630 ss:$0x1] =	vst.idx.msk $0xffff, v10;
	v5 =	vmul.f32 $3.200000000e+01, v5  }
0xd6: {  	v10 =	vld.idx.msk [tilespmem:v3+s30+$0x1640 ss:$0x1], $0xffff;
	[tilespmem:v3+s30+$0x1A30 ss:$0x1] =	vst.idx.msk $0xffff, v11;
	v6 =	vmul.f32 $3.200000000e+01, v6  }
0xd7: {  	v11 =	vld.idx.msk [tilespmem:v3+s30+$0x1A40 ss:$0x1], $0xffff;
	[tilespmem:v3+s30+$0x1E40 ss:$0x1] =	vst.idx.msk $0xffff, v5  }
0xd8: {  	v18 =	vld.idx.msk [tilespmem:v3+s31+$0x1600 ss:$0x1], $0xffff;
	v4 =	vmul.f32 $3.200000000e+01, v4;
	[tilespmem:v3+s30+$0x240 ss:$0x1] =	vst.idx.msk $0xffff, v6  }
0xd9: {  	v7 =	vmul.f32 $3.200000000e+01, v7;
	v5 =	vld.idx.msk [tilespmem:v3+s30+$0x1E50 ss:$0x1], $0xffff  }
0xda: {  	v8 =	vmul.f32 $3.200000000e+01, v8;
	v6 =	vld.idx.msk [tilespmem:v3+s30+$0x250 ss:$0x1], $0xffff;
	[tilespmem:v3+s30+$0x640 ss:$0x1] =	vst.idx.msk $0xffff, v4  }
0xdb: {  	v12 =	vmul.f32 $3.200000000e+01, v12;
	v4 =	vld.idx.msk [tilespmem:v3+s30+$0x650 ss:$0x1], $0xffff;
	[tilespmem:v3+s30+$0xA40 ss:$0x1] =	vst.idx.msk $0xffff, v7  }
0xdc: {  	v7 =	vld.idx.msk [tilespmem:v3+s30+$0xA50 ss:$0x1], $0xffff;
	[tilespmem:v3+s30+$0xE40 ss:$0x1] =	vst.idx.msk $0xffff, v8;
	v8 =	vmul.f32 $3.200000000e+01, v13  }
0xdd: {  	v42 =	vld.idx.msk [tilespmem:v3+s31+$0x1A00 ss:$0x1], $0xffff;
	[tilespmem:v3+s31+$0x1E00 ss:$0x1] =	vst.idx.msk $0xffff, v12;
	v9 =	vmul.f32 $3.200000000e+01, v9  }
0xde: {  	v43 =	vld.idx.msk [tilespmem:v3+s30+$0xE50 ss:$0x1], $0xffff;
	[tilespmem:v3+s31+$0x200 ss:$0x1] =	vst.idx.msk $0xffff, v8;
	v8 =	vmul.f32 $3.200000000e+01, v14  }
0xdf: {  	v10 =	vmul.f32 $3.200000000e+01, v10;
	[tilespmem:v3+s30+$0x1240 ss:$0x1] =	vst.idx.msk $0xffff, v9;
	v44 =	vld.idx.msk [tilespmem:v3+s31+$0x1E10 ss:$0x1], $0xffff  }
0xe0: {  	v15 =	vmul.f32 $3.200000000e+01, v15;
	v9 =	vld.idx.msk [tilespmem:v3+s31+$0x210 ss:$0x1], $0xffff;
	[tilespmem:v3+s31+$0x600 ss:$0x1] =	vst.idx.msk $0xffff, v8  }
0xe1: {  	v11 =	vmul.f32 $3.200000000e+01, v11;
	v8 =	vld.idx.msk [tilespmem:v3+s30+$0x1250 ss:$0x1], $0xffff;
	[tilespmem:v3+s30+$0x1640 ss:$0x1] =	vst.idx.msk $0xffff, v10  }
0xe2: {  	v16 =	vmul.f32 $3.200000000e+01, v16;
	v10 =	vld.idx.msk [tilespmem:v3+s31+$0x610 ss:$0x1], $0xffff;
	[tilespmem:v3+s31+$0xA00 ss:$0x1] =	vst.idx.msk $0xffff, v15  }
0xe3: {  	v5 =	vmul.f32 $3.200000000e+01, v5;
	v45 =	vld.idx.msk [tilespmem:v3+s30+$0x1650 ss:$0x1], $0xffff;
	[tilespmem:v3+s30+$0x1A40 ss:$0x1] =	vst.idx.msk $0xffff, v11  }
0xe4: {  	v17 =	vmul.f32 $3.200000000e+01, v17;
	v11 =	vld.idx.msk [tilespmem:v3+s31+$0xA10 ss:$0x1], $0xffff;
	[tilespmem:v3+s31+$0xE00 ss:$0x1] =	vst.idx.msk $0xffff, v16  }
0xe5: {  	v6 =	vmul.f32 $3.200000000e+01, v6;
	v46 =	vld.idx.msk [tilespmem:v3+s30+$0x1A50 ss:$0x1], $0xffff;
	[tilespmem:v3+s30+$0x1E50 ss:$0x1] =	vst.idx.msk $0xffff, v5  }
0xe6: {  	v18 =	vmul.f32 $3.200000000e+01, v18;
	v5 =	vld.idx.msk [tilespmem:v3+s31+$0xE10 ss:$0x1], $0xffff;
	[tilespmem:v3+s31+$0x1200 ss:$0x1] =	vst.idx.msk $0xffff, v17  }
0xe7: {  	v4 =	vmul.f32 $3.200000000e+01, v4;
	[tilespmem:v3+s30+$0x250 ss:$0x1] =	vst.idx.msk $0xffff, v6;
	v6 =	vld.idx.msk [tilespmem:v3+s31+$0x1210 ss:$0x1], $0xffff  }
0xe8: {  	v13 =	vmul.f32 $3.200000000e+01, v42;
	v47 =	vld.idx.msk [tilespmem:v3+s30+$0x1E60 ss:$0x1], $0xffff;
	[tilespmem:v3+s31+$0x1600 ss:$0x1] =	vst.idx.msk $0xffff, v18  }
0xe9: {  	v48 =	vld.idx.msk [tilespmem:v3+s30+$0x260 ss:$0x1], $0xffff;
	v14 =	vmul.f32 $3.200000000e+01, v44;
	[tilespmem:v3+s30+$0x650 ss:$0x1] =	vst.idx.msk $0xffff, v4  }
0xea: {  	v4 =	vmul.f32 $3.200000000e+01, v9;
	v18 =	vld.idx.msk [tilespmem:v3+s31+$0x1610 ss:$0x1], $0xffff;
	[tilespmem:v3+s31+$0x1A00 ss:$0x1] =	vst.idx.msk $0xffff, v13  }
0xeb: {  	v7 =	vmul.f32 $3.200000000e+01, v7;
	v9 =	vld.idx.msk [tilespmem:v3+s31+$0x1A10 ss:$0x1], $0xffff;
	[tilespmem:v3+s31+$0x1E10 ss:$0x1] =	vst.idx.msk $0xffff, v14  }
0xec: {  	v49 =	vld.idx.msk [tilespmem:v3+s30+$0x660 ss:$0x1], $0xffff;
	[tilespmem:v3+s31+$0x210 ss:$0x1] =	vst.idx.msk $0xffff, v4;
	v4 =	vmul.f32 $3.200000000e+01, v10  }
0xed: {  	v12 =	vmul.f32 $3.200000000e+01, v43;
	[tilespmem:v3+s30+$0xA50 ss:$0x1] =	vst.idx.msk $0xffff, v7;
	v10 =	vld.idx.msk [tilespmem:v3+s31+$0x1E20 ss:$0x1], $0xffff  }
0xee: {  	v11 =	vmul.f32 $3.200000000e+01, v11;
	v7 =	vld.idx.msk [tilespmem:v3+s31+$0x220 ss:$0x1], $0xffff;
	[tilespmem:v3+s31+$0x610 ss:$0x1] =	vst.idx.msk $0xffff, v4  }
0xef: {  	v8 =	vmul.f32 $3.200000000e+01, v8;
	v4 =	vld.idx.msk [tilespmem:v3+s30+$0xA60 ss:$0x1], $0xffff;
	[tilespmem:v3+s30+$0xE50 ss:$0x1] =	vst.idx.msk $0xffff, v12  }
0xf0: {  	v5 =	vmul.f32 $3.200000000e+01, v5;
	v50 =	vld.idx.msk [tilespmem:v3+s31+$0x620 ss:$0x1], $0xffff;
	[tilespmem:v3+s31+$0xA10 ss:$0x1] =	vst.idx.msk $0xffff, v11  }
0xf1: {  	v15 =	vmul.f32 $3.200000000e+01, v45;
	v11 =	vld.idx.msk [tilespmem:v3+s30+$0xE60 ss:$0x1], $0xffff;
	[tilespmem:v3+s30+$0x1250 ss:$0x1] =	vst.idx.msk $0xffff, v8  }
0xf2: {  	v6 =	vmul.f32 $3.200000000e+01, v6;
	v8 =	vld.idx.msk [tilespmem:v3+s31+$0xA20 ss:$0x1], $0xffff;
	[tilespmem:v3+s31+$0xE10 ss:$0x1] =	vst.idx.msk $0xffff, v5  }
0xf3: {  	v16 =	vmul.f32 $3.200000000e+01, v46;
	v5 =	vld.idx.msk [tilespmem:v3+s30+$0x1260 ss:$0x1], $0xffff;
	[tilespmem:v3+s30+$0x1650 ss:$0x1] =	vst.idx.msk $0xffff, v15  }
0xf4: {  	v18 =	vmul.f32 $3.200000000e+01, v18;
	v51 =	vld.idx.msk [tilespmem:v3+s31+$0xE20 ss:$0x1], $0xffff;
	[tilespmem:v3+s31+$0x1210 ss:$0x1] =	vst.idx.msk $0xffff, v6  }
0xf5: {  	v52 =	vmul.f32 $3.200000000e+01, v47;
	v6 =	vld.idx.msk [tilespmem:v3+s30+$0x1660 ss:$0x1], $0xffff;
	[tilespmem:v3+s30+$0x1A50 ss:$0x1] =	vst.idx.msk $0xffff, v16  }
0xf6: {  	v9 =	vmul.f32 $3.200000000e+01, v9;
	v53 =	vld.idx.msk [tilespmem:v3+s31+$0x1220 ss:$0x1], $0xffff;
	[tilespmem:v3+s31+$0x1610 ss:$0x1] =	vst.idx.msk $0xffff, v18  }
0xf7: {  	v13 =	vmul.f32 $3.200000000e+01, v48;
	v54 =	vld.idx.msk [tilespmem:v3+s30+$0x1A60 ss:$0x1], $0xffff;
	[tilespmem:v3+s30+$0x1E60 ss:$0x1] =	vst.idx.msk $0xffff, v52  }
0xf8: {  	v55 =	vld.idx.msk [tilespmem:v3+s31+$0x1620 ss:$0x1], $0xffff;
	[tilespmem:v3+s31+$0x1A10 ss:$0x1] =	vst.idx.msk $0xffff, v9;
	v9 =	vmul.f32 $3.200000000e+01, v10  }
0xf9: {  	v7 =	vmul.f32 $3.200000000e+01, v7;
	[tilespmem:v3+s30+$0x260 ss:$0x1] =	vst.idx.msk $0xffff, v13  }
0xfa: {  	v10 =	vld.idx.msk [tilespmem:v3+s31+$0x1A20 ss:$0x1], $0xffff;
	[tilespmem:v3+s31+$0x1E20 ss:$0x1] =	vst.idx.msk $0xffff, v9;
	v9 =	vmul.f32 $3.200000000e+01, v49  }
0xfb: {  	v13 =	vld.idx.msk [tilespmem:v3+s30+$0x1E70 ss:$0x1], $0xffff;
	[tilespmem:v3+s31+$0x220 ss:$0x1] =	vst.idx.msk $0xffff, v7;
	v7 =	vmul.f32 $3.200000000e+01, v50  }
0xfc: {  	v4 =	vmul.f32 $3.200000000e+01, v4;
	v56 =	vld.idx.msk [tilespmem:v3+s31+$0x1E30 ss:$0x1], $0xffff;
	[tilespmem:v3+s30+$0x660 ss:$0x1] =	vst.idx.msk $0xffff, v9  }
0xfd: {  	v9 =	vld.idx.msk [tilespmem:v3+s31+$0x230 ss:$0x1], $0xffff;
	[tilespmem:v3+s31+$0x620 ss:$0x1] =	vst.idx.msk $0xffff, v7;
	v7 =	vmul.f32 $3.200000000e+01, v8  }
0xfe: {  	v8 =	vmul.f32 $3.200000000e+01, v11;
	[tilespmem:v3+s30+$0xA60 ss:$0x1] =	vst.idx.msk $0xffff, v4  }
0xff: {  	v4 =	vld.idx.msk [tilespmem:v3+s31+$0x630 ss:$0x1], $0xffff;
	[tilespmem:v3+s31+$0xA20 ss:$0x1] =	vst.idx.msk $0xffff, v7;
	v7 =	vmul.f32 $3.200000000e+01, v51  }
0x100: {  	v5 =	vmul.f32 $3.200000000e+01, v5;
	[tilespmem:v3+s30+$0xE60 ss:$0x1] =	vst.idx.msk $0xffff, v8  }
0x101: {  	v8 =	vld.idx.msk [tilespmem:v3+s31+$0xA30 ss:$0x1], $0xffff;
	[tilespmem:v3+s31+$0xE20 ss:$0x1] =	vst.idx.msk $0xffff, v7;
	v7 =	vmul.f32 $3.200000000e+01, v53  }
0x102: {  	v6 =	vmul.f32 $3.200000000e+01, v6;
	[tilespmem:v3+s30+$0x1260 ss:$0x1] =	vst.idx.msk $0xffff, v5  }
0x103: {  	v5 =	vld.idx.msk [tilespmem:v3+s31+$0xE30 ss:$0x1], $0xffff;
	[tilespmem:v3+s31+$0x1220 ss:$0x1] =	vst.idx.msk $0xffff, v7;
	v7 =	vmul.f32 $3.200000000e+01, v55  }
0x104: {  	v11 =	vmul.f32 $3.200000000e+01, v54;
	[tilespmem:v3+s30+$0x1660 ss:$0x1] =	vst.idx.msk $0xffff, v6  }
0x105: {  	v6 =	vld.idx.msk [tilespmem:v3+s31+$0x1230 ss:$0x1], $0xffff;
	[tilespmem:v3+s31+$0x1620 ss:$0x1] =	vst.idx.msk $0xffff, v7;
	v7 =	vmul.f32 $3.200000000e+01, v10;
	v10 =	vmul.f32 $3.200000000e+01, v13  }
0x106: {  	[tilespmem:v3+s30+$0x1A60 ss:$0x1] =	vst.idx.msk $0xffff, v11  }
0x107: {  	v11 =	vld.idx.msk [tilespmem:v3+s31+$0x1630 ss:$0x1], $0xffff;
	[tilespmem:v3+s30+$0x1E70 ss:$0x1] =	vst.idx.msk $0xffff, v10  }
0x108: {  	[tilespmem:v3+s31+$0x1A20 ss:$0x1] =	vst.idx.msk $0xffff, v7;
	v7 =	vmul.f32 $3.200000000e+01, v56;
	v57 =	vld.idx.msk [tilespmem:v3+s30+$0x270 ss:$0x1], $0xffff  }
0x109: {  	v9 =	vmul.f32 $3.200000000e+01, v9  }
0x10a: {  	v10 =	vld.idx.msk [tilespmem:v3+s31+$0x1A30 ss:$0x1], $0xffff;
	[tilespmem:v3+s31+$0x1E30 ss:$0x1] =	vst.idx.msk $0xffff, v7  }
0x10b: {  	v4 =	vmul.f32 $3.200000000e+01, v4;
	[tilespmem:v3+s31+$0x230 ss:$0x1] =	vst.idx.msk $0xffff, v9  }
0x10c: {  	v7 =	vld.idx.msk [tilespmem:v3+s31+$0x1E40 ss:$0x1], $0xffff  }
0x10d: {  	v9 =	vld.idx.msk [tilespmem:v3+s31+$0x240 ss:$0x1], $0xffff;
	[tilespmem:v3+s31+$0x630 ss:$0x1] =	vst.idx.msk $0xffff, v4;
	v4 =	vmul.f32 $3.200000000e+01, v57  }
0x10e: {  	v8 =	vmul.f32 $3.200000000e+01, v8  }
0x10f: {  	v58 =	vld.idx.msk [tilespmem:v3+s31+$0x640 ss:$0x1], $0xffff;
	[tilespmem:v3+s30+$0x270 ss:$0x1] =	vst.idx.msk $0xffff, v4  }
0x110: {  	[tilespmem:v3+s31+$0xA30 ss:$0x1] =	vst.idx.msk $0xffff, v8;
	v8 =	vld.idx.msk [tilespmem:v3+s30+$0x670 ss:$0x1], $0xffff;
	_ =	sdelay $0x1  }
0x111: {  	v5 =	vmul.f32 $3.200000000e+01, v5  }
0x112: {  	v6 =	vmul.f32 $3.200000000e+01, v6  }
0x113: {  	v11 =	vmul.f32 $3.200000000e+01, v11;
	v4 =	vld.idx.msk [tilespmem:v3+s31+$0xA40 ss:$0x1], $0xffff;
	[tilespmem:v3+s31+$0xE30 ss:$0x1] =	vst.idx.msk $0xffff, v5  }
0x114: {  	v5 =	vld.idx.msk [tilespmem:v3+s31+$0xE40 ss:$0x1], $0xffff;
	[tilespmem:v3+s31+$0x1230 ss:$0x1] =	vst.idx.msk $0xffff, v6;
	v8 =	vmul.f32 $3.200000000e+01, v8  }
0x115: {  	v10 =	vmul.f32 $3.200000000e+01, v10;
	v6 =	vld.idx.msk [tilespmem:v3+s31+$0x1240 ss:$0x1], $0xffff;
	[tilespmem:v3+s31+$0x1630 ss:$0x1] =	vst.idx.msk $0xffff, v11  }
0x116: {  	v11 =	vld.idx.msk [tilespmem:v3+s31+$0x1640 ss:$0x1], $0xffff;
	[tilespmem:v3+s30+$0x670 ss:$0x1] =	vst.idx.msk $0xffff, v8  }
0x117: {  	v7 =	vmul.f32 $3.200000000e+01, v7;
	[tilespmem:v3+s31+$0x1A30 ss:$0x1] =	vst.idx.msk $0xffff, v10;
	v10 =	vld.idx.msk [tilespmem:v3+s30+$0xA70 ss:$0x1], $0xffff  }
0x118: {  	v8 =	vmul.f32 $3.200000000e+01, v9  }
0x119: {  	v9 =	vld.idx.msk [tilespmem:v3+s31+$0x1A40 ss:$0x1], $0xffff;
	[tilespmem:v3+s31+$0x1E40 ss:$0x1] =	vst.idx.msk $0xffff, v7  }
0x11a: {  	v7 =	vmul.f32 $3.200000000e+01, v58;
	[tilespmem:v3+s31+$0x240 ss:$0x1] =	vst.idx.msk $0xffff, v8  }
0x11b: {  	v8 =	vld.idx.msk [tilespmem:v3+s31+$0x1E50 ss:$0x1], $0xffff  }
0x11c: {  	v59 =	vld.idx.msk [tilespmem:v3+s31+$0x250 ss:$0x1], $0xffff;
	[tilespmem:v3+s31+$0x640 ss:$0x1] =	vst.idx.msk $0xffff, v7;
	v7 =	vmul.f32 $3.200000000e+01, v10;
	_ =	sdelay $0x1  }
0x11d: {  	[tilespmem:v3+s30+$0xA70 ss:$0x1] =	vst.idx.msk $0xffff, v7  }
0x11e: {  	v7 =	vld.idx.msk [tilespmem:v3+s30+$0xE70 ss:$0x1], $0xffff  }
0x11f: {  	v4 =	vmul.f32 $3.200000000e+01, v4  }
0x120: {  	v5 =	vmul.f32 $3.200000000e+01, v5  }
0x121: {  	v6 =	vmul.f32 $3.200000000e+01, v6;
	v10 =	vld.idx.msk [tilespmem:v3+s31+$0x650 ss:$0x1], $0xffff;
	[tilespmem:v3+s31+$0xA40 ss:$0x1] =	vst.idx.msk $0xffff, v4  }
0x122: {  	v11 =	vmul.f32 $3.200000000e+01, v11;
	v4 =	vld.idx.msk [tilespmem:v3+s31+$0xA50 ss:$0x1], $0xffff;
	[tilespmem:v3+s31+$0xE40 ss:$0x1] =	vst.idx.msk $0xffff, v5  }
0x123: {  	v5 =	vld.idx.msk [tilespmem:v3+s31+$0xE50 ss:$0x1], $0xffff;
	[tilespmem:v3+s31+$0x1240 ss:$0x1] =	vst.idx.msk $0xffff, v6;
	v7 =	vmul.f32 $3.200000000e+01, v7  }
0x124: {  	v9 =	vmul.f32 $3.200000000e+01, v9;
	v6 =	vld.idx.msk [tilespmem:v3+s31+$0x1250 ss:$0x1], $0xffff;
	[tilespmem:v3+s31+$0x1640 ss:$0x1] =	vst.idx.msk $0xffff, v11  }
0x125: {  	v11 =	vld.idx.msk [tilespmem:v3+s31+$0x1650 ss:$0x1], $0xffff;
	[tilespmem:v3+s30+$0xE70 ss:$0x1] =	vst.idx.msk $0xffff, v7  }
0x126: {  	v8 =	vmul.f32 $3.200000000e+01, v8;
	[tilespmem:v3+s31+$0x1A40 ss:$0x1] =	vst.idx.msk $0xffff, v9;
	v9 =	vld.idx.msk [tilespmem:v3+s30+$0x1270 ss:$0x1], $0xffff  }
0x127: {  	v7 =	vmul.f32 $3.200000000e+01, v59  }
0x128: {  	v60 =	vld.idx.msk [tilespmem:v3+s31+$0x1A50 ss:$0x1], $0xffff;
	[tilespmem:v3+s31+$0x1E50 ss:$0x1] =	vst.idx.msk $0xffff, v8  }
0x129: {  	[tilespmem:v3+s31+$0x250 ss:$0x1] =	vst.idx.msk $0xffff, v7;
	v7 =	vmul.f32 $3.200000000e+01, v10  }
0x12a: {  	v10 =	vld.idx.msk [tilespmem:v3+s31+$0x1E60 ss:$0x1], $0xffff  }
0x12b: {  	v61 =	vld.idx.msk [tilespmem:v3+s31+$0x260 ss:$0x1], $0xffff;
	[tilespmem:v3+s31+$0x650 ss:$0x1] =	vst.idx.msk $0xffff, v7;
	v7 =	vmul.f32 $3.200000000e+01, v9  }
0x12c: {  	v4 =	vmul.f32 $3.200000000e+01, v4  }
0x12d: {  	v62 =	vld.idx.msk [tilespmem:v3+s31+$0x660 ss:$0x1], $0xffff;
	[tilespmem:v3+s30+$0x1270 ss:$0x1] =	vst.idx.msk $0xffff, v7  }
0x12e: {  	[tilespmem:v3+s31+$0xA50 ss:$0x1] =	vst.idx.msk $0xffff, v4;
	v4 =	vld.idx.msk [tilespmem:v3+s30+$0x1670 ss:$0x1], $0xffff  }
0x12f: {  	v5 =	vmul.f32 $3.200000000e+01, v5  }
0x130: {  	v6 =	vmul.f32 $3.200000000e+01, v6  }
0x131: {  	v9 =	vld.idx.msk [tilespmem:v3+s31+$0xA60 ss:$0x1], $0xffff;
	[tilespmem:v3+s31+$0xE50 ss:$0x1] =	vst.idx.msk $0xffff, v5;
	v5 =	vmul.f32 $3.200000000e+01, v11  }
0x132: {  	v8 =	vld.idx.msk [tilespmem:v3+s31+$0xE60 ss:$0x1], $0xffff;
	[tilespmem:v3+s31+$0x1250 ss:$0x1] =	vst.idx.msk $0xffff, v6;
	v6 =	vmul.f32 $3.200000000e+01, v60  }
0x133: {  	v7 =	vld.idx.msk [tilespmem:v3+s31+$0x1260 ss:$0x1], $0xffff;
	[tilespmem:v3+s31+$0x1650 ss:$0x1] =	vst.idx.msk $0xffff, v5;
	v4 =	vmul.f32 $3.200000000e+01, v4  }
0x134: {  	v63 =	vmul.f32 $3.200000000e+01, v10;
	v5 =	vld.idx.msk [tilespmem:v3+s31+$0x1660 ss:$0x1], $0xffff;
	[tilespmem:v3+s31+$0x1A50 ss:$0x1] =	vst.idx.msk $0xffff, v6  }
0x135: {  	s13 =	simm.s32 $0x800;
	s0 =	simm.s32 $0x100;
	v10 =	vmul.f32 $3.200000000e+01, v61;
	v6 =	vld.idx.msk [tilespmem:v3+s31+$0x1A60 ss:$0x1], $0xffff;
	[tilespmem:v3+s30+$0x1670 ss:$0x1] =	vst.idx.msk $0xffff, v4  }
0x136: {  	s10 =	sand.u32 $0x2000, s13;
	s2 =	simm.s32 $0xC00;
	s13 =	sand.u32 $0x380, s0;
	v11 =	vmul.f32 $3.200000000e+01, v62;
	[tilespmem:v3+s31+$0x1E60 ss:$0x1] =	vst.idx.msk $0xffff, v63;
	v4 =	vld.idx.msk [tilespmem:v3+s30+$0x1A70 ss:$0x1], $0xffff  }
.LBB2_3:
0x137: {  	p0 =	sne.s32 s2, $0x3C00;
	s10 =	sor.u32 s13, s10;
	[tilespmem:v3+s31+$0x260 ss:$0x1] =	vst.idx.msk $0xffff, v10;
	v9 =	vmul.f32 $3.200000000e+01, v9;
	v10 =	vld.idx.msk [tilespmem:v3+s31+$0x1E70 ss:$0x1], $0xffff  }
0x138: {  	v8 =	vmul.f32 $3.200000000e+01, v8;
	v12 =	vld.idx.msk [tilespmem:v3+s10+$0x1E00 ss:$0x1], $0xffff;
	[tilespmem:v3+s31+$0x660 ss:$0x1] =	vst.idx.msk $0xffff, v11  }
0x139: {  	v7 =	vmul.f32 $3.200000000e+01, v7;
	v11 =	vld.idx.msk [tilespmem:v3+s10+$0x200 ss:$0x1], $0xffff;
	[tilespmem:v3+s31+$0xA60 ss:$0x1] =	vst.idx.msk $0xffff, v9  }
0x13a: {  	v5 =	vmul.f32 $3.200000000e+01, v5;
	v9 =	vld.idx.msk [tilespmem:v3+s10+$0x600 ss:$0x1], $0xffff;
	[tilespmem:v3+s31+$0xE60 ss:$0x1] =	vst.idx.msk $0xffff, v8  }
0x13b: {  	v6 =	vmul.f32 $3.200000000e+01, v6;
	v8 =	vld.idx.msk [tilespmem:v3+s10+$0xA00 ss:$0x1], $0xffff;
	[tilespmem:v3+s31+$0x1260 ss:$0x1] =	vst.idx.msk $0xffff, v7  }
0x13c: {  	v4 =	vmul.f32 $3.200000000e+01, v4;
	v7 =	vld.idx.msk [tilespmem:v3+s10+$0xE00 ss:$0x1], $0xffff;
	[tilespmem:v3+s31+$0x1660 ss:$0x1] =	vst.idx.msk $0xffff, v5  }
0x13d: {  	v5 =	vld.idx.msk [tilespmem:v3+s10+$0x1200 ss:$0x1], $0xffff;
	[tilespmem:v3+s31+$0x1A60 ss:$0x1] =	vst.idx.msk $0xffff, v6;
	v6 =	vmul.f32 $3.200000000e+01, v10  }
0x13e: {  	v12 =	vmul.f32 $3.200000000e+01, v12;
	v10 =	vld.idx.msk [tilespmem:v3+s10+$0x1600 ss:$0x1], $0xffff;
	[tilespmem:v3+s30+$0x1A70 ss:$0x1] =	vst.idx.msk $0xffff, v4;
	s30 =	smov.u32 s31;
	s31 =	smov.u32 s10  }
0x13f: {  	v4 =	vmul.f32 $3.200000000e+01, v11;
	v11 =	vld.idx.msk [tilespmem:v3+s31+$0x1A00 ss:$0x1], $0xffff;
	[tilespmem:v3+s30+$0x1E70 ss:$0x1] =	vst.idx.msk $0xffff, v6  }
0x140: {  	v6 =	vmul.f32 $3.200000000e+01, v9;
	[tilespmem:v3+s31+$0x1E00 ss:$0x1] =	vst.idx.msk $0xffff, v12;
	v9 =	vld.idx.msk [tilespmem:v3+s30+$0x270 ss:$0x1], $0xffff  }
0x141: {  	[tilespmem:v3+s31+$0x200 ss:$0x1] =	vst.idx.msk $0xffff, v4;
	v4 =	vmul.f32 $3.200000000e+01, v8;
	v8 =	vld.idx.msk [tilespmem:v3+s31+$0x1E10 ss:$0x1], $0xffff  }
0x142: {  	v12 =	vld.idx.msk [tilespmem:v3+s31+$0x210 ss:$0x1], $0xffff;
	[tilespmem:v3+s31+$0x600 ss:$0x1] =	vst.idx.msk $0xffff, v6;
	v6 =	vmul.f32 $3.200000000e+01, v7  }
0x143: {  	v7 =	vld.idx.msk [tilespmem:v3+s31+$0x610 ss:$0x1], $0xffff;
	[tilespmem:v3+s31+$0xA00 ss:$0x1] =	vst.idx.msk $0xffff, v4;
	v4 =	vmul.f32 $3.200000000e+01, v5  }
0x144: {  	v5 =	vld.idx.msk [tilespmem:v3+s31+$0xA10 ss:$0x1], $0xffff;
	[tilespmem:v3+s31+$0xE00 ss:$0x1] =	vst.idx.msk $0xffff, v6;
	v6 =	vmul.f32 $3.200000000e+01, v10  }
0x145: {  	v10 =	vld.idx.msk [tilespmem:v3+s31+$0xE10 ss:$0x1], $0xffff;
	[tilespmem:v3+s31+$0x1200 ss:$0x1] =	vst.idx.msk $0xffff, v4;
	v4 =	vmul.f32 $3.200000000e+01, v11  }
0x146: {  	v11 =	vld.idx.msk [tilespmem:v3+s31+$0x1210 ss:$0x1], $0xffff;
	[tilespmem:v3+s31+$0x1600 ss:$0x1] =	vst.idx.msk $0xffff, v6;
	v6 =	vmul.f32 $3.200000000e+01, v9  }
0x147: {  	v9 =	vld.idx.msk [tilespmem:v3+s31+$0x1610 ss:$0x1], $0xffff;
	[tilespmem:v3+s31+$0x1A00 ss:$0x1] =	vst.idx.msk $0xffff, v4;
	v4 =	vmul.f32 $3.200000000e+01, v8  }
0x148: {  	v8 =	vmul.f32 $3.200000000e+01, v12;
	v12 =	vld.idx.msk [tilespmem:v3+s31+$0x1A10 ss:$0x1], $0xffff;
	[tilespmem:v3+s30+$0x270 ss:$0x1] =	vst.idx.msk $0xffff, v6  }
0x149: {  	v6 =	vmul.f32 $3.200000000e+01, v7;
	[tilespmem:v3+s31+$0x1E10 ss:$0x1] =	vst.idx.msk $0xffff, v4;
	v4 =	vld.idx.msk [tilespmem:v3+s30+$0x670 ss:$0x1], $0xffff  }
0x14a: {  	v5 =	vmul.f32 $3.200000000e+01, v5;
	[tilespmem:v3+s31+$0x210 ss:$0x1] =	vst.idx.msk $0xffff, v8;
	v7 =	vld.idx.msk [tilespmem:v3+s31+$0x1E20 ss:$0x1], $0xffff  }
0x14b: {  	v8 =	vld.idx.msk [tilespmem:v3+s31+$0x220 ss:$0x1], $0xffff;
	[tilespmem:v3+s31+$0x610 ss:$0x1] =	vst.idx.msk $0xffff, v6;
	v6 =	vmul.f32 $3.200000000e+01, v10  }
0x14c: {  	v10 =	vld.idx.msk [tilespmem:v3+s31+$0x620 ss:$0x1], $0xffff;
	[tilespmem:v3+s31+$0xA10 ss:$0x1] =	vst.idx.msk $0xffff, v5;
	v5 =	vmul.f32 $3.200000000e+01, v11  }
0x14d: {  	v11 =	vld.idx.msk [tilespmem:v3+s31+$0xA20 ss:$0x1], $0xffff;
	[tilespmem:v3+s31+$0xE10 ss:$0x1] =	vst.idx.msk $0xffff, v6;
	v6 =	vmul.f32 $3.200000000e+01, v9  }
0x14e: {  	v9 =	vld.idx.msk [tilespmem:v3+s31+$0xE20 ss:$0x1], $0xffff;
	[tilespmem:v3+s31+$0x1210 ss:$0x1] =	vst.idx.msk $0xffff, v5;
	v5 =	vmul.f32 $3.200000000e+01, v12  }
0x14f: {  	v4 =	vmul.f32 $3.200000000e+01, v4;
	v12 =	vld.idx.msk [tilespmem:v3+s31+$0x1220 ss:$0x1], $0xffff;
	[tilespmem:v3+s31+$0x1610 ss:$0x1] =	vst.idx.msk $0xffff, v6  }
0x150: {  	v6 =	vld.idx.msk [tilespmem:v3+s31+$0x1620 ss:$0x1], $0xffff;
	[tilespmem:v3+s31+$0x1A10 ss:$0x1] =	vst.idx.msk $0xffff, v5;
	v5 =	vmul.f32 $3.200000000e+01, v7  }
0x151: {  	v7 =	vmul.f32 $3.200000000e+01, v8;
	v8 =	vld.idx.msk [tilespmem:v3+s31+$0x1A20 ss:$0x1], $0xffff;
	[tilespmem:v3+s30+$0x670 ss:$0x1] =	vst.idx.msk $0xffff, v4  }
0x152: {  	v4 =	vmul.f32 $3.200000000e+01, v10;
	[tilespmem:v3+s31+$0x1E20 ss:$0x1] =	vst.idx.msk $0xffff, v5;
	v5 =	vld.idx.msk [tilespmem:v3+s30+$0xA70 ss:$0x1], $0xffff  }
0x153: {  	[tilespmem:v3+s31+$0x220 ss:$0x1] =	vst.idx.msk $0xffff, v7;
	v7 =	vmul.f32 $3.200000000e+01, v11;
	v10 =	vld.idx.msk [tilespmem:v3+s31+$0x1E30 ss:$0x1], $0xffff  }
0x154: {  	v11 =	vld.idx.msk [tilespmem:v3+s31+$0x230 ss:$0x1], $0xffff;
	[tilespmem:v3+s31+$0x620 ss:$0x1] =	vst.idx.msk $0xffff, v4;
	v4 =	vmul.f32 $3.200000000e+01, v9  }
0x155: {  	v9 =	vld.idx.msk [tilespmem:v3+s31+$0x630 ss:$0x1], $0xffff;
	[tilespmem:v3+s31+$0xA20 ss:$0x1] =	vst.idx.msk $0xffff, v7;
	v7 =	vmul.f32 $3.200000000e+01, v12  }
0x156: {  	v12 =	vld.idx.msk [tilespmem:v3+s31+$0xA30 ss:$0x1], $0xffff;
	[tilespmem:v3+s31+$0xE20 ss:$0x1] =	vst.idx.msk $0xffff, v4;
	v4 =	vmul.f32 $3.200000000e+01, v6  }
0x157: {  	v6 =	vld.idx.msk [tilespmem:v3+s31+$0xE30 ss:$0x1], $0xffff;
	[tilespmem:v3+s31+$0x1220 ss:$0x1] =	vst.idx.msk $0xffff, v7;
	v7 =	vmul.f32 $3.200000000e+01, v8  }
0x158: {  	v8 =	vld.idx.msk [tilespmem:v3+s31+$0x1230 ss:$0x1], $0xffff;
	[tilespmem:v3+s31+$0x1620 ss:$0x1] =	vst.idx.msk $0xffff, v4;
	v4 =	vmul.f32 $3.200000000e+01, v5  }
0x159: {  	v5 =	vld.idx.msk [tilespmem:v3+s31+$0x1630 ss:$0x1], $0xffff;
	[tilespmem:v3+s31+$0x1A20 ss:$0x1] =	vst.idx.msk $0xffff, v7;
	v7 =	vmul.f32 $3.200000000e+01, v10  }
0x15a: {  	v10 =	vmul.f32 $3.200000000e+01, v11;
	v11 =	vld.idx.msk [tilespmem:v3+s31+$0x1A30 ss:$0x1], $0xffff;
	[tilespmem:v3+s30+$0xA70 ss:$0x1] =	vst.idx.msk $0xffff, v4  }
0x15b: {  	v4 =	vmul.f32 $3.200000000e+01, v9;
	[tilespmem:v3+s31+$0x1E30 ss:$0x1] =	vst.idx.msk $0xffff, v7;
	v7 =	vld.idx.msk [tilespmem:v3+s30+$0xE70 ss:$0x1], $0xffff  }
0x15c: {  	v9 =	vmul.f32 $3.200000000e+01, v12;
	[tilespmem:v3+s31+$0x230 ss:$0x1] =	vst.idx.msk $0xffff, v10;
	v10 =	vld.idx.msk [tilespmem:v3+s31+$0x1E40 ss:$0x1], $0xffff  }
0x15d: {  	v12 =	vld.idx.msk [tilespmem:v3+s31+$0x240 ss:$0x1], $0xffff;
	[tilespmem:v3+s31+$0x630 ss:$0x1] =	vst.idx.msk $0xffff, v4;
	v4 =	vmul.f32 $3.200000000e+01, v6  }
0x15e: {  	v8 =	vmul.f32 $3.200000000e+01, v8;
	v6 =	vld.idx.msk [tilespmem:v3+s31+$0x640 ss:$0x1], $0xffff;
	[tilespmem:v3+s31+$0xA30 ss:$0x1] =	vst.idx.msk $0xffff, v9  }
0x15f: {  	v9 =	vld.idx.msk [tilespmem:v3+s31+$0xA40 ss:$0x1], $0xffff;
	[tilespmem:v3+s31+$0xE30 ss:$0x1] =	vst.idx.msk $0xffff, v4;
	v4 =	vmul.f32 $3.200000000e+01, v5  }
0x160: {  	v5 =	vld.idx.msk [tilespmem:v3+s31+$0xE40 ss:$0x1], $0xffff;
	[tilespmem:v3+s31+$0x1230 ss:$0x1] =	vst.idx.msk $0xffff, v8;
	v8 =	vmul.f32 $3.200000000e+01, v11  }
0x161: {  	v11 =	vld.idx.msk [tilespmem:v3+s31+$0x1240 ss:$0x1], $0xffff;
	[tilespmem:v3+s31+$0x1630 ss:$0x1] =	vst.idx.msk $0xffff, v4;
	v4 =	vmul.f32 $3.200000000e+01, v7  }
0x162: {  	v7 =	vld.idx.msk [tilespmem:v3+s31+$0x1640 ss:$0x1], $0xffff;
	[tilespmem:v3+s31+$0x1A30 ss:$0x1] =	vst.idx.msk $0xffff, v8;
	v8 =	vmul.f32 $3.200000000e+01, v10  }
0x163: {  	v10 =	vmul.f32 $3.200000000e+01, v12;
	v12 =	vld.idx.msk [tilespmem:v3+s31+$0x1A40 ss:$0x1], $0xffff;
	[tilespmem:v3+s30+$0xE70 ss:$0x1] =	vst.idx.msk $0xffff, v4  }
0x164: {  	v4 =	vmul.f32 $3.200000000e+01, v6;
	[tilespmem:v3+s31+$0x1E40 ss:$0x1] =	vst.idx.msk $0xffff, v8;
	v6 =	vld.idx.msk [tilespmem:v3+s30+$0x1270 ss:$0x1], $0xffff  }
0x165: {  	v8 =	vmul.f32 $3.200000000e+01, v9;
	[tilespmem:v3+s31+$0x240 ss:$0x1] =	vst.idx.msk $0xffff, v10;
	v9 =	vld.idx.msk [tilespmem:v3+s31+$0x1E50 ss:$0x1], $0xffff  }
0x166: {  	v10 =	vld.idx.msk [tilespmem:v3+s31+$0x250 ss:$0x1], $0xffff;
	[tilespmem:v3+s31+$0x640 ss:$0x1] =	vst.idx.msk $0xffff, v4;
	v4 =	vmul.f32 $3.200000000e+01, v5  }
0x167: {  	v5 =	vld.idx.msk [tilespmem:v3+s31+$0x650 ss:$0x1], $0xffff;
	[tilespmem:v3+s31+$0xA40 ss:$0x1] =	vst.idx.msk $0xffff, v8;
	v8 =	vmul.f32 $3.200000000e+01, v11  }
0x168: {  	v11 =	vld.idx.msk [tilespmem:v3+s31+$0xA50 ss:$0x1], $0xffff;
	[tilespmem:v3+s31+$0xE40 ss:$0x1] =	vst.idx.msk $0xffff, v4;
	v4 =	vmul.f32 $3.200000000e+01, v7  }
0x169: {  	v7 =	vld.idx.msk [tilespmem:v3+s31+$0xE50 ss:$0x1], $0xffff;
	[tilespmem:v3+s31+$0x1240 ss:$0x1] =	vst.idx.msk $0xffff, v8;
	v8 =	vmul.f32 $3.200000000e+01, v12  }
0x16a: {  	v12 =	vld.idx.msk [tilespmem:v3+s31+$0x1250 ss:$0x1], $0xffff;
	[tilespmem:v3+s31+$0x1640 ss:$0x1] =	vst.idx.msk $0xffff, v4;
	v4 =	vmul.f32 $3.200000000e+01, v6  }
0x16b: {  	v6 =	vld.idx.msk [tilespmem:v3+s31+$0x1650 ss:$0x1], $0xffff;
	[tilespmem:v3+s31+$0x1A40 ss:$0x1] =	vst.idx.msk $0xffff, v8;
	v8 =	vmul.f32 $3.200000000e+01, v9  }
0x16c: {  	v9 =	vmul.f32 $3.200000000e+01, v10;
	v10 =	vld.idx.msk [tilespmem:v3+s31+$0x1A50 ss:$0x1], $0xffff;
	[tilespmem:v3+s30+$0x1270 ss:$0x1] =	vst.idx.msk $0xffff, v4  }
0x16d: {  	v4 =	vmul.f32 $3.200000000e+01, v5;
	[tilespmem:v3+s31+$0x1E50 ss:$0x1] =	vst.idx.msk $0xffff, v8;
	v5 =	vld.idx.msk [tilespmem:v3+s30+$0x1670 ss:$0x1], $0xffff  }
0x16e: {  	v8 =	vmul.f32 $3.200000000e+01, v11;
	[tilespmem:v3+s31+$0x250 ss:$0x1] =	vst.idx.msk $0xffff, v9;
	v11 =	vld.idx.msk [tilespmem:v3+s31+$0x1E60 ss:$0x1], $0xffff  }
0x16f: {  	v13 =	vld.idx.msk [tilespmem:v3+s31+$0x260 ss:$0x1], $0xffff;
	[tilespmem:v3+s31+$0x650 ss:$0x1] =	vst.idx.msk $0xffff, v4;
	v4 =	vmul.f32 $3.200000000e+01, v7  }
0x170: {  	v7 =	vmul.f32 $3.200000000e+01, v12;
	v14 =	vld.idx.msk [tilespmem:v3+s31+$0x660 ss:$0x1], $0xffff;
	[tilespmem:v3+s31+$0xA50 ss:$0x1] =	vst.idx.msk $0xffff, v8  }
0x171: {  	v9 =	vld.idx.msk [tilespmem:v3+s31+$0xA60 ss:$0x1], $0xffff;
	[tilespmem:v3+s31+$0xE50 ss:$0x1] =	vst.idx.msk $0xffff, v4;
	v4 =	vmul.f32 $3.200000000e+01, v6  }
.Ltmp0:
0x172: {  	v6 =	vmul.f32 $3.200000000e+01, v10;
	v8 =	vld.idx.msk [tilespmem:v3+s31+$0xE60 ss:$0x1], $0xffff;
	[tilespmem:v3+s31+$0x1250 ss:$0x1] =	vst.idx.msk $0xffff, v7;
	(pc) =	sbr.rel @p0 .LBB2_3-.Ltmp0, $4  }
0x173: {  	v7 =	vld.idx.msk [tilespmem:v3+s31+$0x1260 ss:$0x1], $0xffff;
	[tilespmem:v3+s31+$0x1650 ss:$0x1] =	vst.idx.msk $0xffff, v4;
	v4 =	vmul.f32 $3.200000000e+01, v5  }
0x174: {  	v12 =	vmul.f32 $3.200000000e+01, v11;
	v5 =	vld.idx.msk [tilespmem:v3+s31+$0x1660 ss:$0x1], $0xffff;
	[tilespmem:v3+s31+$0x1A50 ss:$0x1] =	vst.idx.msk $0xffff, v6  }
0x175: {  	s0 =	sadd.s32 $0x80, s0;
	v10 =	vmul.f32 $3.200000000e+01, v13;
	v6 =	vld.idx.msk [tilespmem:v3+s31+$0x1A60 ss:$0x1], $0xffff;
	[tilespmem:v3+s30+$0x1670 ss:$0x1] =	vst.idx.msk $0xffff, v4  }
0x176: {  	s13 =	sand.u32 $0x380, s0;
	s10 =	sand.u32 $0x2000, s2;
	s2 =	sadd.s32 $0x400, s2;
	v11 =	vmul.f32 $3.200000000e+01, v14;
	[tilespmem:v3+s31+$0x1E60 ss:$0x1] =	vst.idx.msk $0xffff, v12;
	v4 =	vld.idx.msk [tilespmem:v3+s30+$0x1A70 ss:$0x1], $0xffff  }
0x177: {  	_ =	sdelay $0x2  }
0x178: {  	s0 =	sor.u32 s13, s10  }
0x179: {  	v12 =	vld.idx.msk [tilespmem:v3+s0+$0x1E00 ss:$0x1], $0xffff  }
0x17a: {  	v13 =	vld.idx.msk [tilespmem:v3+s0+$0x200 ss:$0x1], $0xffff  }
0x17b: {  	v14 =	vld.idx.msk [tilespmem:v3+s0+$0x600 ss:$0x1], $0xffff  }
0x17c: {  	v15 =	vld.idx.msk [tilespmem:v3+s0+$0xA00 ss:$0x1], $0xffff  }
0x17d: {  	v16 =	vld.idx.msk [tilespmem:v3+s0+$0xE00 ss:$0x1], $0xffff  }
0x17e: {  	v17 =	vld.idx.msk [tilespmem:v3+s0+$0x1200 ss:$0x1], $0xffff;
	v12 =	vmul.f32 $3.200000000e+01, v12  }
0x17f: {  	[tilespmem:v3+s31+$0x260 ss:$0x1] =	vst.idx.msk $0xffff, v10;
	v18 =	vld.idx.msk [tilespmem:v3+s0+$0x1600 ss:$0x1], $0xffff;
	v13 =	vmul.f32 $3.200000000e+01, v13  }
0x180: {  	v19 =	vld.idx.msk [tilespmem:v3+s0+$0x1A00 ss:$0x1], $0xffff;
	[tilespmem:v3+s0+$0x1E00 ss:$0x1] =	vst.idx.msk $0xffff, v12  }
0x181: {  	v44 =	vld.idx.msk [tilespmem:v3+s31+$0x1E70 ss:$0x1], $0xffff;
	v41 =	vmul.f32 $3.200000000e+01, v14;
	[tilespmem:v3+s0+$0x200 ss:$0x1] =	vst.idx.msk $0xffff, v13  }
0x182: {  	[tilespmem:v3+s31+$0x660 ss:$0x1] =	vst.idx.msk $0xffff, v11;
	v15 =	vmul.f32 $3.200000000e+01, v15;
	v13 =	vld.idx.msk [tilespmem:v3+s0+$0x1E10 ss:$0x1], $0xffff  }
0x183: {  	v16 =	vmul.f32 $3.200000000e+01, v16;
	v42 =	vld.idx.msk [tilespmem:v3+s0+$0x210 ss:$0x1], $0xffff;
	[tilespmem:v3+s0+$0x600 ss:$0x1] =	vst.idx.msk $0xffff, v41  }
0x184: {  	v17 =	vmul.f32 $3.200000000e+01, v17;
	v12 =	vld.idx.msk [tilespmem:v3+s0+$0x610 ss:$0x1], $0xffff;
	[tilespmem:v3+s0+$0xA00 ss:$0x1] =	vst.idx.msk $0xffff, v15  }
0x185: {  	v18 =	vmul.f32 $3.200000000e+01, v18;
	v15 =	vld.idx.msk [tilespmem:v3+s0+$0xA10 ss:$0x1], $0xffff;
	[tilespmem:v3+s0+$0xE00 ss:$0x1] =	vst.idx.msk $0xffff, v16  }
0x186: {  	v19 =	vmul.f32 $3.200000000e+01, v19;
	v16 =	vld.idx.msk [tilespmem:v3+s0+$0xE10 ss:$0x1], $0xffff;
	[tilespmem:v3+s0+$0x1200 ss:$0x1] =	vst.idx.msk $0xffff, v17  }
0x187: {  	v17 =	vld.idx.msk [tilespmem:v3+s0+$0x1210 ss:$0x1], $0xffff;
	[tilespmem:v3+s0+$0x1600 ss:$0x1] =	vst.idx.msk $0xffff, v18;
	v13 =	vmul.f32 $3.200000000e+01, v13  }
0x188: {  	v18 =	vld.idx.msk [tilespmem:v3+s0+$0x1610 ss:$0x1], $0xffff;
	[tilespmem:v3+s0+$0x1A00 ss:$0x1] =	vst.idx.msk $0xffff, v19;
	v14 =	vmul.f32 $3.200000000e+01, v42  }
0x189: {  	v9 =	vmul.f32 $3.200000000e+01, v9;
	v19 =	vld.idx.msk [tilespmem:v3+s0+$0x1A10 ss:$0x1], $0xffff;
	[tilespmem:v3+s0+$0x1E10 ss:$0x1] =	vst.idx.msk $0xffff, v13  }
0x18a: {  	v12 =	vmul.f32 $3.200000000e+01, v12;
	[tilespmem:v3+s0+$0x210 ss:$0x1] =	vst.idx.msk $0xffff, v14  }
0x18b: {  	[tilespmem:v3+s31+$0xA60 ss:$0x1] =	vst.idx.msk $0xffff, v9;
	v15 =	vmul.f32 $3.200000000e+01, v15;
	v13 =	vld.idx.msk [tilespmem:v3+s0+$0x1E20 ss:$0x1], $0xffff  }
0x18c: {  	v16 =	vmul.f32 $3.200000000e+01, v16;
	v14 =	vld.idx.msk [tilespmem:v3+s0+$0x220 ss:$0x1], $0xffff;
	[tilespmem:v3+s0+$0x610 ss:$0x1] =	vst.idx.msk $0xffff, v12  }
0x18d: {  	v17 =	vmul.f32 $3.200000000e+01, v17;
	v12 =	vld.idx.msk [tilespmem:v3+s0+$0x620 ss:$0x1], $0xffff;
	[tilespmem:v3+s0+$0xA10 ss:$0x1] =	vst.idx.msk $0xffff, v15  }
0x18e: {  	v18 =	vmul.f32 $3.200000000e+01, v18;
	v15 =	vld.idx.msk [tilespmem:v3+s0+$0xA20 ss:$0x1], $0xffff;
	[tilespmem:v3+s0+$0xE10 ss:$0x1] =	vst.idx.msk $0xffff, v16  }
0x18f: {  	v19 =	vmul.f32 $3.200000000e+01, v19;
	v16 =	vld.idx.msk [tilespmem:v3+s0+$0xE20 ss:$0x1], $0xffff;
	[tilespmem:v3+s0+$0x1210 ss:$0x1] =	vst.idx.msk $0xffff, v17  }
0x190: {  	v17 =	vld.idx.msk [tilespmem:v3+s0+$0x1220 ss:$0x1], $0xffff;
	[tilespmem:v3+s0+$0x1610 ss:$0x1] =	vst.idx.msk $0xffff, v18;
	v13 =	vmul.f32 $3.200000000e+01, v13  }
0x191: {  	v18 =	vld.idx.msk [tilespmem:v3+s0+$0x1620 ss:$0x1], $0xffff;
	[tilespmem:v3+s0+$0x1A10 ss:$0x1] =	vst.idx.msk $0xffff, v19;
	v14 =	vmul.f32 $3.200000000e+01, v14  }
0x192: {  	v8 =	vmul.f32 $3.200000000e+01, v8;
	v19 =	vld.idx.msk [tilespmem:v3+s0+$0x1A20 ss:$0x1], $0xffff;
	[tilespmem:v3+s0+$0x1E20 ss:$0x1] =	vst.idx.msk $0xffff, v13  }
0x193: {  	v12 =	vmul.f32 $3.200000000e+01, v12;
	[tilespmem:v3+s0+$0x220 ss:$0x1] =	vst.idx.msk $0xffff, v14  }
0x194: {  	[tilespmem:v3+s31+$0xE60 ss:$0x1] =	vst.idx.msk $0xffff, v8;
	v15 =	vmul.f32 $3.200000000e+01, v15;
	v13 =	vld.idx.msk [tilespmem:v3+s0+$0x1E30 ss:$0x1], $0xffff  }
0x195: {  	v16 =	vmul.f32 $3.200000000e+01, v16;
	v14 =	vld.idx.msk [tilespmem:v3+s0+$0x230 ss:$0x1], $0xffff;
	[tilespmem:v3+s0+$0x620 ss:$0x1] =	vst.idx.msk $0xffff, v12  }
0x196: {  	v17 =	vmul.f32 $3.200000000e+01, v17;
	v12 =	vld.idx.msk [tilespmem:v3+s0+$0x630 ss:$0x1], $0xffff;
	[tilespmem:v3+s0+$0xA20 ss:$0x1] =	vst.idx.msk $0xffff, v15  }
0x197: {  	v18 =	vmul.f32 $3.200000000e+01, v18;
	v15 =	vld.idx.msk [tilespmem:v3+s0+$0xA30 ss:$0x1], $0xffff;
	[tilespmem:v3+s0+$0xE20 ss:$0x1] =	vst.idx.msk $0xffff, v16  }
0x198: {  	v19 =	vmul.f32 $3.200000000e+01, v19;
	v16 =	vld.idx.msk [tilespmem:v3+s0+$0xE30 ss:$0x1], $0xffff;
	[tilespmem:v3+s0+$0x1220 ss:$0x1] =	vst.idx.msk $0xffff, v17  }
0x199: {  	v17 =	vld.idx.msk [tilespmem:v3+s0+$0x1230 ss:$0x1], $0xffff;
	[tilespmem:v3+s0+$0x1620 ss:$0x1] =	vst.idx.msk $0xffff, v18;
	v13 =	vmul.f32 $3.200000000e+01, v13  }
0x19a: {  	v18 =	vld.idx.msk [tilespmem:v3+s0+$0x1630 ss:$0x1], $0xffff;
	[tilespmem:v3+s0+$0x1A20 ss:$0x1] =	vst.idx.msk $0xffff, v19;
	v14 =	vmul.f32 $3.200000000e+01, v14  }
0x19b: {  	v7 =	vmul.f32 $3.200000000e+01, v7;
	v19 =	vld.idx.msk [tilespmem:v3+s0+$0x1A30 ss:$0x1], $0xffff;
	[tilespmem:v3+s0+$0x1E30 ss:$0x1] =	vst.idx.msk $0xffff, v13  }
0x19c: {  	v12 =	vmul.f32 $3.200000000e+01, v12;
	[tilespmem:v3+s0+$0x230 ss:$0x1] =	vst.idx.msk $0xffff, v14  }
0x19d: {  	[tilespmem:v3+s31+$0x1260 ss:$0x1] =	vst.idx.msk $0xffff, v7;
	v15 =	vmul.f32 $3.200000000e+01, v15;
	v13 =	vld.idx.msk [tilespmem:v3+s0+$0x1E40 ss:$0x1], $0xffff  }
0x19e: {  	v16 =	vmul.f32 $3.200000000e+01, v16;
	v14 =	vld.idx.msk [tilespmem:v3+s0+$0x240 ss:$0x1], $0xffff;
	[tilespmem:v3+s0+$0x630 ss:$0x1] =	vst.idx.msk $0xffff, v12  }
0x19f: {  	v17 =	vmul.f32 $3.200000000e+01, v17;
	v12 =	vld.idx.msk [tilespmem:v3+s0+$0x640 ss:$0x1], $0xffff;
	[tilespmem:v3+s0+$0xA30 ss:$0x1] =	vst.idx.msk $0xffff, v15  }
0x1a0: {  	v18 =	vmul.f32 $3.200000000e+01, v18;
	v15 =	vld.idx.msk [tilespmem:v3+s0+$0xA40 ss:$0x1], $0xffff;
	[tilespmem:v3+s0+$0xE30 ss:$0x1] =	vst.idx.msk $0xffff, v16  }
0x1a1: {  	v19 =	vmul.f32 $3.200000000e+01, v19;
	v16 =	vld.idx.msk [tilespmem:v3+s0+$0xE40 ss:$0x1], $0xffff;
	[tilespmem:v3+s0+$0x1230 ss:$0x1] =	vst.idx.msk $0xffff, v17  }
0x1a2: {  	v17 =	vld.idx.msk [tilespmem:v3+s0+$0x1240 ss:$0x1], $0xffff;
	[tilespmem:v3+s0+$0x1630 ss:$0x1] =	vst.idx.msk $0xffff, v18;
	v13 =	vmul.f32 $3.200000000e+01, v13  }
0x1a3: {  	v18 =	vld.idx.msk [tilespmem:v3+s0+$0x1640 ss:$0x1], $0xffff;
	[tilespmem:v3+s0+$0x1A30 ss:$0x1] =	vst.idx.msk $0xffff, v19;
	v14 =	vmul.f32 $3.200000000e+01, v14  }
0x1a4: {  	v5 =	vmul.f32 $3.200000000e+01, v5;
	v19 =	vld.idx.msk [tilespmem:v3+s0+$0x1A40 ss:$0x1], $0xffff;
	[tilespmem:v3+s0+$0x1E40 ss:$0x1] =	vst.idx.msk $0xffff, v13  }
0x1a5: {  	v12 =	vmul.f32 $3.200000000e+01, v12;
	[tilespmem:v3+s0+$0x240 ss:$0x1] =	vst.idx.msk $0xffff, v14  }
0x1a6: {  	[tilespmem:v3+s31+$0x1660 ss:$0x1] =	vst.idx.msk $0xffff, v5;
	v15 =	vmul.f32 $3.200000000e+01, v15;
	v13 =	vld.idx.msk [tilespmem:v3+s0+$0x1E50 ss:$0x1], $0xffff  }
0x1a7: {  	v16 =	vmul.f32 $3.200000000e+01, v16;
	v14 =	vld.idx.msk [tilespmem:v3+s0+$0x250 ss:$0x1], $0xffff;
	[tilespmem:v3+s0+$0x640 ss:$0x1] =	vst.idx.msk $0xffff, v12  }
0x1a8: {  	v17 =	vmul.f32 $3.200000000e+01, v17;
	v12 =	vld.idx.msk [tilespmem:v3+s0+$0x650 ss:$0x1], $0xffff;
	[tilespmem:v3+s0+$0xA40 ss:$0x1] =	vst.idx.msk $0xffff, v15  }
0x1a9: {  	v18 =	vmul.f32 $3.200000000e+01, v18;
	v15 =	vld.idx.msk [tilespmem:v3+s0+$0xA50 ss:$0x1], $0xffff;
	[tilespmem:v3+s0+$0xE40 ss:$0x1] =	vst.idx.msk $0xffff, v16  }
0x1aa: {  	v19 =	vmul.f32 $3.200000000e+01, v19;
	v16 =	vld.idx.msk [tilespmem:v3+s0+$0xE50 ss:$0x1], $0xffff;
	[tilespmem:v3+s0+$0x1240 ss:$0x1] =	vst.idx.msk $0xffff, v17  }
0x1ab: {  	v17 =	vld.idx.msk [tilespmem:v3+s0+$0x1250 ss:$0x1], $0xffff;
	[tilespmem:v3+s0+$0x1640 ss:$0x1] =	vst.idx.msk $0xffff, v18;
	v13 =	vmul.f32 $3.200000000e+01, v13  }
0x1ac: {  	v18 =	vld.idx.msk [tilespmem:v3+s0+$0x1650 ss:$0x1], $0xffff;
	[tilespmem:v3+s0+$0x1A40 ss:$0x1] =	vst.idx.msk $0xffff, v19;
	v14 =	vmul.f32 $3.200000000e+01, v14  }
0x1ad: {  	v6 =	vmul.f32 $3.200000000e+01, v6;
	v19 =	vld.idx.msk [tilespmem:v3+s0+$0x1A50 ss:$0x1], $0xffff;
	[tilespmem:v3+s0+$0x1E50 ss:$0x1] =	vst.idx.msk $0xffff, v13  }
0x1ae: {  	v12 =	vmul.f32 $3.200000000e+01, v12;
	[tilespmem:v3+s0+$0x250 ss:$0x1] =	vst.idx.msk $0xffff, v14  }
0x1af: {  	[tilespmem:v3+s31+$0x1A60 ss:$0x1] =	vst.idx.msk $0xffff, v6;
	v45 =	vmul.f32 $3.200000000e+01, v15;
	v13 =	vld.idx.msk [tilespmem:v3+s0+$0x1E60 ss:$0x1], $0xffff  }
0x1b0: {  	v47 =	vmul.f32 $3.200000000e+01, v16;
	v43 =	vld.idx.msk [tilespmem:v3+s0+$0x260 ss:$0x1], $0xffff;
	[tilespmem:v3+s0+$0x650 ss:$0x1] =	vst.idx.msk $0xffff, v12  }
0x1b1: {  	v49 =	vmul.f32 $3.200000000e+01, v17;
	v46 =	vld.idx.msk [tilespmem:v3+s0+$0x660 ss:$0x1], $0xffff;
	[tilespmem:v3+s0+$0xA50 ss:$0x1] =	vst.idx.msk $0xffff, v45  }
0x1b2: {  	v51 =	vmul.f32 $3.200000000e+01, v18;
	v48 =	vld.idx.msk [tilespmem:v3+s0+$0xA60 ss:$0x1], $0xffff;
	[tilespmem:v3+s0+$0xE50 ss:$0x1] =	vst.idx.msk $0xffff, v47  }
0x1b3: {  	v53 =	vmul.f32 $3.200000000e+01, v19;
	v50 =	vld.idx.msk [tilespmem:v3+s0+$0xE60 ss:$0x1], $0xffff;
	[tilespmem:v3+s0+$0x1250 ss:$0x1] =	vst.idx.msk $0xffff, v49  }
0x1b4: {  	v52 =	vld.idx.msk [tilespmem:v3+s0+$0x1260 ss:$0x1], $0xffff;
	[tilespmem:v3+s0+$0x1650 ss:$0x1] =	vst.idx.msk $0xffff, v51;
	v13 =	vmul.f32 $3.200000000e+01, v13  }
0x1b5: {  	v54 =	vld.idx.msk [tilespmem:v3+s0+$0x1660 ss:$0x1], $0xffff;
	[tilespmem:v3+s0+$0x1A50 ss:$0x1] =	vst.idx.msk $0xffff, v53;
	v55 =	vmul.f32 $3.200000000e+01, v43  }
0x1b6: {  	v12 =	vmul.f32 $3.200000000e+01, v44;
	v56 =	vld.idx.msk [tilespmem:v3+s0+$0x1A60 ss:$0x1], $0xffff;
	[tilespmem:v3+s0+$0x1E60 ss:$0x1] =	vst.idx.msk $0xffff, v13  }
0x1b7: {  	v11 =	vmul.f32 $3.200000000e+01, v46;
	[tilespmem:v3+s0+$0x260 ss:$0x1] =	vst.idx.msk $0xffff, v55  }
0x1b8: {  	[tilespmem:v3+s31+$0x1E70 ss:$0x1] =	vst.idx.msk $0xffff, v12;
	v57 =	vmul.f32 $3.200000000e+01, v48;
	v58 =	vld.idx.msk [tilespmem:v3+s0+$0x1E70 ss:$0x1], $0xffff  }
0x1b9: {  	v8 =	vmul.f32 $3.200000000e+01, v50;
	[tilespmem:v3+s0+$0x660 ss:$0x1] =	vst.idx.msk $0xffff, v11  }
0x1ba: {  	v59 =	vmul.f32 $3.200000000e+01, v52;
	[tilespmem:v3+s0+$0xA60 ss:$0x1] =	vst.idx.msk $0xffff, v57  }
0x1bb: {  	v5 =	vmul.f32 $3.200000000e+01, v54;
	[tilespmem:v3+s0+$0xE60 ss:$0x1] =	vst.idx.msk $0xffff, v8  }
0x1bc: {  	v60 =	vmul.f32 $3.200000000e+01, v56;
	[tilespmem:v3+s0+$0x1260 ss:$0x1] =	vst.idx.msk $0xffff, v59  }
0x1bd: {  	[tilespmem:v3+s0+$0x1660 ss:$0x1] =	vst.idx.msk $0xffff, v5;
	v61 =	vmul.f32 $3.200000000e+01, v58  }
0x1be: {  	[tilespmem:v3+s0+$0x1A60 ss:$0x1] =	vst.idx.msk $0xffff, v60  }
0x1bf: {  	v62 =	vld.idx.msk [tilespmem:v3+s31+$0x270 ss:$0x1], $0xffff;
	[tilespmem:v3+s0+$0x1E70 ss:$0x1] =	vst.idx.msk $0xffff, v61  }
0x1c0: {  	v5 =	vld.idx.msk [tilespmem:v3+s0+$0x270 ss:$0x1], $0xffff;
	_ =	sdelay $0x3  }
0x1c1: {  	v6 =	vmul.f32 $3.200000000e+01, v62  }
0x1c2: {  	v5 =	vmul.f32 $3.200000000e+01, v5  }
0x1c3: {  	[tilespmem:v3+s31+$0x270 ss:$0x1] =	vst.idx.msk $0xffff, v6  }
0x1c4: {  	v6 =	vld.idx.msk [tilespmem:v3+s31+$0x670 ss:$0x1], $0xffff;
	[tilespmem:v3+s0+$0x270 ss:$0x1] =	vst.idx.msk $0xffff, v5  }
0x1c5: {  	v5 =	vld.idx.msk [tilespmem:v3+s0+$0x670 ss:$0x1], $0xffff;
	_ =	sdelay $0x3  }
0x1c6: {  	v6 =	vmul.f32 $3.200000000e+01, v6  }
0x1c7: {  	v5 =	vmul.f32 $3.200000000e+01, v5  }
0x1c8: {  	[tilespmem:v3+s31+$0x670 ss:$0x1] =	vst.idx.msk $0xffff, v6  }
0x1c9: {  	v6 =	vld.idx.msk [tilespmem:v3+s31+$0xA70 ss:$0x1], $0xffff;
	[tilespmem:v3+s0+$0x670 ss:$0x1] =	vst.idx.msk $0xffff, v5  }
0x1ca: {  	v5 =	vld.idx.msk [tilespmem:v3+s0+$0xA70 ss:$0x1], $0xffff;
	_ =	sdelay $0x3  }
0x1cb: {  	v6 =	vmul.f32 $3.200000000e+01, v6  }
0x1cc: {  	v5 =	vmul.f32 $3.200000000e+01, v5  }
0x1cd: {  	[tilespmem:v3+s31+$0xA70 ss:$0x1] =	vst.idx.msk $0xffff, v6  }
0x1ce: {  	v6 =	vld.idx.msk [tilespmem:v3+s31+$0xE70 ss:$0x1], $0xffff;
	[tilespmem:v3+s0+$0xA70 ss:$0x1] =	vst.idx.msk $0xffff, v5  }
0x1cf: {  	v5 =	vld.idx.msk [tilespmem:v3+s0+$0xE70 ss:$0x1], $0xffff;
	_ =	sdelay $0x3  }
0x1d0: {  	v6 =	vmul.f32 $3.200000000e+01, v6  }
0x1d1: {  	v5 =	vmul.f32 $3.200000000e+01, v5  }
0x1d2: {  	[tilespmem:v3+s31+$0xE70 ss:$0x1] =	vst.idx.msk $0xffff, v6  }
0x1d3: {  	v6 =	vld.idx.msk [tilespmem:v3+s31+$0x1270 ss:$0x1], $0xffff;
	[tilespmem:v3+s0+$0xE70 ss:$0x1] =	vst.idx.msk $0xffff, v5  }
0x1d4: {  	v5 =	vld.idx.msk [tilespmem:v3+s0+$0x1270 ss:$0x1], $0xffff;
	_ =	sdelay $0x3  }
0x1d5: {  	v6 =	vmul.f32 $3.200000000e+01, v6  }
0x1d6: {  	v5 =	vmul.f32 $3.200000000e+01, v5  }
0x1d7: {  	[tilespmem:v3+s31+$0x1270 ss:$0x1] =	vst.idx.msk $0xffff, v6  }
0x1d8: {  	v6 =	vld.idx.msk [tilespmem:v3+s31+$0x1670 ss:$0x1], $0xffff;
	[tilespmem:v3+s0+$0x1270 ss:$0x1] =	vst.idx.msk $0xffff, v5  }
0x1d9: {  	v5 =	vld.idx.msk [tilespmem:v3+s0+$0x1670 ss:$0x1], $0xffff;
	_ =	sdelay $0x2  }
0x1da: {  	s2 =	sadd.s32 $0x6, s26;
	p0 =	sgt.u32 s26, $0x19  }
0x1db: {  	s10 =	smul.u32 @!p0 $0x25, s2;
	v6 =	vmul.f32 $3.200000000e+01, v6  }
0x1dc: {  	v5 =	vmul.f32 $3.200000000e+01, v5  }
0x1dd: {  	s10 =	sshrl.u32 @!p0 s10, $0x8;
	[tilespmem:v3+s31+$0x1670 ss:$0x1] =	vst.idx.msk $0xffff, v6  }
0x1de: {  	s13 =	ssub.s32 @!p0 s2, s10;
	v6 =	vld.idx.msk [tilespmem:v3+s31+$0x1A70 ss:$0x1], $0xffff;
	[tilespmem:v3+s0+$0x1670 ss:$0x1] =	vst.idx.msk $0xffff, v5  }
0x1df: {  	s13 =	sand.u32 @!p0 $0xFE, s13;
	v5 =	vld.idx.msk [tilespmem:v3+s0+$0x1A70 ss:$0x1], $0xffff  }
0x1e0: {  	s13 =	sshrl.u32 @!p0 s13, $0x1  }
0x1e1: {  	s10 =	sadd.s32 @!p0 s10, s13  }
0x1e2: {  	v4 =	vmul.f32 $3.200000000e+01, v4;
	s10 =	sand.u32 @!p0 $0xFC, s10  }
0x1e3: {  	s10 =	sshrl.u32 @!p0 s10, $0x2;
	v6 =	vmul.f32 $3.200000000e+01, v6  }
0x1e4: {  	[tilespmem:v3+s30+$0x1A70 ss:$0x1] =	vst.idx.msk $0xffff, v4;
	s10 =	smul.u32 @!p0 $0x7, s10;
	v63 =	vmul.f32 $3.200000000e+01, v5  }
0x1e5: {  	p1 =	seq.s32 @!p0 s26, $0x0;
	s30 =	sadd.s32 $0x8, s28;
	[tilespmem:v3+s31+$0x1A70 ss:$0x1] =	vst.idx.msk $0xffff, v6;
	s31 =	sshll.u32 s26, $0xB  }
0x1e6: {  	s13 =	sadd.s32 $0x200, s29;
	s31 =	sadd.s32 s31, s8;
	[tilespmem:v3+s0+$0x1A70 ss:$0x1] =	vst.idx.msk $0xffff, v63;
	s0 =	ssub.s32 @!p0 s2, s10  }
0x1e7: {  	[hbm4b:s31+s3] =	stream.linear.scatter [tilespmem:s13], [sflag:s30], $0x4000, $0x38;
	[tilespmem:$0x1C200] =	vst v63  }
0x1e8: {  	p1 =	por p1, p0;
	s0 =	sand.u32 @!p0 $0xFF, s0  }
0x1e9: {  	s10 =	sadd.s32 @!p1 $0x8, s0  }
0x1ea: {  	_ =	swait.ge @!p1 [sflag:s10], $0x4000  }
0x1eb: {  	s2 =	sshll.u32 @!p0 s2, $0x4;
	[sflag:s10] =	ssyncset.done @!p1 $0x0  }
0x1ec: {  	s2 =	sand.u32 @!p0 $0x3FFFFFF0, s2;
	[sflag:s10] =	ssyncadd.s32 @!p1 $0xFFFFC000  }
0x1ed: {  	v3 =	vld @!p0 [tilespmem:s2+$0x0];
	_ =	sdelay $0x4  }
0x1ee: {  	v4 =	vshll.u32 @!p0 v3, $0x3  }
0x1ef: {  	v5 =	vlaneseq.u32 @!p0;
	v3 =	vand.u32 @!p0 $0x7, v3;
	v4 =	vand.u32 @!p0 $0xFFFFFFC0, v4  }
0x1f0: {  	v6 =	vshrl.u32 @!p0 v5, $0x3;
	v3 =	vor.u32 @!p0 v3, v4;
	v4 =	vand.u32 @!p0 $0x7, v5  }
0x1f1: {  	v6 =	vmul.u32 @!p0 $0x8, v6;
	v4 =	vperm.xlane @!p0 v3, v4;
	_ =	sdelay $0x1  }
0x1f2: {  	v4 =	vadd.s32 @!p0 v6, v4;
	_ =	sdelay $0x2  }
0x1f3: {  	s2 =	sshll.u32 @!p0 s0, $0xE  }
0x1f4: {  	vm1 =	vmmov @!p0 $0xffff;
	s13 =	simm.s32 @!p0 $0x0;
	s0 =	sadd.s32 @!p0 $0x1, s0;
	s10 =	sor.u32 @!p0 $0x200, s2  }
0x1f5: {  	v5 =	vor.u32 @!p0 $0x8, v5;
	[tilespmem:s10], [sflag:s0] =	stream.indirect_vreg.gather @!p0 [hbm4b:s1+s13], $0x80, v4, vm1, $0xb8;
	[tilespmem:$0x1C200] =	vst v63  }
0x1f6: {  	v3 =	vperm.xlane @!p0 v3, v5;
	s10 =	sor.u32 @!p0 $0xA00, s2  }
0x1f7: {  	[tilespmem:s10], [sflag:s0] =	stream.indirect_vreg.gather @!p0 [hbm4b:s5+s13], $0x80, v4, vm1, $0xb8;
	[tilespmem:$0x1C200] =	vst v63  }
0x1f8: {  	v3 =	vadd.s32 @!p0 v6, v3;
	s10 =	sor.u32 @!p0 $0x1200, s2  }
0x1f9: {  	[tilespmem:s10], [sflag:s0] =	stream.indirect_vreg.gather @!p0 [hbm4b:s6+s13], $0x80, v4, vm1, $0xb8;
	[tilespmem:$0x1C200] =	vst v63  }
0x1fa: {  	s10 =	sor.u32 @!p0 $0x1A00, s2  }
0x1fb: {  	[tilespmem:s10], [sflag:s0] =	stream.indirect_vreg.gather @!p0 [hbm4b:s7+s13], $0x80, v4, vm1, $0xb8;
	[tilespmem:$0x1C200] =	vst v63  }
0x1fc: {  	s10 =	sor.u32 @!p0 $0x2200, s2  }
0x1fd: {  	[tilespmem:s10], [sflag:s0] =	stream.indirect_vreg.gather @!p0 [hbm4b:s1+s13], $0x80, v3, vm1, $0xb8;
	[tilespmem:$0x1C200] =	vst v63  }
0x1fe: {  	s10 =	sor.u32 @!p0 $0x2A00, s2  }
0x1ff: {  	[tilespmem:s10], [sflag:s0] =	stream.indirect_vreg.gather @!p0 [hbm4b:s5+s13], $0x80, v3, vm1, $0xb8;
	[tilespmem:$0x1C200] =	vst v63  }
0x200: {  	s10 =	sor.u32 @!p0 $0x3200, s2  }
0x201: {  	[tilespmem:s10], [sflag:s0] =	stream.indirect_vreg.gather @!p0 [hbm4b:s6+s13], $0x80, v3, vm1, $0xb8;
	[tilespmem:$0x1C200] =	vst v63  }
0x202: {  	s26 =	sadd.s32 $0x1, s26;
	s2 =	sor.u32 @!p0 $0x3A00, s2  }
0x203: {  	[tilespmem:s2], [sflag:s0] =	stream.indirect_vreg.gather @!p0 [hbm4b:s7+s13], $0x80, v3, vm1, $0xb8;
	[tilespmem:$0x1C200] =	vst v63  }
0x204: {  	p0 =	sne.s32 s26, $0x20  }
.Ltmp1:
0x205: {  	_ = 	snop;
	(pc) =	sbr.rel @p0 .LBB2_2-.Ltmp1, $1  }
0x206: {  	_ =	sdelay $0x3  }
0x207: {  	_ =	swait.ge [sflag:s18], $0x4000  }
0x208: {  	[sflag:s18] =	ssyncset.done $0x0  }
0x209: {  	[sflag:s18] =	ssyncadd.s32 $0xFFFFC000  }
0x20a: {  	_ =	swait.ge [sflag:s19], $0x4000  }
0x20b: {  	[sflag:s19] =	ssyncset.done $0x0  }
0x20c: {  	[sflag:s19] =	ssyncadd.s32 $0xFFFFC000  }
0x20d: {  	_ =	swait.ge [sflag:s20], $0x4000  }
0x20e: {  	[sflag:s20] =	ssyncset.done $0x0  }
0x20f: {  	[sflag:s20] =	ssyncadd.s32 $0xFFFFC000  }
0x210: {  	_ =	swait.ge [sflag:s21], $0x4000  }
0x211: {  	[sflag:s21] =	ssyncset.done $0x0  }
0x212: {  	[sflag:s21] =	ssyncadd.s32 $0xFFFFC000  }
0x213: {  	_ =	swait.ge [sflag:s22], $0x4000  }
0x214: {  	[sflag:s22] =	ssyncset.done $0x0  }
0x215: {  	s25 =	sadd.s32 $0x1, s25;
	[sflag:s22] =	ssyncadd.s32 $0xFFFFC000  }
0x216: {  	p0 =	sne.s32 s25, s9;
	_ =	swait.ge [sflag:s23], $0x4000  }
.Ltmp2:
0x217: {  	[sflag:s23] =	ssyncset.done $0x0;
	(pc) =	sbr.rel @p0 .LBB2_1-.Ltmp2, $4  }
0x218: {  	[sflag:s23] =	ssyncadd.s32 $0xFFFFC000  }
0x219: {  	_ =	swait.ge [sflag:s24], $0x4000  }
0x21a: {  	[sflag:s24] =	ssyncset.done $0x0  }
0x21b: {  	[sflag:s24] =	ssyncadd.s32 $0xFFFFC000  }
0x21c: {  	_ =	sfence.sel $0x180000  }
0x21d: {  	[bflag:$0x0] =	sbarrier.arrive $0xFFFF  }
0x21e: {  	_ =	strace $0x90000047  }
0x21f: {  	s0 =	stileid.u32;
	[bflag:$0x2] =	sbarrier.arrive $0xFFFF  }
0x220: {  	p0 =	sne.s32 s0, $0x0;
	s0 =	rddreg [dreg:$0x3]  }
0x221: {  	s0 =	sadd.s32 @!p0 $0x100000, s0  }
0x222: {  	[sflag:s0] =	ssyncadd.tile.s32 @!p0 $0x1;
	_ =	shalt  }
.Lfunc_end2:
_tile_overlayer_lowered:
.L_overlay_start_2:
0x223: {  	(tag) =	ssettag $0x2  }
0x224: {  	s0 =	rddreg [dreg:$0x0];
	s2 =	stileid.u32  }
0x225: {  	s1 =	rddreg [dreg:$0x1];
	p0 =	sne.s32 s2, $0x0  }
0x226: {  	s3 =	rddreg [dreg:$0x2];
	[bflag:$0x3] =	sbarrier.arrive $0xFFFF;
	s2 =	simm.s32 @!p0 $0x1C0F  }
0x227: {  	[timem:s3], [sflag:s2] =	dma.local @!p0 [hbm:s0], s1  }
0x228: {  	s0 =	simm.s32 @!p0 $0xF  }
0x229: {  	_ =	swait.ge @!p0 [sflag:s0], s1  }
0x22a: {  	s1 =	ssub.s32 @!p0 $0x0, s1;
	[sflag:s0] =	ssyncset.done @!p0 $0x0  }
0x22b: {  	[sflag:s0] =	ssyncadd.s32 @!p0 s1  }
0x22c: {  	[bflag:$0x3] =	sbarrier.arrive $0xFFFF  }
0x22d: {  	_ =	shalt  }

</sc_bundles>
